<compile_context>
chip_gen: v7x
topology: tpu7x:2x2x1
jax: 0.10.2.dev20260603
libtpu: 0.0.44.dev20260713+nightly
codegen_flags: <defaults>
</compile_context>

<pallas_src>
import jax
import jax.numpy as jnp
from jax.experimental import pallas as pl
from jax.experimental.pallas import tpu as pltpu

D = 128
H = 8
DK = 16
FF = 512
LE = 3
LD = 3
KE = 100
KS = 100
NTOK = 1 + KS + KE + KE
NDEC = 1 + KS + KE


def _topk_min_idx(vals, k, length):
    iota = jax.lax.broadcasted_iota(jnp.int32, (1, length), 1)
    iotak = jax.lax.broadcasted_iota(jnp.int32, (1, k), 1)

    def body(i, carry):
        v, idxs = carry
        m = jnp.min(v)
        idx = jnp.min(jnp.where(v == m, iota, length))
        v = jnp.where(iota == idx, jnp.float32(jnp.inf), v)
        idxs = jnp.where(iotak == i, idx, idxs)
        return v, idxs

    _, idxs = jax.lax.fori_loop(
        0, k, body, (vals, jnp.zeros((1, k), jnp.int32)))
    return idxs


def _prep_kernel(parT_ref, unsT_ref, curT_ref, allc_ref, sidx_ref):
    parT = parT_ref[0]
    unsT = unsT_ref[0]
    curT = curT_ref[0]
    p = parT.shape[1]
    up = unsT.shape[1]

    dpar = parT - curT
    d1 = jnp.sqrt(jnp.sum(dpar * dpar, axis=0, keepdims=True))
    d2 = jnp.concatenate([d1[:, 1:], d1[:, :1]], axis=1)
    dmin = jnp.minimum(d1, d2)
    sidx = _topk_min_idx(dmin, KE, p)

    dun = unsT - curT
    d3 = jnp.sqrt(jnp.sum(dun * dun, axis=0, keepdims=True))
    sidx2 = _topk_min_idx(d3, KS, up)

    ohT = (jax.lax.broadcasted_iota(jnp.int32, (p, KE), 0)
           == sidx).astype(jnp.float32)
    left1T = jnp.dot(parT, ohT, preferred_element_type=jnp.float32)
    par2T = jnp.concatenate([parT[:, 1:], parT[:, :1]], axis=1)
    left2T = jnp.dot(par2T, ohT, preferred_element_type=jnp.float32)
    ohT2 = (jax.lax.broadcasted_iota(jnp.int32, (up, KS), 0)
            == sidx2).astype(jnp.float32)
    unskT = jnp.dot(unsT, ohT2, preferred_element_type=jnp.float32)

    allc = jnp.concatenate([curT, unskT, left1T, left2T], axis=1)
    mn = jnp.min(allc, axis=1, keepdims=True)
    mx = jnp.max(allc, axis=1, keepdims=True)
    allc = (allc - mn) / (mx - mn)

    allc_ref[0] = allc
    sidx_ref[0] = sidx


def _layer_tc(x, Wq, Wk, Wv, Wc, bc, W1, b1, W2, b2):
    q = jnp.dot(x, Wq, preferred_element_type=jnp.float32)
    k = jnp.dot(x, Wk, preferred_element_type=jnp.float32)
    v = jnp.dot(x, Wv, preferred_element_type=jnp.float32)
    outs = []
    for h in range(H):
        qh = q[:, h * DK:(h + 1) * DK]
        kh = k[:, h * DK:(h + 1) * DK]
        vh = v[:, h * DK:(h + 1) * DK]
        s = jnp.dot(qh, kh.T, preferred_element_type=jnp.float32) * 0.25
        s = s - jnp.max(s, axis=1, keepdims=True)
        e = jnp.exp(s)
        w = e / jnp.sum(e, axis=1, keepdims=True)
        outs.append(jnp.dot(w, vh, preferred_element_type=jnp.float32))
    oc = jnp.concatenate(outs, axis=1)
    o1 = x + jnp.dot(oc, Wc, preferred_element_type=jnp.float32) + bc
    h1 = jnp.maximum(jnp.dot(o1, W1, preferred_element_type=jnp.float32)
                     + b1, 0.0)
    o2 = jnp.dot(h1, W2, preferred_element_type=jnp.float32) + b2
    return o1 + o2


def _model_kernel(allc_ref, sidx_ref,
                  eW_ref, eb_ref, eWq_ref, eWk_ref, eWv_ref, eWc_ref,
                  ebc_ref, eW1_ref, eb1_ref, eW2_ref, eb2_ref,
                  dWq_ref, dWk_ref, dWv_ref, dWc_ref, dbc_ref,
                  dW1_ref, db1_ref, dW2_ref, db2_ref,
                  lW_ref, lb_ref, pW_ref, pb_ref, sW_ref, sb_ref,
                  fW_ref, fb_ref, out_ref):
    allc = allc_ref[0]
    x = jnp.dot(allc.T, eW_ref[...],
                preferred_element_type=jnp.float32) + eb_ref[...]
    for i in range(LE):
        x = _layer_tc(x, eWq_ref[i], eWk_ref[i], eWv_ref[i], eWc_ref[i],
                      ebc_ref[i], eW1_ref[i], eb1_ref[i], eW2_ref[i],
                      eb2_ref[i])
    enc_cur = x[0:1]
    enc_uns = x[1:1 + KS]
    enc_p1 = x[1 + KS:1 + KS + KE]
    enc_p2 = x[1 + KS + KE:NTOK]
    emb_last = jnp.dot(enc_cur, lW_ref[...],
                       preferred_element_type=jnp.float32) + lb_ref[...]
    emb_uns = jnp.dot(enc_uns, sW_ref[...],
                      preferred_element_type=jnp.float32) + sb_ref[...]
    left = jnp.dot(jnp.concatenate([enc_p1, enc_p2], axis=1), pW_ref[...],
                   preferred_element_type=jnp.float32) + pb_ref[...]
    out = jnp.concatenate([emb_last, emb_uns, left], axis=0)
    for i in range(LD):
        out = _layer_tc(out, dWq_ref[i], dWk_ref[i], dWv_ref[i], dWc_ref[i],
                        dbc_ref[i], dW1_ref[i], db1_ref[i], dW2_ref[i],
                        db2_ref[i])
    sl = out[1 + KS:NDEC]
    logits = (jnp.dot(sl, fW_ref[...],
                      preferred_element_type=jnp.float32) + fb_ref[...]).T
    m = jnp.max(logits)
    e = jnp.exp(logits - m)
    props = e / jnp.sum(e)

    sidx = sidx_ref[0]
    p_out = out_ref.shape[2]
    oh = (jax.lax.broadcasted_iota(jnp.int32, (KE, p_out), 1)
          == sidx.T).astype(jnp.float32)
    out_ref[0] = jnp.dot(props, oh, preferred_element_type=jnp.float32)


def kernel(data, abs_partial_solu_2, abs_scatter_solu_1_seleted,
           abs_scatter_solu_1_unseleted, enc_embed_W, enc_embed_b,
           enc_Wq, enc_Wk, enc_Wv, enc_Wc, enc_bc, enc_W1, enc_b1,
           enc_W2, enc_b2, dec_Wq, dec_Wk, dec_Wv, dec_Wc, dec_bc,
           dec_W1, dec_b1, dec_W2, dec_b2, last_W, last_b, part_W,
           part_b, scat_W, scat_b, fin_W, fin_b):
    b = data.shape[0]
    p = abs_partial_solu_2.shape[1]
    u = abs_scatter_solu_1_unseleted.shape[1]
    up = u + 1

    dataT = data.transpose(0, 2, 1)

    def gatherT(idx):
        return jnp.take_along_axis(
            dataT, jnp.broadcast_to(idx[:, None, :], (b, 2, idx.shape[1])),
            axis=2)

    parT = gatherT(abs_partial_solu_2)
    curT = gatherT(abs_scatter_solu_1_seleted)
    unsT = gatherT(abs_scatter_solu_1_unseleted)
    unsT = jnp.pad(unsT, ((0, 0), (0, 0), (0, 1)), constant_values=1e9)

    allc, sidx = pl.pallas_call(
        _prep_kernel,
        grid=(b,),
        in_specs=[
            pl.BlockSpec((1, 2, p), lambda i: (i, 0, 0)),
            pl.BlockSpec((1, 2, up), lambda i: (i, 0, 0)),
            pl.BlockSpec((1, 2, 1), lambda i: (i, 0, 0)),
        ],
        out_specs=[
            pl.BlockSpec((1, 2, NTOK), lambda i: (i, 0, 0)),
            pl.BlockSpec((1, 1, KE), lambda i: (i, 0, 0)),
        ],
        out_shape=[
            jax.ShapeDtypeStruct((b, 2, NTOK), jnp.float32),
            jax.ShapeDtypeStruct((b, 1, KE), jnp.int32),
        ],
    )(parT, unsT, curT)

    w_list = [
        enc_embed_W, enc_embed_b.reshape(1, D),
        enc_Wq, enc_Wk, enc_Wv, enc_Wc, enc_bc.reshape(LE, 1, D),
        enc_W1, enc_b1.reshape(LE, 1, FF), enc_W2, enc_b2.reshape(LE, 1, D),
        dec_Wq, dec_Wk, dec_Wv, dec_Wc, dec_bc.reshape(LD, 1, D),
        dec_W1, dec_b1.reshape(LD, 1, FF), dec_W2, dec_b2.reshape(LD, 1, D),
        last_W, last_b.reshape(1, D), part_W, part_b.reshape(1, D),
        scat_W, scat_b.reshape(1, D), fin_W, fin_b.reshape(1, 1),
    ]

    def const_spec(w):
        nd = w.ndim
        return pl.BlockSpec(w.shape, lambda i, _nd=nd: (0,) * _nd)

    out = pl.pallas_call(
        _model_kernel,
        grid=(b,),
        in_specs=[
            pl.BlockSpec((1, 2, NTOK), lambda i: (i, 0, 0)),
            pl.BlockSpec((1, 1, KE), lambda i: (i, 0, 0)),
        ] + [const_spec(w) for w in w_list],
        out_specs=pl.BlockSpec((1, 1, p), lambda i: (i, 0, 0)),
        out_shape=jax.ShapeDtypeStruct((b, 1, p), jnp.float32),
    )(allc, sidx, *w_list)

    return out.reshape(b, p)

# --- scband reference (transcript-rebuilt; emitter-appended) ---
"""Pipeline reference for scband-tspmodel-39487929319614 (READ-ONLY COPY).

The authoritative reference and input builder live on the scoring server;
editing this copy changes nothing except your own understanding.
"""

import jax, jax.numpy as jnp
import numpy as np

B=128; N=20000; P=10000; U=9999; D=128; H=8; DK=16; FF=512; LE=3; LD=3; KE=100; KS=100

def _gather(x, idx):
    return jnp.take_along_axis(x, jnp.broadcast_to(idx[:, :, None], idx.shape + (x.shape[2],)), axis=1)

def _heads(x):
    b, n, _ = x.shape
    return x.reshape(b, n, H, DK).transpose(0, 2, 1, 3)

def _mha(q, k, v):
    b, _, n, _ = q.shape
    score = jnp.matmul(q, k.transpose(0, 1, 3, 2)) / jnp.sqrt(jnp.float32(DK))
    w = jax.nn.softmax(score, axis=3)
    out = jnp.matmul(w, v)
    return out.transpose(0, 2, 1, 3).reshape(b, n, H * DK)

def _layer(x, Wq, Wk, Wv, Wc, bc, W1, b1, W2, b2):
    oc = _mha(_heads(x @ Wq), _heads(x @ Wk), _heads(x @ Wv))
    o1 = x + (oc @ Wc + bc)
    o2 = jax.nn.relu(o1 @ W1 + b1) @ W2 + b2
    return o1 + o2

def _forward(data, pidx, sidx, uidx, eW, eb, eWq, eWk, eWv, eWc, ebc, eW1, eb1, eW2, eb2, dWq, dWk, dWv, dWc, dbc, dW1, db1, dW2, db2, lW, lb, pW, pb, sW, sb, fW, fb):
    cur = _gather(data, sidx)
    uns = _gather(data, uidx)
    par = _gather(data, pidx)
    left1 = par
    left2 = jnp.roll(par, shift=-1, axis=1)
    d1 = jnp.linalg.norm(par - cur, axis=2)
    d2 = jnp.roll(d1, shift=-1, axis=1)
    dmin = jnp.minimum(d1, d2)
    _, sort_index = jax.lax.top_k(-dmin, KE)
    left1 = jax.lax.stop_gradient(_gather(left1, sort_index))
    left2 = jax.lax.stop_gradient(_gather(left2, sort_index))
    d3 = jnp.linalg.norm(uns - cur, axis=2)
    _, sort_index2 = jax.lax.top_k(-d3, KS)
    uns_k = jax.lax.stop_gradient(_gather(uns, sort_index2))
    all_c = jnp.concatenate((cur, uns_k, left1, left2), axis=1)
    mn = jnp.min(all_c, axis=1, keepdims=True)
    mx = jnp.max(all_c, axis=1, keepdims=True)
    all_c = (all_c - mn) / (mx - mn)
    x = all_c @ eW + eb
    for i in range(LE):
        x = _layer(x, eWq[i], eWk[i], eWv[i], eWc[i], ebc[i], eW1[i], eb1[i], eW2[i], eb2[i])
    enc_cur = x[:, :1]
    enc_uns = x[:, 1:1 + KS]
    enc_p1 = x[:, 1 + KS:1 + KS + KE]
    enc_p2 = x[:, 1 + KS + KE:]
    emb_last = enc_cur @ lW + lb
    emb_uns = enc_uns @ sW + sb
    left_enc = jnp.concatenate((enc_p1, enc_p2), axis=2) @ pW + pb
    out = jnp.concatenate((emb_last, emb_uns, left_enc), axis=1)
    for i in range(LD):
        out = _layer(out, dWq[i], dWk[i], dWv[i], dWc[i], dbc[i], dW1[i], db1[i], dW2[i], db2[i])
    out = out[:, KS + 1:]
    logits = (out @ fW + fb)[..., 0]
    props = jax.nn.softmax(logits, axis=-1)
    new_props = jnp.zeros((data.shape[0], pidx.shape[1]), dtype=props.dtype)
    new_props = new_props.at[jnp.arange(data.shape[0])[:, None], sort_index].set(props)
    return new_props

def setup_inputs(seed: int = 0):
    key = jax.random.key(seed)
    ks = jax.random.split(key, 32)
    s = 0.05
    inp = {}
    inp['data'] = jax.random.uniform(ks[0], (B, N, 2), dtype=jnp.float32)
    inp['abs_partial_solu_2'] = jax.random.randint(ks[1], (B, P), 0, N)
    inp['abs_scatter_solu_1_seleted'] = jax.random.randint(ks[2], (B, 1), 0, N)
    inp['abs_scatter_solu_1_unseleted'] = jax.random.randint(ks[3], (B, U), 0, N)
    inp['enc_embed_W'] = jax.random.normal(ks[4], (2, D), jnp.float32) * s
    inp['enc_embed_b'] = jnp.zeros((D,), jnp.float32)
    names = ['Wq', 'Wk', 'Wv', 'Wc', 'bc', 'W1', 'b1', 'W2', 'b2']
    shapes = [(D, H * DK), (D, H * DK), (D, H * DK), (H * DK, D), (D,), (D, FF), (FF,), (FF, D), (D,)]
    ki = 5
    for pref, L in (('enc_', LE), ('dec_', LD)):
        for nm, sh in zip(names, shapes):
            if nm.startswith('b'):
                inp[pref + nm] = jnp.zeros((L,) + sh, jnp.float32)
            else:
                inp[pref + nm] = jax.random.normal(ks[ki], (L,) + sh, jnp.float32) * s
                ki += 1
    inp['last_W'] = jax.random.normal(ks[ki], (D, D), jnp.float32) * s; ki += 1
    inp['last_b'] = jnp.zeros((D,), jnp.float32)
    inp['part_W'] = jax.random.normal(ks[ki], (2 * D, D), jnp.float32) * s; ki += 1
    inp['part_b'] = jnp.zeros((D,), jnp.float32)
    inp['scat_W'] = jax.random.normal(ks[ki], (D, D), jnp.float32) * s; ki += 1
    inp['scat_b'] = jnp.zeros((D,), jnp.float32)
    inp['fin_W'] = jax.random.normal(ks[ki], (D, 1), jnp.float32) * s; ki += 1
    inp['fin_b'] = jnp.zeros((1,), jnp.float32)
    return inp

def reference(data, abs_partial_solu_2, abs_scatter_solu_1_seleted, abs_scatter_solu_1_unseleted, enc_embed_W, enc_embed_b, enc_Wq, enc_Wk, enc_Wv, enc_Wc, enc_bc, enc_W1, enc_b1, enc_W2, enc_b2, dec_Wq, dec_Wk, dec_Wv, dec_Wc, dec_bc, dec_W1, dec_b1, dec_W2, dec_b2, last_W, last_b, part_W, part_b, scat_W, scat_b, fin_W, fin_b):
    return _forward(data, abs_partial_solu_2, abs_scatter_solu_1_seleted, abs_scatter_solu_1_unseleted, enc_embed_W, enc_embed_b, enc_Wq, enc_Wk, enc_Wv, enc_Wc, enc_bc, enc_W1, enc_b1, enc_W2, enc_b2, dec_Wq, dec_Wk, dec_Wv, dec_Wc, dec_bc, dec_W1, dec_b1, dec_W2, dec_b2, last_W, last_b, part_W, part_b, scat_W, scat_b, fin_W, fin_b)

if __name__ == "__main__":
    import jax
    _d = setup_inputs()
    print(jax.jit(kernel)(*tuple(_d.values())))

</pallas_src>

<mosaic_0001>
module attributes {stable_mosaic.version = 14 : i64} {
  func.func @_prep_kernel(%arg0: i32, %arg1: memref<1x2x10000xf32, #tpu.memory_space<vmem>>, %arg2: memref<1x2x10000xf32, #tpu.memory_space<vmem>>, %arg3: memref<1x2x1xf32, #tpu.memory_space<vmem>>, %arg4: memref<1x2x301xf32, #tpu.memory_space<vmem>>, %arg5: memref<1x1x100xi32, #tpu.memory_space<vmem>>) attributes {dimension_semantics = [#tpu.dimension_semantics<arbitrary>], iteration_bounds = array<i64: 128>, scalar_prefetch = 0 : i64, scratch_operands = 0 : i64, tpu.core_type = #tpu.core_type<tc>, window_params = [{transform_indices = @transform_0, window_bounds = array<i64: 1, 2, 10000>}, {transform_indices = @transform_1, window_bounds = array<i64: 1, 2, 10000>}, {transform_indices = @transform_2, window_bounds = array<i64: 1, 2, 1>}, {transform_indices = @transform_3, window_bounds = array<i64: 1, 2, 301>}, {transform_indices = @transform_4, window_bounds = array<i64: 1, 1, 100>}]} {
    %get3A = arith.constant 0 : index
    %get3A_0 = arith.constant 0 : index
    %get3A_1 = arith.constant 0 : index
    %get3A_2 = vector.load %arg1[%get3A, %get3A_0, %get3A_1] : memref<1x2x10000xf32, #tpu.memory_space<vmem>>, vector<1x2x10000xf32>
    %get3A_3 = vector.shape_cast %get3A_2 : vector<1x2x10000xf32> to vector<2x10000xf32>
    %get3A_4 = arith.constant 0 : index
    %get3A_5 = arith.constant 0 : index
    %get3A_6 = arith.constant 0 : index
    %get3A_7 = vector.load %arg2[%get3A_4, %get3A_5, %get3A_6] : memref<1x2x10000xf32, #tpu.memory_space<vmem>>, vector<1x2x10000xf32>
    %get3A_8 = vector.shape_cast %get3A_7 : vector<1x2x10000xf32> to vector<2x10000xf32>
    %get3A_9 = arith.constant 0 : index
    %get3A_10 = arith.constant 0 : index
    %get3A_11 = arith.constant 0 : index
    %get3A_12 = vector.load %arg3[%get3A_9, %get3A_10, %get3A_11] : memref<1x2x1xf32, #tpu.memory_space<vmem>>, vector<1x2x1xf32>
    %get3A_13 = vector.shape_cast %get3A_12 : vector<1x2x1xf32> to vector<2x1xf32>
    %sub3A = vector.broadcast %get3A_13 : vector<2x1xf32> to vector<2x10000xf32>
    %sub3A_14 = arith.subf %get3A_3, %sub3A : vector<2x10000xf32>
    %mul3A = arith.mulf %sub3A_14, %sub3A_14 : vector<2x10000xf32>
    %reduce_sum3A = arith.constant dense<0.000000e+00> : vector<10000xf32>
    %reduce_sum3A_15 = vector.multi_reduction <add>, %mul3A, %reduce_sum3A [0] : vector<2x10000xf32> to vector<10000xf32>
    %broadcast_in_dim3A = vector.shape_cast %reduce_sum3A_15 : vector<10000xf32> to vector<1x10000xf32>
    %sqrt3A = math.sqrt %broadcast_in_dim3A : vector<1x10000xf32>
    %slice3A = vector.extract_strided_slice %sqrt3A {offsets = [0, 1], sizes = [1, 9999], strides = [1, 1]} : vector<1x10000xf32> to vector<1x9999xf32>
    %slice3A_16 = vector.extract_strided_slice %sqrt3A {offsets = [0, 0], sizes = [1, 1], strides = [1, 1]} : vector<1x10000xf32> to vector<1x1xf32>
    %concatenate3A = tpu.concatenate %slice3A, %slice3A_16 in 1 : vector<1x9999xf32>, vector<1x1xf32> -> vector<1x10000xf32>
    %min3A = arith.minimumf %sqrt3A, %concatenate3A : vector<1x10000xf32>
    %iota3A = tpu.iota {dimensions = array<i32: 1>} : vector<1x10000xi32>
    %iota3A_17 = tpu.iota {dimensions = array<i32: 1>} : vector<1x100xi32>
    %broadcast_in_dim3A_18 = arith.constant 0 : i32
    %broadcast_in_dim3A_19 = vector.broadcast %broadcast_in_dim3A_18 : i32 to vector<1x100xi32>
    %scan3A = arith.constant 0 : i32
    %scan3A_20 = arith.constant 100 : i32
    %scan3A_21 = arith.addi %scan3A, %scan3A_20 : i32
    %scan3A_22 = arith.constant 1 : i32
    %scan3A_23:2 = scf.for %scan3A_78 = %scan3A to %scan3A_21 step %scan3A_22 iter_args(%scan3A_79 = %min3A, %scan3A_80 = %broadcast_in_dim3A_19) -> (vector<1x10000xf32>, vector<1x100xi32>)  : i32 {
      %reduce_min3A_81 = vector.shape_cast %scan3A_79 : vector<1x10000xf32> to vector<1x1x10000xf32>
      %reduce_min3A_82 = arith.constant dense<0x7F800000> : vector<1xf32>
      %reduce_min3A_83 = vector.multi_reduction <minimumf>, %reduce_min3A_81, %reduce_min3A_82 [1, 2] : vector<1x1x10000xf32> to vector<1xf32>
      %reduce_min3A_84 = vector.shape_cast %reduce_min3A_83 : vector<1xf32> to vector<1x1x1xf32>
      %reduce_min3A_85 = vector.extract %reduce_min3A_84[0, 0, 0] : f32 from vector<1x1x1xf32>
      %eq3A_86 = vector.broadcast %reduce_min3A_85 : f32 to vector<1x10000xf32>
      %eq3A_87 = arith.cmpf oeq, %scan3A_79, %eq3A_86 : vector<1x10000xf32>
      %jit3A = arith.constant 10000 : i32
      %broadcast_in_dim3A_88 = vector.broadcast %jit3A : i32 to vector<1x10000xi32>
      %select_n3A = arith.select %eq3A_87, %iota3A, %broadcast_in_dim3A_88 : vector<1x10000xi1>, vector<1x10000xi32>
      %reduce_min3A_89 = vector.shape_cast %select_n3A : vector<1x10000xi32> to vector<1x1x10000xi32>
      %reduce_min3A_90 = arith.constant dense<2147483647> : vector<1xi32>
      %reduce_min3A_91 = vector.multi_reduction <minsi>, %reduce_min3A_89, %reduce_min3A_90 [1, 2] : vector<1x1x10000xi32> to vector<1xi32>
      %reduce_min3A_92 = vector.shape_cast %reduce_min3A_91 : vector<1xi32> to vector<1x1x1xi32>
      %reduce_min3A_93 = vector.extract %reduce_min3A_92[0, 0, 0] : i32 from vector<1x1x1xi32>
      %eq3A_94 = vector.broadcast %reduce_min3A_93 : i32 to vector<1x10000xi32>
      %eq3A_95 = arith.cmpi eq, %iota3A, %eq3A_94 : vector<1x10000xi32>
      %jit3A_96 = arith.constant 0x7F800000 : f32
      %broadcast_in_dim3A_97 = vector.broadcast %jit3A_96 : f32 to vector<1x10000xf32>
      %select_n3A_98 = arith.select %eq3A_95, %broadcast_in_dim3A_97, %scan3A_79 : vector<1x10000xi1>, vector<1x10000xf32>
      %eq3A_99 = vector.broadcast %scan3A_78 : i32 to vector<1x100xi32>
      %eq3A_100 = arith.cmpi eq, %iota3A_17, %eq3A_99 : vector<1x100xi32>
      %broadcast_in_dim3A_101 = vector.broadcast %reduce_min3A_93 : i32 to vector<1x100xi32>
      %select_n3A_102 = arith.select %eq3A_100, %broadcast_in_dim3A_101, %scan3A_80 : vector<1x100xi1>, vector<1x100xi32>
      scf.yield %select_n3A_98, %select_n3A_102 : vector<1x10000xf32>, vector<1x100xi32>
    }
    %scan3A_24 = arith.constant 100 : i32
    %sub3A_25 = vector.broadcast %get3A_13 : vector<2x1xf32> to vector<2x10000xf32>
    %sub3A_26 = arith.subf %get3A_8, %sub3A_25 : vector<2x10000xf32>
    %mul3A_27 = arith.mulf %sub3A_26, %sub3A_26 : vector<2x10000xf32>
    %reduce_sum3A_28 = arith.constant dense<0.000000e+00> : vector<10000xf32>
    %reduce_sum3A_29 = vector.multi_reduction <add>, %mul3A_27, %reduce_sum3A_28 [0] : vector<2x10000xf32> to vector<10000xf32>
    %broadcast_in_dim3A_30 = vector.shape_cast %reduce_sum3A_29 : vector<10000xf32> to vector<1x10000xf32>
    %sqrt3A_31 = math.sqrt %broadcast_in_dim3A_30 : vector<1x10000xf32>
    %iota3A_32 = tpu.iota {dimensions = array<i32: 1>} : vector<1x10000xi32>
    %iota3A_33 = tpu.iota {dimensions = array<i32: 1>} : vector<1x100xi32>
    %broadcast_in_dim3A_34 = arith.constant 0 : i32
    %broadcast_in_dim3A_35 = vector.broadcast %broadcast_in_dim3A_34 : i32 to vector<1x100xi32>
    %scan3A_36 = arith.constant 0 : i32
    %scan3A_37 = arith.constant 100 : i32
    %scan3A_38 = arith.addi %scan3A_36, %scan3A_37 : i32
    %scan3A_39 = arith.constant 1 : i32
    %scan3A_40:2 = scf.for %scan3A_78 = %scan3A_36 to %scan3A_38 step %scan3A_39 iter_args(%scan3A_79 = %sqrt3A_31, %scan3A_80 = %broadcast_in_dim3A_35) -> (vector<1x10000xf32>, vector<1x100xi32>)  : i32 {
      %reduce_min3A_81 = vector.shape_cast %scan3A_79 : vector<1x10000xf32> to vector<1x1x10000xf32>
      %reduce_min3A_82 = arith.constant dense<0x7F800000> : vector<1xf32>
      %reduce_min3A_83 = vector.multi_reduction <minimumf>, %reduce_min3A_81, %reduce_min3A_82 [1, 2] : vector<1x1x10000xf32> to vector<1xf32>
      %reduce_min3A_84 = vector.shape_cast %reduce_min3A_83 : vector<1xf32> to vector<1x1x1xf32>
      %reduce_min3A_85 = vector.extract %reduce_min3A_84[0, 0, 0] : f32 from vector<1x1x1xf32>
      %eq3A_86 = vector.broadcast %reduce_min3A_85 : f32 to vector<1x10000xf32>
      %eq3A_87 = arith.cmpf oeq, %scan3A_79, %eq3A_86 : vector<1x10000xf32>
      %jit3A = arith.constant 10000 : i32
      %broadcast_in_dim3A_88 = vector.broadcast %jit3A : i32 to vector<1x10000xi32>
      %select_n3A = arith.select %eq3A_87, %iota3A_32, %broadcast_in_dim3A_88 : vector<1x10000xi1>, vector<1x10000xi32>
      %reduce_min3A_89 = vector.shape_cast %select_n3A : vector<1x10000xi32> to vector<1x1x10000xi32>
      %reduce_min3A_90 = arith.constant dense<2147483647> : vector<1xi32>
      %reduce_min3A_91 = vector.multi_reduction <minsi>, %reduce_min3A_89, %reduce_min3A_90 [1, 2] : vector<1x1x10000xi32> to vector<1xi32>
      %reduce_min3A_92 = vector.shape_cast %reduce_min3A_91 : vector<1xi32> to vector<1x1x1xi32>
      %reduce_min3A_93 = vector.extract %reduce_min3A_92[0, 0, 0] : i32 from vector<1x1x1xi32>
      %eq3A_94 = vector.broadcast %reduce_min3A_93 : i32 to vector<1x10000xi32>
      %eq3A_95 = arith.cmpi eq, %iota3A_32, %eq3A_94 : vector<1x10000xi32>
      %jit3A_96 = arith.constant 0x7F800000 : f32
      %broadcast_in_dim3A_97 = vector.broadcast %jit3A_96 : f32 to vector<1x10000xf32>
      %select_n3A_98 = arith.select %eq3A_95, %broadcast_in_dim3A_97, %scan3A_79 : vector<1x10000xi1>, vector<1x10000xf32>
      %eq3A_99 = vector.broadcast %scan3A_78 : i32 to vector<1x100xi32>
      %eq3A_100 = arith.cmpi eq, %iota3A_33, %eq3A_99 : vector<1x100xi32>
      %broadcast_in_dim3A_101 = vector.broadcast %reduce_min3A_93 : i32 to vector<1x100xi32>
      %select_n3A_102 = arith.select %eq3A_100, %broadcast_in_dim3A_101, %scan3A_80 : vector<1x100xi1>, vector<1x100xi32>
      scf.yield %select_n3A_98, %select_n3A_102 : vector<1x10000xf32>, vector<1x100xi32>
    }
    %scan3A_41 = arith.constant 100 : i32
    %iota3A_42 = tpu.iota {dimensions = array<i32: 0>} : vector<10000x100xi32>
    %eq3A = vector.broadcast %scan3A_23#1 : vector<1x100xi32> to vector<10000x100xi32>
    %eq3A_43 = arith.cmpi eq, %iota3A_42, %eq3A : vector<10000x100xi32>
    %convert_element_type3A = arith.extui %eq3A_43 : vector<10000x100xi1> to vector<10000x100xi32>
    %convert_element_type3A_44 = arith.sitofp %convert_element_type3A : vector<10000x100xi32> to vector<10000x100xf32>
    %dot_general3A = arith.constant dense<0.000000e+00> : vector<2x100xf32>
    %dot_general3A_45 = tpu.matmul %get3A_3, %convert_element_type3A_44, %dot_general3A {dimension_numbers = #tpu.dot_dimension_numbers<[1], [0], [0], [1], [0, 0, 1, 1], [], []>, transpose_lhs_hint = false} : vector<2x10000xf32>, vector<10000x100xf32>, vector<2x100xf32> -> vector<2x100xf32>
    %slice3A_46 = vector.extract_strided_slice %get3A_3 {offsets = [0, 1], sizes = [2, 9999], strides = [1, 1]} : vector<2x10000xf32> to vector<2x9999xf32>
    %slice3A_47 = vector.extract_strided_slice %get3A_3 {offsets = [0, 0], sizes = [2, 1], strides = [1, 1]} : vector<2x10000xf32> to vector<2x1xf32>
    %concatenate3A_48 = tpu.concatenate %slice3A_46, %slice3A_47 in 1 : vector<2x9999xf32>, vector<2x1xf32> -> vector<2x10000xf32>
    %dot_general3A_49 = arith.constant dense<0.000000e+00> : vector<2x100xf32>
    %dot_general3A_50 = tpu.matmul %concatenate3A_48, %convert_element_type3A_44, %dot_general3A_49 {dimension_numbers = #tpu.dot_dimension_numbers<[1], [0], [0], [1], [0, 0, 1, 1], [], []>, transpose_lhs_hint = false} : vector<2x10000xf32>, vector<10000x100xf32>, vector<2x100xf32> -> vector<2x100xf32>
    %iota3A_51 = tpu.iota {dimensions = array<i32: 0>} : vector<10000x100xi32>
    %eq3A_52 = vector.broadcast %scan3A_40#1 : vector<1x100xi32> to vector<10000x100xi32>
    %eq3A_53 = arith.cmpi eq, %iota3A_51, %eq3A_52 : vector<10000x100xi32>
    %convert_element_type3A_54 = arith.extui %eq3A_53 : vector<10000x100xi1> to vector<10000x100xi32>
    %convert_element_type3A_55 = arith.sitofp %convert_element_type3A_54 : vector<10000x100xi32> to vector<10000x100xf32>
    %dot_general3A_56 = arith.constant dense<0.000000e+00> : vector<2x100xf32>
    %dot_general3A_57 = tpu.matmul %get3A_8, %convert_element_type3A_55, %dot_general3A_56 {dimension_numbers = #tpu.dot_dimension_numbers<[1], [0], [0], [1], [0, 0, 1, 1], [], []>, transpose_lhs_hint = false} : vector<2x10000xf32>, vector<10000x100xf32>, vector<2x100xf32> -> vector<2x100xf32>
    %concatenate3A_58 = tpu.concatenate %get3A_13, %dot_general3A_57, %dot_general3A_45, %dot_general3A_50 in 1 : vector<2x1xf32>, vector<2x100xf32>, vector<2x100xf32>, vector<2x100xf32> -> vector<2x301xf32>
    %reduce_min3A = arith.constant dense<0x7F800000> : vector<2xf32>
    %reduce_min3A_59 = vector.multi_reduction <minimumf>, %concatenate3A_58, %reduce_min3A [1] : vector<2x301xf32> to vector<2xf32>
    %broadcast_in_dim3A_60 = vector.shape_cast %reduce_min3A_59 : vector<2xf32> to vector<2x1xf32>
    %reduce_max3A = arith.constant dense<0xFF800000> : vector<2xf32>
    %reduce_max3A_61 = vector.multi_reduction <maximumf>, %concatenate3A_58, %reduce_max3A [1] : vector<2x301xf32> to vector<2xf32>
    %broadcast_in_dim3A_62 = vector.shape_cast %reduce_max3A_61 : vector<2xf32> to vector<2x1xf32>
    %sub3A_63 = vector.broadcast %broadcast_in_dim3A_60 : vector<2x1xf32> to vector<2x301xf32>
    %sub3A_64 = arith.subf %concatenate3A_58, %sub3A_63 : vector<2x301xf32>
    %sub3A_65 = arith.subf %broadcast_in_dim3A_62, %broadcast_in_dim3A_60 : vector<2x1xf32>
    %div3A = vector.broadcast %sub3A_65 : vector<2x1xf32> to vector<2x301xf32>
    %div3A_66 = arith.divf %sub3A_64, %div3A : vector<2x301xf32>
    %swap3A = arith.constant 0 : index
    %swap3A_67 = arith.constant 0 : index
    %swap3A_68 = arith.constant 0 : index
    %swap3A_69 = vector.load %arg4[%swap3A, %swap3A_67, %swap3A_68] : memref<1x2x301xf32, #tpu.memory_space<vmem>>, vector<1x2x301xf32>
    %swap3A_70 = vector.shape_cast %swap3A_69 : vector<1x2x301xf32> to vector<2x301xf32>
    %swap3A_71 = vector.shape_cast %div3A_66 : vector<2x301xf32> to vector<1x2x301xf32>
    tpu.vector_store %arg4[%swap3A, %swap3A_67, %swap3A_68], %swap3A_71 {strides = array<i32>} : memref<1x2x301xf32, #tpu.memory_space<vmem>>, vector<1x2x301xf32>,
    %swap3A_72 = arith.constant 0 : index
    %swap3A_73 = arith.constant 0 : index
    %swap3A_74 = arith.constant 0 : index
    %swap3A_75 = vector.load %arg5[%swap3A_72, %swap3A_73, %swap3A_74] : memref<1x1x100xi32, #tpu.memory_space<vmem>>, vector<1x1x100xi32>
    %swap3A_76 = vector.shape_cast %swap3A_75 : vector<1x1x100xi32> to vector<1x100xi32>
    %swap3A_77 = vector.shape_cast %scan3A_23#1 : vector<1x100xi32> to vector<1x1x100xi32>
    tpu.vector_store %arg5[%swap3A_72, %swap3A_73, %swap3A_74], %swap3A_77 {strides = array<i32>} : memref<1x1x100xi32, #tpu.memory_space<vmem>>, vector<1x1x100xi32>,
    return
  }
  func.func @transform_0(%arg0: i32) -> (i32, i32, i32) {
    %c0_i32 = arith.constant 0 : i32
    %c0_i32_0 = arith.constant 0 : i32
    %c0_i32_1 = arith.constant 0 : i32
    return %arg0, %c0_i32, %c0_i32_0 : i32, i32, i32
  }
  func.func @transform_1(%arg0: i32) -> (i32, i32, i32) {
    %c0_i32 = arith.constant 0 : i32
    %c0_i32_0 = arith.constant 0 : i32
    %c0_i32_1 = arith.constant 0 : i32
    return %arg0, %c0_i32, %c0_i32_0 : i32, i32, i32
  }
  func.func @transform_2(%arg0: i32) -> (i32, i32, i32) {
    %c0_i32 = arith.constant 0 : i32
    %c0_i32_0 = arith.constant 0 : i32
    %c0_i32_1 = arith.constant 0 : i32
    return %arg0, %c0_i32, %c0_i32_0 : i32, i32, i32
  }
  func.func @transform_3(%arg0: i32) -> (i32, i32, i32) {
    %c0_i32 = arith.constant 0 : i32
    %c0_i32_0 = arith.constant 0 : i32
    %c0_i32_1 = arith.constant 0 : i32
    return %arg0, %c0_i32, %c0_i32_0 : i32, i32, i32
  }
  func.func @transform_4(%arg0: i32) -> (i32, i32, i32) {
    %c0_i32 = arith.constant 0 : i32
    %c0_i32_0 = arith.constant 0 : i32
    %c0_i32_1 = arith.constant 0 : i32
    return %arg0, %c0_i32, %c0_i32_0 : i32, i32, i32
  }
}

module attributes {stable_mosaic.version = 14 : i64} {
  func.func @_model_kernel(%arg0: i32, %arg1: memref<1x2x301xf32, #tpu.memory_space<vmem>>, %arg2: memref<1x1x100xi32, #tpu.memory_space<vmem>>, %arg3: memref<2x128xf32, #tpu.memory_space<vmem>>, %arg4: memref<1x128xf32, #tpu.memory_space<vmem>>, %arg5: memref<3x128x128xf32, #tpu.memory_space<vmem>>, %arg6: memref<3x128x128xf32, #tpu.memory_space<vmem>>, %arg7: memref<3x128x128xf32, #tpu.memory_space<vmem>>, %arg8: memref<3x128x128xf32, #tpu.memory_space<vmem>>, %arg9: memref<3x1x128xf32, #tpu.memory_space<vmem>>, %arg10: memref<3x128x512xf32, #tpu.memory_space<vmem>>, %arg11: memref<3x1x512xf32, #tpu.memory_space<vmem>>, %arg12: memref<3x512x128xf32, #tpu.memory_space<vmem>>, %arg13: memref<3x1x128xf32, #tpu.memory_space<vmem>>, %arg14: memref<3x128x128xf32, #tpu.memory_space<vmem>>, %arg15: memref<3x128x128xf32, #tpu.memory_space<vmem>>, %arg16: memref<3x128x128xf32, #tpu.memory_space<vmem>>, %arg17: memref<3x128x128xf32, #tpu.memory_space<vmem>>, %arg18: memref<3x1x128xf32, #tpu.memory_space<vmem>>, %arg19: memref<3x128x512xf32, #tpu.memory_space<vmem>>, %arg20: memref<3x1x512xf32, #tpu.memory_space<vmem>>, %arg21: memref<3x512x128xf32, #tpu.memory_space<vmem>>, %arg22: memref<3x1x128xf32, #tpu.memory_space<vmem>>, %arg23: memref<128x128xf32, #tpu.memory_space<vmem>>, %arg24: memref<1x128xf32, #tpu.memory_space<vmem>>, %arg25: memref<256x128xf32, #tpu.memory_space<vmem>>, %arg26: memref<1x128xf32, #tpu.memory_space<vmem>>, %arg27: memref<128x128xf32, #tpu.memory_space<vmem>>, %arg28: memref<1x128xf32, #tpu.memory_space<vmem>>, %arg29: memref<128x1xf32, #tpu.memory_space<vmem>>, %arg30: memref<1x1xf32, #tpu.memory_space<vmem>>, %arg31: memref<1x1x10000xf32, #tpu.memory_space<vmem>>) attributes {dimension_semantics = [#tpu.dimension_semantics<arbitrary>], iteration_bounds = array<i64: 128>, scalar_prefetch = 0 : i64, scratch_operands = 0 : i64, tpu.core_type = #tpu.core_type<tc>, window_params = [{transform_indices = @transform_0, window_bounds = array<i64: 1, 2, 301>}, {transform_indices = @transform_1, window_bounds = array<i64: 1, 1, 100>}, {pipeline_mode = #tpu.pipeline_mode<synchronous>, transform_indices = @transform_2, window_bounds = array<i64: 2, 128>}, {pipeline_mode = #tpu.pipeline_mode<synchronous>, transform_indices = @transform_3, window_bounds = array<i64: 1, 128>}, {pipeline_mode = #tpu.pipeline_mode<synchronous>, transform_indices = @transform_4, window_bounds = array<i64: 3, 128, 128>}, {pipeline_mode = #tpu.pipeline_mode<synchronous>, transform_indices = @transform_5, window_bounds = array<i64: 3, 128, 128>}, {pipeline_mode = #tpu.pipeline_mode<synchronous>, transform_indices = @transform_6, window_bounds = array<i64: 3, 128, 128>}, {pipeline_mode = #tpu.pipeline_mode<synchronous>, transform_indices = @transform_7, window_bounds = array<i64: 3, 128, 128>}, {pipeline_mode = #tpu.pipeline_mode<synchronous>, transform_indices = @transform_8, window_bounds = array<i64: 3, 1, 128>}, {pipeline_mode = #tpu.pipeline_mode<synchronous>, transform_indices = @transform_9, window_bounds = array<i64: 3, 128, 512>}, {pipeline_mode = #tpu.pipeline_mode<synchronous>, transform_indices = @transform_10, window_bounds = array<i64: 3, 1, 512>}, {pipeline_mode = #tpu.pipeline_mode<synchronous>, transform_indices = @transform_11, window_bounds = array<i64: 3, 512, 128>}, {pipeline_mode = #tpu.pipeline_mode<synchronous>, transform_indices = @transform_12, window_bounds = array<i64: 3, 1, 128>}, {pipeline_mode = #tpu.pipeline_mode<synchronous>, transform_indices = @transform_13, window_bounds = array<i64: 3, 128, 128>}, {pipeline_mode = #tpu.pipeline_mode<synchronous>, transform_indices = @transform_14, window_bounds = array<i64: 3, 128, 128>}, {pipeline_mode = #tpu.pipeline_mode<synchronous>, transform_indices = @transform_15, window_bounds = array<i64: 3, 128, 128>}, {pipeline_mode = #tpu.pipeline_mode<synchronous>, transform_indices = @transform_16, window_bounds = array<i64: 3, 128, 128>}, {pipeline_mode = #tpu.pipeline_mode<synchronous>, transform_indices = @transform_17, window_bounds = array<i64: 3, 1, 128>}, {pipeline_mode = #tpu.pipeline_mode<synchronous>, transform_indices = @transform_18, window_bounds = array<i64: 3, 128, 512>}, {pipeline_mode = #tpu.pipeline_mode<synchronous>, transform_indices = @transform_19, window_bounds = array<i64: 3, 1, 512>}, {pipeline_mode = #tpu.pipeline_mode<synchronous>, transform_indices = @transform_20, window_bounds = array<i64: 3, 512, 128>}, {pipeline_mode = #tpu.pipeline_mode<synchronous>, transform_indices = @transform_21, window_bounds = array<i64: 3, 1, 128>}, {pipeline_mode = #tpu.pipeline_mode<synchronous>, transform_indices = @transform_22, window_bounds = array<i64: 128, 128>}, {pipeline_mode = #tpu.pipeline_mode<synchronous>, transform_indices = @transform_23, window_bounds = array<i64: 1, 128>}, {pipeline_mode = #tpu.pipeline_mode<synchronous>, transform_indices = @transform_24, window_bounds = array<i64: 256, 128>}, {pipeline_mode = #tpu.pipeline_mode<synchronous>, transform_indices = @transform_25, window_bounds = array<i64: 1, 128>}, {pipeline_mode = #tpu.pipeline_mode<synchronous>, transform_indices = @transform_26, window_bounds = array<i64: 128, 128>}, {pipeline_mode = #tpu.pipeline_mode<synchronous>, transform_indices = @transform_27, window_bounds = array<i64: 1, 128>}, {pipeline_mode = #tpu.pipeline_mode<synchronous>, transform_indices = @transform_28, window_bounds = array<i64: 128, 1>}, {pipeline_mode = #tpu.pipeline_mode<synchronous>, transform_indices = @transform_29, window_bounds = array<i64: 1, 1>}, {transform_indices = @transform_30, window_bounds = array<i64: 1, 1, 10000>}]} {
    %get3A = arith.constant 0 : index
    %get3A_0 = arith.constant 0 : index
    %get3A_1 = arith.constant 0 : index
    %get3A_2 = vector.load %arg1[%get3A, %get3A_0, %get3A_1] : memref<1x2x301xf32, #tpu.memory_space<vmem>>, vector<1x2x301xf32>
    %get3A_3 = vector.shape_cast %get3A_2 : vector<1x2x301xf32> to vector<2x301xf32>
    %transpose3A = tpu.transpose %get3A_3, [1, 0] : vector<2x301xf32> -> vector<301x2xf32>
    %get3A_4 = arith.constant 0 : index
    %get3A_5 = arith.constant 0 : index
    %get3A_6 = vector.load %arg3[%get3A_4, %get3A_5] : memref<2x128xf32, #tpu.memory_space<vmem>>, vector<2x128xf32>
    %dot_general3A = arith.constant dense<0.000000e+00> : vector<301x128xf32>
    %dot_general3A_7 = tpu.matmul %transpose3A, %get3A_6, %dot_general3A {dimension_numbers = #tpu.dot_dimension_numbers<[1], [0], [0], [1], [0, 0, 1, 1], [], []>, transpose_lhs_hint = false} : vector<301x2xf32>, vector<2x128xf32>, vector<301x128xf32> -> vector<301x128xf32>
    %get3A_8 = arith.constant 0 : index
    %get3A_9 = arith.constant 0 : index
    %get3A_10 = vector.load %arg4[%get3A_8, %get3A_9] : memref<1x128xf32, #tpu.memory_space<vmem>>, vector<1x128xf32>
    %add3A = vector.broadcast %get3A_10 : vector<1x128xf32> to vector<301x128xf32>
    %add3A_11 = arith.addf %dot_general3A_7, %add3A : vector<301x128xf32>
    %get3A_12 = arith.constant 0 : index
    %get3A_13 = arith.constant 0 : index
    %get3A_14 = arith.constant 0 : index
    %get3A_15 = vector.load %arg5[%get3A_12, %get3A_13, %get3A_14] : memref<3x128x128xf32, #tpu.memory_space<vmem>>, vector<1x128x128xf32>
    %get3A_16 = vector.shape_cast %get3A_15 : vector<1x128x128xf32> to vector<128x128xf32>
    %get3A_17 = arith.constant 0 : index
    %get3A_18 = arith.constant 0 : index
    %get3A_19 = arith.constant 0 : index
    %get3A_20 = vector.load %arg6[%get3A_17, %get3A_18, %get3A_19] : memref<3x128x128xf32, #tpu.memory_space<vmem>>, vector<1x128x128xf32>
    %get3A_21 = vector.shape_cast %get3A_20 : vector<1x128x128xf32> to vector<128x128xf32>
    %get3A_22 = arith.constant 0 : index
    %get3A_23 = arith.constant 0 : index
    %get3A_24 = arith.constant 0 : index
    %get3A_25 = vector.load %arg7[%get3A_22, %get3A_23, %get3A_24] : memref<3x128x128xf32, #tpu.memory_space<vmem>>, vector<1x128x128xf32>
    %get3A_26 = vector.shape_cast %get3A_25 : vector<1x128x128xf32> to vector<128x128xf32>
    %get3A_27 = arith.constant 0 : index
    %get3A_28 = arith.constant 0 : index
    %get3A_29 = arith.constant 0 : index
    %get3A_30 = vector.load %arg8[%get3A_27, %get3A_28, %get3A_29] : memref<3x128x128xf32, #tpu.memory_space<vmem>>, vector<1x128x128xf32>
    %get3A_31 = vector.shape_cast %get3A_30 : vector<1x128x128xf32> to vector<128x128xf32>
    %get3A_32 = arith.constant 0 : index
    %get3A_33 = arith.constant 0 : index
    %get3A_34 = arith.constant 0 : index
    %get3A_35 = vector.load %arg9[%get3A_32, %get3A_33, %get3A_34] : memref<3x1x128xf32, #tpu.memory_space<vmem>>, vector<1x1x128xf32>
    %get3A_36 = vector.shape_cast %get3A_35 : vector<1x1x128xf32> to vector<1x128xf32>
    %get3A_37 = arith.constant 0 : index
    %get3A_38 = arith.constant 0 : index
    %get3A_39 = arith.constant 0 : index
    %get3A_40 = vector.load %arg10[%get3A_37, %get3A_38, %get3A_39] : memref<3x128x512xf32, #tpu.memory_space<vmem>>, vector<1x128x512xf32>
    %get3A_41 = vector.shape_cast %get3A_40 : vector<1x128x512xf32> to vector<128x512xf32>
    %get3A_42 = arith.constant 0 : index
    %get3A_43 = arith.constant 0 : index
    %get3A_44 = arith.constant 0 : index
    %get3A_45 = vector.load %arg11[%get3A_42, %get3A_43, %get3A_44] : memref<3x1x512xf32, #tpu.memory_space<vmem>>, vector<1x1x512xf32>
    %get3A_46 = vector.shape_cast %get3A_45 : vector<1x1x512xf32> to vector<1x512xf32>
    %get3A_47 = arith.constant 0 : index
    %get3A_48 = arith.constant 0 : index
    %get3A_49 = arith.constant 0 : index
    %get3A_50 = vector.load %arg12[%get3A_47, %get3A_48, %get3A_49] : memref<3x512x128xf32, #tpu.memory_space<vmem>>, vector<1x512x128xf32>
    %get3A_51 = vector.shape_cast %get3A_50 : vector<1x512x128xf32> to vector<512x128xf32>
    %get3A_52 = arith.constant 0 : index
    %get3A_53 = arith.constant 0 : index
    %get3A_54 = arith.constant 0 : index
    %get3A_55 = vector.load %arg13[%get3A_52, %get3A_53, %get3A_54] : memref<3x1x128xf32, #tpu.memory_space<vmem>>, vector<1x1x128xf32>
    %get3A_56 = vector.shape_cast %get3A_55 : vector<1x1x128xf32> to vector<1x128xf32>
    %dot_general3A_57 = arith.constant dense<0.000000e+00> : vector<301x128xf32>
    %dot_general3A_58 = tpu.matmul %add3A_11, %get3A_16, %dot_general3A_57 {dimension_numbers = #tpu.dot_dimension_numbers<[1], [0], [0], [1], [0, 0, 1, 1], [], []>, transpose_lhs_hint = false} : vector<301x128xf32>, vector<128x128xf32>, vector<301x128xf32> -> vector<301x128xf32>
    %dot_general3A_59 = arith.constant dense<0.000000e+00> : vector<301x128xf32>
    %dot_general3A_60 = tpu.matmul %add3A_11, %get3A_21, %dot_general3A_59 {dimension_numbers = #tpu.dot_dimension_numbers<[1], [0], [0], [1], [0, 0, 1, 1], [], []>, transpose_lhs_hint = false} : vector<301x128xf32>, vector<128x128xf32>, vector<301x128xf32> -> vector<301x128xf32>
    %dot_general3A_61 = arith.constant dense<0.000000e+00> : vector<301x128xf32>
    %dot_general3A_62 = tpu.matmul %add3A_11, %get3A_26, %dot_general3A_61 {dimension_numbers = #tpu.dot_dimension_numbers<[1], [0], [0], [1], [0, 0, 1, 1], [], []>, transpose_lhs_hint = false} : vector<301x128xf32>, vector<128x128xf32>, vector<301x128xf32> -> vector<301x128xf32>
    %slice3A = vector.extract_strided_slice %dot_general3A_58 {offsets = [0, 0], sizes = [301, 16], strides = [1, 1]} : vector<301x128xf32> to vector<301x16xf32>
    %slice3A_63 = vector.extract_strided_slice %dot_general3A_60 {offsets = [0, 0], sizes = [301, 16], strides = [1, 1]} : vector<301x128xf32> to vector<301x16xf32>
    %slice3A_64 = vector.extract_strided_slice %dot_general3A_62 {offsets = [0, 0], sizes = [301, 16], strides = [1, 1]} : vector<301x128xf32> to vector<301x16xf32>
    %transpose3A_65 = tpu.transpose %slice3A_63, [1, 0] : vector<301x16xf32> -> vector<16x301xf32>
    %dot_general3A_66 = arith.constant dense<0.000000e+00> : vector<301x301xf32>
    %dot_general3A_67 = tpu.matmul %slice3A, %transpose3A_65, %dot_general3A_66 {dimension_numbers = #tpu.dot_dimension_numbers<[1], [0], [0], [1], [0, 0, 1, 1], [], []>, transpose_lhs_hint = false} : vector<301x16xf32>, vector<16x301xf32>, vector<301x301xf32> -> vector<301x301xf32>
    %mul3A = arith.constant 2.500000e-01 : f32
    %mul3A_68 = vector.broadcast %mul3A : f32 to vector<301x301xf32>
    %mul3A_69 = arith.mulf %dot_general3A_67, %mul3A_68 : vector<301x301xf32>
    %reduce_max3A = arith.constant dense<0xFF800000> : vector<301xf32>
    %reduce_max3A_70 = vector.multi_reduction <maximumf>, %mul3A_69, %reduce_max3A [1] : vector<301x301xf32> to vector<301xf32>
    %broadcast_in_dim3A = vector.shape_cast %reduce_max3A_70 : vector<301xf32> to vector<301x1xf32>
    %sub3A = vector.broadcast %broadcast_in_dim3A : vector<301x1xf32> to vector<301x301xf32>
    %sub3A_71 = arith.subf %mul3A_69, %sub3A : vector<301x301xf32>
    %exp3A = math.exp %sub3A_71 : vector<301x301xf32>
    %reduce_sum3A = arith.constant dense<0.000000e+00> : vector<301xf32>
    %reduce_sum3A_72 = vector.multi_reduction <add>, %exp3A, %reduce_sum3A [1] : vector<301x301xf32> to vector<301xf32>
    %broadcast_in_dim3A_73 = vector.shape_cast %reduce_sum3A_72 : vector<301xf32> to vector<301x1xf32>
    %div3A = vector.broadcast %broadcast_in_dim3A_73 : vector<301x1xf32> to vector<301x301xf32>
    %div3A_74 = arith.divf %exp3A, %div3A : vector<301x301xf32>
    %dot_general3A_75 = arith.constant dense<0.000000e+00> : vector<301x16xf32>
    %dot_general3A_76 = tpu.matmul %div3A_74, %slice3A_64, %dot_general3A_75 {dimension_numbers = #tpu.dot_dimension_numbers<[1], [0], [0], [1], [0, 0, 1, 1], [], []>, transpose_lhs_hint = false} : vector<301x301xf32>, vector<301x16xf32>, vector<301x16xf32> -> vector<301x16xf32>
    %slice3A_77 = vector.extract_strided_slice %dot_general3A_58 {offsets = [0, 16], sizes = [301, 16], strides = [1, 1]} : vector<301x128xf32> to vector<301x16xf32>
    %slice3A_78 = vector.extract_strided_slice %dot_general3A_60 {offsets = [0, 16], sizes = [301, 16], strides = [1, 1]} : vector<301x128xf32> to vector<301x16xf32>
    %slice3A_79 = vector.extract_strided_slice %dot_general3A_62 {offsets = [0, 16], sizes = [301, 16], strides = [1, 1]} : vector<301x128xf32> to vector<301x16xf32>
    %transpose3A_80 = tpu.transpose %slice3A_78, [1, 0] : vector<301x16xf32> -> vector<16x301xf32>
    %dot_general3A_81 = arith.constant dense<0.000000e+00> : vector<301x301xf32>
    %dot_general3A_82 = tpu.matmul %slice3A_77, %transpose3A_80, %dot_general3A_81 {dimension_numbers = #tpu.dot_dimension_numbers<[1], [0], [0], [1], [0, 0, 1, 1], [], []>, transpose_lhs_hint = false} : vector<301x16xf32>, vector<16x301xf32>, vector<301x301xf32> -> vector<301x301xf32>
    %mul3A_83 = arith.constant 2.500000e-01 : f32
    %mul3A_84 = vector.broadcast %mul3A_83 : f32 to vector<301x301xf32>
    %mul3A_85 = arith.mulf %dot_general3A_82, %mul3A_84 : vector<301x301xf32>
    %reduce_max3A_86 = arith.constant dense<0xFF800000> : vector<301xf32>
    %reduce_max3A_87 = vector.multi_reduction <maximumf>, %mul3A_85, %reduce_max3A_86 [1] : vector<301x301xf32> to vector<301xf32>
    %broadcast_in_dim3A_88 = vector.shape_cast %reduce_max3A_87 : vector<301xf32> to vector<301x1xf32>
    %sub3A_89 = vector.broadcast %broadcast_in_dim3A_88 : vector<301x1xf32> to vector<301x301xf32>
    %sub3A_90 = arith.subf %mul3A_85, %sub3A_89 : vector<301x301xf32>
    %exp3A_91 = math.exp %sub3A_90 : vector<301x301xf32>
    %reduce_sum3A_92 = arith.constant dense<0.000000e+00> : vector<301xf32>
    %reduce_sum3A_93 = vector.multi_reduction <add>, %exp3A_91, %reduce_sum3A_92 [1] : vector<301x301xf32> to vector<301xf32>
    %broadcast_in_dim3A_94 = vector.shape_cast %reduce_sum3A_93 : vector<301xf32> to vector<301x1xf32>
    %div3A_95 = vector.broadcast %broadcast_in_dim3A_94 : vector<301x1xf32> to vector<301x301xf32>
    %div3A_96 = arith.divf %exp3A_91, %div3A_95 : vector<301x301xf32>
    %dot_general3A_97 = arith.constant dense<0.000000e+00> : vector<301x16xf32>
    %dot_general3A_98 = tpu.matmul %div3A_96, %slice3A_79, %dot_general3A_97 {dimension_numbers = #tpu.dot_dimension_numbers<[1], [0], [0], [1], [0, 0, 1, 1], [], []>, transpose_lhs_hint = false} : vector<301x301xf32>, vector<301x16xf32>, vector<301x16xf32> -> vector<301x16xf32>
    %slice3A_99 = vector.extract_strided_slice %dot_general3A_58 {offsets = [0, 32], sizes = [301, 16], strides = [1, 1]} : vector<301x128xf32> to vector<301x16xf32>
    %slice3A_100 = vector.extract_strided_slice %dot_general3A_60 {offsets = [0, 32], sizes = [301, 16], strides = [1, 1]} : vector<301x128xf32> to vector<301x16xf32>
    %slice3A_101 = vector.extract_strided_slice %dot_general3A_62 {offsets = [0, 32], sizes = [301, 16], strides = [1, 1]} : vector<301x128xf32> to vector<301x16xf32>
    %transpose3A_102 = tpu.transpose %slice3A_100, [1, 0] : vector<301x16xf32> -> vector<16x301xf32>
    %dot_general3A_103 = arith.constant dense<0.000000e+00> : vector<301x301xf32>
    %dot_general3A_104 = tpu.matmul %slice3A_99, %transpose3A_102, %dot_general3A_103 {dimension_numbers = #tpu.dot_dimension_numbers<[1], [0], [0], [1], [0, 0, 1, 1], [], []>, transpose_lhs_hint = false} : vector<301x16xf32>, vector<16x301xf32>, vector<301x301xf32> -> vector<301x301xf32>
    %mul3A_105 = arith.constant 2.500000e-01 : f32
    %mul3A_106 = vector.broadcast %mul3A_105 : f32 to vector<301x301xf32>
    %mul3A_107 = arith.mulf %dot_general3A_104, %mul3A_106 : vector<301x301xf32>
    %reduce_max3A_108 = arith.constant dense<0xFF800000> : vector<301xf32>
    %reduce_max3A_109 = vector.multi_reduction <maximumf>, %mul3A_107, %reduce_max3A_108 [1] : vector<301x301xf32> to vector<301xf32>
    %broadcast_in_dim3A_110 = vector.shape_cast %reduce_max3A_109 : vector<301xf32> to vector<301x1xf32>
    %sub3A_111 = vector.broadcast %broadcast_in_dim3A_110 : vector<301x1xf32> to vector<301x301xf32>
    %sub3A_112 = arith.subf %mul3A_107, %sub3A_111 : vector<301x301xf32>
    %exp3A_113 = math.exp %sub3A_112 : vector<301x301xf32>
    %reduce_sum3A_114 = arith.constant dense<0.000000e+00> : vector<301xf32>
    %reduce_sum3A_115 = vector.multi_reduction <add>, %exp3A_113, %reduce_sum3A_114 [1] : vector<301x301xf32> to vector<301xf32>
    %broadcast_in_dim3A_116 = vector.shape_cast %reduce_sum3A_115 : vector<301xf32> to vector<301x1xf32>
    %div3A_117 = vector.broadcast %broadcast_in_dim3A_116 : vector<301x1xf32> to vector<301x301xf32>
    %div3A_118 = arith.divf %exp3A_113, %div3A_117 : vector<301x301xf32>
    %dot_general3A_119 = arith.constant dense<0.000000e+00> : vector<301x16xf32>
    %dot_general3A_120 = tpu.matmul %div3A_118, %slice3A_101, %dot_general3A_119 {dimension_numbers = #tpu.dot_dimension_numbers<[1], [0], [0], [1], [0, 0, 1, 1], [], []>, transpose_lhs_hint = false} : vector<301x301xf32>, vector<301x16xf32>, vector<301x16xf32> -> vector<301x16xf32>
    %slice3A_121 = vector.extract_strided_slice %dot_general3A_58 {offsets = [0, 48], sizes = [301, 16], strides = [1, 1]} : vector<301x128xf32> to vector<301x16xf32>
    %slice3A_122 = vector.extract_strided_slice %dot_general3A_60 {offsets = [0, 48], sizes = [301, 16], strides = [1, 1]} : vector<301x128xf32> to vector<301x16xf32>
    %slice3A_123 = vector.extract_strided_slice %dot_general3A_62 {offsets = [0, 48], sizes = [301, 16], strides = [1, 1]} : vector<301x128xf32> to vector<301x16xf32>
    %transpose3A_124 = tpu.transpose %slice3A_122, [1, 0] : vector<301x16xf32> -> vector<16x301xf32>
    %dot_general3A_125 = arith.constant dense<0.000000e+00> : vector<301x301xf32>
    %dot_general3A_126 = tpu.matmul %slice3A_121, %transpose3A_124, %dot_general3A_125 {dimension_numbers = #tpu.dot_dimension_numbers<[1], [0], [0], [1], [0, 0, 1, 1], [], []>, transpose_lhs_hint = false} : vector<301x16xf32>, vector<16x301xf32>, vector<301x301xf32> -> vector<301x301xf32>
    %mul3A_127 = arith.constant 2.500000e-01 : f32
    %mul3A_128 = vector.broadcast %mul3A_127 : f32 to vector<301x301xf32>
    %mul3A_129 = arith.mulf %dot_general3A_126, %mul3A_128 : vector<301x301xf32>
    %reduce_max3A_130 = arith.constant dense<0xFF800000> : vector<301xf32>
    %reduce_max3A_131 = vector.multi_reduction <maximumf>, %mul3A_129, %reduce_max3A_130 [1] : vector<301x301xf32> to vector<301xf32>
    %broadcast_in_dim3A_132 = vector.shape_cast %reduce_max3A_131 : vector<301xf32> to vector<301x1xf32>
    %sub3A_133 = vector.broadcast %broadcast_in_dim3A_132 : vector<301x1xf32> to vector<301x301xf32>
    %sub3A_134 = arith.subf %mul3A_129, %sub3A_133 : vector<301x301xf32>
    %exp3A_135 = math.exp %sub3A_134 : vector<301x301xf32>
    %reduce_sum3A_136 = arith.constant dense<0.000000e+00> : vector<301xf32>
    %reduce_sum3A_137 = vector.multi_reduction <add>, %exp3A_135, %reduce_sum3A_136 [1] : vector<301x301xf32> to vector<301xf32>
    %broadcast_in_dim3A_138 = vector.shape_cast %reduce_sum3A_137 : vector<301xf32> to vector<301x1xf32>
    %div3A_139 = vector.broadcast %broadcast_in_dim3A_138 : vector<301x1xf32> to vector<301x301xf32>
    %div3A_140 = arith.divf %exp3A_135, %div3A_139 : vector<301x301xf32>
    %dot_general3A_141 = arith.constant dense<0.000000e+00> : vector<301x16xf32>
    %dot_general3A_142 = tpu.matmul %div3A_140, %slice3A_123, %dot_general3A_141 {dimension_numbers = #tpu.dot_dimension_numbers<[1], [0], [0], [1], [0, 0, 1, 1], [], []>, transpose_lhs_hint = false} : vector<301x301xf32>, vector<301x16xf32>, vector<301x16xf32> -> vector<301x16xf32>
    %slice3A_143 = vector.extract_strided_slice %dot_general3A_58 {offsets = [0, 64], sizes = [301, 16], strides = [1, 1]} : vector<301x128xf32> to vector<301x16xf32>
    %slice3A_144 = vector.extract_strided_slice %dot_general3A_60 {offsets = [0, 64], sizes = [301, 16], strides = [1, 1]} : vector<301x128xf32> to vector<301x16xf32>
    %slice3A_145 = vector.extract_strided_slice %dot_general3A_62 {offsets = [0, 64], sizes = [301, 16], strides = [1, 1]} : vector<301x128xf32> to vector<301x16xf32>
    %transpose3A_146 = tpu.transpose %slice3A_144, [1, 0] : vector<301x16xf32> -> vector<16x301xf32>
    %dot_general3A_147 = arith.constant dense<0.000000e+00> : vector<301x301xf32>
    %dot_general3A_148 = tpu.matmul %slice3A_143, %transpose3A_146, %dot_general3A_147 {dimension_numbers = #tpu.dot_dimension_numbers<[1], [0], [0], [1], [0, 0, 1, 1], [], []>, transpose_lhs_hint = false} : vector<301x16xf32>, vector<16x301xf32>, vector<301x301xf32> -> vector<301x301xf32>
    %mul3A_149 = arith.constant 2.500000e-01 : f32
    %mul3A_150 = vector.broadcast %mul3A_149 : f32 to vector<301x301xf32>
    %mul3A_151 = arith.mulf %dot_general3A_148, %mul3A_150 : vector<301x301xf32>
    %reduce_max3A_152 = arith.constant dense<0xFF800000> : vector<301xf32>
    %reduce_max3A_153 = vector.multi_reduction <maximumf>, %mul3A_151, %reduce_max3A_152 [1] : vector<301x301xf32> to vector<301xf32>
    %broadcast_in_dim3A_154 = vector.shape_cast %reduce_max3A_153 : vector<301xf32> to vector<301x1xf32>
    %sub3A_155 = vector.broadcast %broadcast_in_dim3A_154 : vector<301x1xf32> to vector<301x301xf32>
    %sub3A_156 = arith.subf %mul3A_151, %sub3A_155 : vector<301x301xf32>
    %exp3A_157 = math.exp %sub3A_156 : vector<301x301xf32>
    %reduce_sum3A_158 = arith.constant dense<0.000000e+00> : vector<301xf32>
    %reduce_sum3A_159 = vector.multi_reduction <add>, %exp3A_157, %reduce_sum3A_158 [1] : vector<301x301xf32> to vector<301xf32>
    %broadcast_in_dim3A_160 = vector.shape_cast %reduce_sum3A_159 : vector<301xf32> to vector<301x1xf32>
    %div3A_161 = vector.broadcast %broadcast_in_dim3A_160 : vector<301x1xf32> to vector<301x301xf32>
    %div3A_162 = arith.divf %exp3A_157, %div3A_161 : vector<301x301xf32>
    %dot_general3A_163 = arith.constant dense<0.000000e+00> : vector<301x16xf32>
    %dot_general3A_164 = tpu.matmul %div3A_162, %slice3A_145, %dot_general3A_163 {dimension_numbers = #tpu.dot_dimension_numbers<[1], [0], [0], [1], [0, 0, 1, 1], [], []>, transpose_lhs_hint = false} : vector<301x301xf32>, vector<301x16xf32>, vector<301x16xf32> -> vector<301x16xf32>
    %slice3A_165 = vector.extract_strided_slice %dot_general3A_58 {offsets = [0, 80], sizes = [301, 16], strides = [1, 1]} : vector<301x128xf32> to vector<301x16xf32>
    %slice3A_166 = vector.extract_strided_slice %dot_general3A_60 {offsets = [0, 80], sizes = [301, 16], strides = [1, 1]} : vector<301x128xf32> to vector<301x16xf32>
    %slice3A_167 = vector.extract_strided_slice %dot_general3A_62 {offsets = [0, 80], sizes = [301, 16], strides = [1, 1]} : vector<301x128xf32> to vector<301x16xf32>
    %transpose3A_168 = tpu.transpose %slice3A_166, [1, 0] : vector<301x16xf32> -> vector<16x301xf32>
    %dot_general3A_169 = arith.constant dense<0.000000e+00> : vector<301x301xf32>
    %dot_general3A_170 = tpu.matmul %slice3A_165, %transpose3A_168, %dot_general3A_169 {dimension_numbers = #tpu.dot_dimension_numbers<[1], [0], [0], [1], [0, 0, 1, 1], [], []>, transpose_lhs_hint = false} : vector<301x16xf32>, vector<16x301xf32>, vector<301x301xf32> -> vector<301x301xf32>
    %mul3A_171 = arith.constant 2.500000e-01 : f32
    %mul3A_172 = vector.broadcast %mul3A_171 : f32 to vector<301x301xf32>
    %mul3A_173 = arith.mulf %dot_general3A_170, %mul3A_172 : vector<301x301xf32>
    %reduce_max3A_174 = arith.constant dense<0xFF800000> : vector<301xf32>
    %reduce_max3A_175 = vector.multi_reduction <maximumf>, %mul3A_173, %reduce_max3A_174 [1] : vector<301x301xf32> to vector<301xf32>
    %broadcast_in_dim3A_176 = vector.shape_cast %reduce_max3A_175 : vector<301xf32> to vector<301x1xf32>
    %sub3A_177 = vector.broadcast %broadcast_in_dim3A_176 : vector<301x1xf32> to vector<301x301xf32>
    %sub3A_178 = arith.subf %mul3A_173, %sub3A_177 : vector<301x301xf32>
    %exp3A_179 = math.exp %sub3A_178 : vector<301x301xf32>
    %reduce_sum3A_180 = arith.constant dense<0.000000e+00> : vector<301xf32>
    %reduce_sum3A_181 = vector.multi_reduction <add>, %exp3A_179, %reduce_sum3A_180 [1] : vector<301x301xf32> to vector<301xf32>
    %broadcast_in_dim3A_182 = vector.shape_cast %reduce_sum3A_181 : vector<301xf32> to vector<301x1xf32>
    %div3A_183 = vector.broadcast %broadcast_in_dim3A_182 : vector<301x1xf32> to vector<301x301xf32>
    %div3A_184 = arith.divf %exp3A_179, %div3A_183 : vector<301x301xf32>
    %dot_general3A_185 = arith.constant dense<0.000000e+00> : vector<301x16xf32>
    %dot_general3A_186 = tpu.matmul %div3A_184, %slice3A_167, %dot_general3A_185 {dimension_numbers = #tpu.dot_dimension_numbers<[1], [0], [0], [1], [0, 0, 1, 1], [], []>, transpose_lhs_hint = false} : vector<301x301xf32>, vector<301x16xf32>, vector<301x16xf32> -> vector<301x16xf32>
    %slice3A_187 = vector.extract_strided_slice %dot_general3A_58 {offsets = [0, 96], sizes = [301, 16], strides = [1, 1]} : vector<301x128xf32> to vector<301x16xf32>
    %slice3A_188 = vector.extract_strided_slice %dot_general3A_60 {offsets = [0, 96], sizes = [301, 16], strides = [1, 1]} : vector<301x128xf32> to vector<301x16xf32>
    %slice3A_189 = vector.extract_strided_slice %dot_general3A_62 {offsets = [0, 96], sizes = [301, 16], strides = [1, 1]} : vector<301x128xf32> to vector<301x16xf32>
    %transpose3A_190 = tpu.transpose %slice3A_188, [1, 0] : vector<301x16xf32> -> vector<16x301xf32>
    %dot_general3A_191 = arith.constant dense<0.000000e+00> : vector<301x301xf32>
    %dot_general3A_192 = tpu.matmul %slice3A_187, %transpose3A_190, %dot_general3A_191 {dimension_numbers = #tpu.dot_dimension_numbers<[1], [0], [0], [1], [0, 0, 1, 1], [], []>, transpose_lhs_hint = false} : vector<301x16xf32>, vector<16x301xf32>, vector<301x301xf32> -> vector<301x301xf32>
    %mul3A_193 = arith.constant 2.500000e-01 : f32
    %mul3A_194 = vector.broadcast %mul3A_193 : f32 to vector<301x301xf32>
    %mul3A_195 = arith.mulf %dot_general3A_192, %mul3A_194 : vector<301x301xf32>
    %reduce_max3A_196 = arith.constant dense<0xFF800000> : vector<301xf32>
    %reduce_max3A_197 = vector.multi_reduction <maximumf>, %mul3A_195, %reduce_max3A_196 [1] : vector<301x301xf32> to vector<301xf32>
    %broadcast_in_dim3A_198 = vector.shape_cast %reduce_max3A_197 : vector<301xf32> to vector<301x1xf32>
    %sub3A_199 = vector.broadcast %broadcast_in_dim3A_198 : vector<301x1xf32> to vector<301x301xf32>
    %sub3A_200 = arith.subf %mul3A_195, %sub3A_199 : vector<301x301xf32>
    %exp3A_201 = math.exp %sub3A_200 : vector<301x301xf32>
    %reduce_sum3A_202 = arith.constant dense<0.000000e+00> : vector<301xf32>
    %reduce_sum3A_203 = vector.multi_reduction <add>, %exp3A_201, %reduce_sum3A_202 [1] : vector<301x301xf32> to vector<301xf32>
    %broadcast_in_dim3A_204 = vector.shape_cast %reduce_sum3A_203 : vector<301xf32> to vector<301x1xf32>
    %div3A_205 = vector.broadcast %broadcast_in_dim3A_204 : vector<301x1xf32> to vector<301x301xf32>
    %div3A_206 = arith.divf %exp3A_201, %div3A_205 : vector<301x301xf32>
    %dot_general3A_207 = arith.constant dense<0.000000e+00> : vector<301x16xf32>
    %dot_general3A_208 = tpu.matmul %div3A_206, %slice3A_189, %dot_general3A_207 {dimension_numbers = #tpu.dot_dimension_numbers<[1], [0], [0], [1], [0, 0, 1, 1], [], []>, transpose_lhs_hint = false} : vector<301x301xf32>, vector<301x16xf32>, vector<301x16xf32> -> vector<301x16xf32>
    %slice3A_209 = vector.extract_strided_slice %dot_general3A_58 {offsets = [0, 112], sizes = [301, 16], strides = [1, 1]} : vector<301x128xf32> to vector<301x16xf32>
    %slice3A_210 = vector.extract_strided_slice %dot_general3A_60 {offsets = [0, 112], sizes = [301, 16], strides = [1, 1]} : vector<301x128xf32> to vector<301x16xf32>
    %slice3A_211 = vector.extract_strided_slice %dot_general3A_62 {offsets = [0, 112], sizes = [301, 16], strides = [1, 1]} : vector<301x128xf32> to vector<301x16xf32>
    %transpose3A_212 = tpu.transpose %slice3A_210, [1, 0] : vector<301x16xf32> -> vector<16x301xf32>
    %dot_general3A_213 = arith.constant dense<0.000000e+00> : vector<301x301xf32>
    %dot_general3A_214 = tpu.matmul %slice3A_209, %transpose3A_212, %dot_general3A_213 {dimension_numbers = #tpu.dot_dimension_numbers<[1], [0], [0], [1], [0, 0, 1, 1], [], []>, transpose_lhs_hint = false} : vector<301x16xf32>, vector<16x301xf32>, vector<301x301xf32> -> vector<301x301xf32>
    %mul3A_215 = arith.constant 2.500000e-01 : f32
    %mul3A_216 = vector.broadcast %mul3A_215 : f32 to vector<301x301xf32>
    %mul3A_217 = arith.mulf %dot_general3A_214, %mul3A_216 : vector<301x301xf32>
    %reduce_max3A_218 = arith.constant dense<0xFF800000> : vector<301xf32>
    %reduce_max3A_219 = vector.multi_reduction <maximumf>, %mul3A_217, %reduce_max3A_218 [1] : vector<301x301xf32> to vector<301xf32>
    %broadcast_in_dim3A_220 = vector.shape_cast %reduce_max3A_219 : vector<301xf32> to vector<301x1xf32>
    %sub3A_221 = vector.broadcast %broadcast_in_dim3A_220 : vector<301x1xf32> to vector<301x301xf32>
    %sub3A_222 = arith.subf %mul3A_217, %sub3A_221 : vector<301x301xf32>
    %exp3A_223 = math.exp %sub3A_222 : vector<301x301xf32>
    %reduce_sum3A_224 = arith.constant dense<0.000000e+00> : vector<301xf32>
    %reduce_sum3A_225 = vector.multi_reduction <add>, %exp3A_223, %reduce_sum3A_224 [1] : vector<301x301xf32> to vector<301xf32>
    %broadcast_in_dim3A_226 = vector.shape_cast %reduce_sum3A_225 : vector<301xf32> to vector<301x1xf32>
    %div3A_227 = vector.broadcast %broadcast_in_dim3A_226 : vector<301x1xf32> to vector<301x301xf32>
    %div3A_228 = arith.divf %exp3A_223, %div3A_227 : vector<301x301xf32>
    %dot_general3A_229 = arith.constant dense<0.000000e+00> : vector<301x16xf32>
    %dot_general3A_230 = tpu.matmul %div3A_228, %slice3A_211, %dot_general3A_229 {dimension_numbers = #tpu.dot_dimension_numbers<[1], [0], [0], [1], [0, 0, 1, 1], [], []>, transpose_lhs_hint = false} : vector<301x301xf32>, vector<301x16xf32>, vector<301x16xf32> -> vector<301x16xf32>
    %concatenate3A = tpu.concatenate %dot_general3A_76, %dot_general3A_98, %dot_general3A_120, %dot_general3A_142, %dot_general3A_164, %dot_general3A_186, %dot_general3A_208, %dot_general3A_230 in 1 : vector<301x16xf32>, vector<301x16xf32>, vector<301x16xf32>, vector<301x16xf32>, vector<301x16xf32>, vector<301x16xf32>, vector<301x16xf32>, vector<301x16xf32> -> vector<301x128xf32>
    %dot_general3A_231 = arith.constant dense<0.000000e+00> : vector<301x128xf32>
    %dot_general3A_232 = tpu.matmul %concatenate3A, %get3A_31, %dot_general3A_231 {dimension_numbers = #tpu.dot_dimension_numbers<[1], [0], [0], [1], [0, 0, 1, 1], [], []>, transpose_lhs_hint = false} : vector<301x128xf32>, vector<128x128xf32>, vector<301x128xf32> -> vector<301x128xf32>
    %add3A_233 = arith.addf %add3A_11, %dot_general3A_232 : vector<301x128xf32>
    %add3A_234 = vector.broadcast %get3A_36 : vector<1x128xf32> to vector<301x128xf32>
    %add3A_235 = arith.addf %add3A_233, %add3A_234 : vector<301x128xf32>
    %dot_general3A_236 = arith.constant dense<0.000000e+00> : vector<301x512xf32>
    %dot_general3A_237 = tpu.matmul %add3A_235, %get3A_41, %dot_general3A_236 {dimension_numbers = #tpu.dot_dimension_numbers<[1], [0], [0], [1], [0, 0, 1, 1], [], []>, transpose_lhs_hint = false} : vector<301x128xf32>, vector<128x512xf32>, vector<301x512xf32> -> vector<301x512xf32>
    %add3A_238 = vector.broadcast %get3A_46 : vector<1x512xf32> to vector<301x512xf32>
    %add3A_239 = arith.addf %dot_general3A_237, %add3A_238 : vector<301x512xf32>
    %max3A = arith.constant 0.000000e+00 : f32
    %max3A_240 = vector.broadcast %max3A : f32 to vector<301x512xf32>
    %max3A_241 = arith.maximumf %add3A_239, %max3A_240 : vector<301x512xf32>
    %dot_general3A_242 = arith.constant dense<0.000000e+00> : vector<301x128xf32>
    %dot_general3A_243 = tpu.matmul %max3A_241, %get3A_51, %dot_general3A_242 {dimension_numbers = #tpu.dot_dimension_numbers<[1], [0], [0], [1], [0, 0, 1, 1], [], []>, transpose_lhs_hint = false} : vector<301x512xf32>, vector<512x128xf32>, vector<301x128xf32> -> vector<301x128xf32>
    %add3A_244 = vector.broadcast %get3A_56 : vector<1x128xf32> to vector<301x128xf32>
    %add3A_245 = arith.addf %dot_general3A_243, %add3A_244 : vector<301x128xf32>
    %add3A_246 = arith.addf %add3A_235, %add3A_245 : vector<301x128xf32>
    %get3A_247 = arith.constant 1 : index
    %get3A_248 = arith.constant 0 : index
    %get3A_249 = arith.constant 0 : index
    %get3A_250 = vector.load %arg5[%get3A_247, %get3A_248, %get3A_249] : memref<3x128x128xf32, #tpu.memory_space<vmem>>, vector<1x128x128xf32>
    %get3A_251 = vector.shape_cast %get3A_250 : vector<1x128x128xf32> to vector<128x128xf32>
    %get3A_252 = arith.constant 1 : index
    %get3A_253 = arith.constant 0 : index
    %get3A_254 = arith.constant 0 : index
    %get3A_255 = vector.load %arg6[%get3A_252, %get3A_253, %get3A_254] : memref<3x128x128xf32, #tpu.memory_space<vmem>>, vector<1x128x128xf32>
    %get3A_256 = vector.shape_cast %get3A_255 : vector<1x128x128xf32> to vector<128x128xf32>
    %get3A_257 = arith.constant 1 : index
    %get3A_258 = arith.constant 0 : index
    %get3A_259 = arith.constant 0 : index
    %get3A_260 = vector.load %arg7[%get3A_257, %get3A_258, %get3A_259] : memref<3x128x128xf32, #tpu.memory_space<vmem>>, vector<1x128x128xf32>
    %get3A_261 = vector.shape_cast %get3A_260 : vector<1x128x128xf32> to vector<128x128xf32>
    %get3A_262 = arith.constant 1 : index
    %get3A_263 = arith.constant 0 : index
    %get3A_264 = arith.constant 0 : index
    %get3A_265 = vector.load %arg8[%get3A_262, %get3A_263, %get3A_264] : memref<3x128x128xf32, #tpu.memory_space<vmem>>, vector<1x128x128xf32>
    %get3A_266 = vector.shape_cast %get3A_265 : vector<1x128x128xf32> to vector<128x128xf32>
    %get3A_267 = arith.constant 1 : index
    %get3A_268 = arith.constant 0 : index
    %get3A_269 = arith.constant 0 : index
    %get3A_270 = vector.load %arg9[%get3A_267, %get3A_268, %get3A_269] : memref<3x1x128xf32, #tpu.memory_space<vmem>>, vector<1x1x128xf32>
    %get3A_271 = vector.shape_cast %get3A_270 : vector<1x1x128xf32> to vector<1x128xf32>
    %get3A_272 = arith.constant 1 : index
    %get3A_273 = arith.constant 0 : index
    %get3A_274 = arith.constant 0 : index
    %get3A_275 = vector.load %arg10[%get3A_272, %get3A_273, %get3A_274] : memref<3x128x512xf32, #tpu.memory_space<vmem>>, vector<1x128x512xf32>
    %get3A_276 = vector.shape_cast %get3A_275 : vector<1x128x512xf32> to vector<128x512xf32>
    %get3A_277 = arith.constant 1 : index
    %get3A_278 = arith.constant 0 : index
    %get3A_279 = arith.constant 0 : index
    %get3A_280 = vector.load %arg11[%get3A_277, %get3A_278, %get3A_279] : memref<3x1x512xf32, #tpu.memory_space<vmem>>, vector<1x1x512xf32>
    %get3A_281 = vector.shape_cast %get3A_280 : vector<1x1x512xf32> to vector<1x512xf32>
    %get3A_282 = arith.constant 1 : index
    %get3A_283 = arith.constant 0 : index
    %get3A_284 = arith.constant 0 : index
    %get3A_285 = vector.load %arg12[%get3A_282, %get3A_283, %get3A_284] : memref<3x512x128xf32, #tpu.memory_space<vmem>>, vector<1x512x128xf32>
    %get3A_286 = vector.shape_cast %get3A_285 : vector<1x512x128xf32> to vector<512x128xf32>
    %get3A_287 = arith.constant 1 : index
    %get3A_288 = arith.constant 0 : index
    %get3A_289 = arith.constant 0 : index
    %get3A_290 = vector.load %arg13[%get3A_287, %get3A_288, %get3A_289] : memref<3x1x128xf32, #tpu.memory_space<vmem>>, vector<1x1x128xf32>
    %get3A_291 = vector.shape_cast %get3A_290 : vector<1x1x128xf32> to vector<1x128xf32>
    %dot_general3A_292 = arith.constant dense<0.000000e+00> : vector<301x128xf32>
    %dot_general3A_293 = tpu.matmul %add3A_246, %get3A_251, %dot_general3A_292 {dimension_numbers = #tpu.dot_dimension_numbers<[1], [0], [0], [1], [0, 0, 1, 1], [], []>, transpose_lhs_hint = false} : vector<301x128xf32>, vector<128x128xf32>, vector<301x128xf32> -> vector<301x128xf32>
    %dot_general3A_294 = arith.constant dense<0.000000e+00> : vector<301x128xf32>
    %dot_general3A_295 = tpu.matmul %add3A_246, %get3A_256, %dot_general3A_294 {dimension_numbers = #tpu.dot_dimension_numbers<[1], [0], [0], [1], [0, 0, 1, 1], [], []>, transpose_lhs_hint = false} : vector<301x128xf32>, vector<128x128xf32>, vector<301x128xf32> -> vector<301x128xf32>
    %dot_general3A_296 = arith.constant dense<0.000000e+00> : vector<301x128xf32>
    %dot_general3A_297 = tpu.matmul %add3A_246, %get3A_261, %dot_general3A_296 {dimension_numbers = #tpu.dot_dimension_numbers<[1], [0], [0], [1], [0, 0, 1, 1], [], []>, transpose_lhs_hint = false} : vector<301x128xf32>, vector<128x128xf32>, vector<301x128xf32> -> vector<301x128xf32>
    %slice3A_298 = vector.extract_strided_slice %dot_general3A_293 {offsets = [0, 0], sizes = [301, 16], strides = [1, 1]} : vector<301x128xf32> to vector<301x16xf32>
    %slice3A_299 = vector.extract_strided_slice %dot_general3A_295 {offsets = [0, 0], sizes = [301, 16], strides = [1, 1]} : vector<301x128xf32> to vector<301x16xf32>
    %slice3A_300 = vector.extract_strided_slice %dot_general3A_297 {offsets = [0, 0], sizes = [301, 16], strides = [1, 1]} : vector<301x128xf32> to vector<301x16xf32>
    %transpose3A_301 = tpu.transpose %slice3A_299, [1, 0] : vector<301x16xf32> -> vector<16x301xf32>
    %dot_general3A_302 = arith.constant dense<0.000000e+00> : vector<301x301xf32>
    %dot_general3A_303 = tpu.matmul %slice3A_298, %transpose3A_301, %dot_general3A_302 {dimension_numbers = #tpu.dot_dimension_numbers<[1], [0], [0], [1], [0, 0, 1, 1], [], []>, transpose_lhs_hint = false} : vector<301x16xf32>, vector<16x301xf32>, vector<301x301xf32> -> vector<301x301xf32>
    %mul3A_304 = arith.constant 2.500000e-01 : f32
    %mul3A_305 = vector.broadcast %mul3A_304 : f32 to vector<301x301xf32>
    %mul3A_306 = arith.mulf %dot_general3A_303, %mul3A_305 : vector<301x301xf32>
    %reduce_max3A_307 = arith.constant dense<0xFF800000> : vector<301xf32>
    %reduce_max3A_308 = vector.multi_reduction <maximumf>, %mul3A_306, %reduce_max3A_307 [1] : vector<301x301xf32> to vector<301xf32>
    %broadcast_in_dim3A_309 = vector.shape_cast %reduce_max3A_308 : vector<301xf32> to vector<301x1xf32>
    %sub3A_310 = vector.broadcast %broadcast_in_dim3A_309 : vector<301x1xf32> to vector<301x301xf32>
    %sub3A_311 = arith.subf %mul3A_306, %sub3A_310 : vector<301x301xf32>
    %exp3A_312 = math.exp %sub3A_311 : vector<301x301xf32>
    %reduce_sum3A_313 = arith.constant dense<0.000000e+00> : vector<301xf32>
    %reduce_sum3A_314 = vector.multi_reduction <add>, %exp3A_312, %reduce_sum3A_313 [1] : vector<301x301xf32> to vector<301xf32>
    %broadcast_in_dim3A_315 = vector.shape_cast %reduce_sum3A_314 : vector<301xf32> to vector<301x1xf32>
    %div3A_316 = vector.broadcast %broadcast_in_dim3A_315 : vector<301x1xf32> to vector<301x301xf32>
    %div3A_317 = arith.divf %exp3A_312, %div3A_316 : vector<301x301xf32>
    %dot_general3A_318 = arith.constant dense<0.000000e+00> : vector<301x16xf32>
    %dot_general3A_319 = tpu.matmul %div3A_317, %slice3A_300, %dot_general3A_318 {dimension_numbers = #tpu.dot_dimension_numbers<[1], [0], [0], [1], [0, 0, 1, 1], [], []>, transpose_lhs_hint = false} : vector<301x301xf32>, vector<301x16xf32>, vector<301x16xf32> -> vector<301x16xf32>
    %slice3A_320 = vector.extract_strided_slice %dot_general3A_293 {offsets = [0, 16], sizes = [301, 16], strides = [1, 1]} : vector<301x128xf32> to vector<301x16xf32>
    %slice3A_321 = vector.extract_strided_slice %dot_general3A_295 {offsets = [0, 16], sizes = [301, 16], strides = [1, 1]} : vector<301x128xf32> to vector<301x16xf32>
    %slice3A_322 = vector.extract_strided_slice %dot_general3A_297 {offsets = [0, 16], sizes = [301, 16], strides = [1, 1]} : vector<301x128xf32> to vector<301x16xf32>
    %transpose3A_323 = tpu.transpose %slice3A_321, [1, 0] : vector<301x16xf32> -> vector<16x301xf32>
    %dot_general3A_324 = arith.constant dense<0.000000e+00> : vector<301x301xf32>
    %dot_general3A_325 = tpu.matmul %slice3A_320, %transpose3A_323, %dot_general3A_324 {dimension_numbers = #tpu.dot_dimension_numbers<[1], [0], [0], [1], [0, 0, 1, 1], [], []>, transpose_lhs_hint = false} : vector<301x16xf32>, vector<16x301xf32>, vector<301x301xf32> -> vector<301x301xf32>
    %mul3A_326 = arith.constant 2.500000e-01 : f32
    %mul3A_327 = vector.broadcast %mul3A_326 : f32 to vector<301x301xf32>
    %mul3A_328 = arith.mulf %dot_general3A_325, %mul3A_327 : vector<301x301xf32>
    %reduce_max3A_329 = arith.constant dense<0xFF800000> : vector<301xf32>
    %reduce_max3A_330 = vector.multi_reduction <maximumf>, %mul3A_328, %reduce_max3A_329 [1] : vector<301x301xf32> to vector<301xf32>
    %broadcast_in_dim3A_331 = vector.shape_cast %reduce_max3A_330 : vector<301xf32> to vector<301x1xf32>
    %sub3A_332 = vector.broadcast %broadcast_in_dim3A_331 : vector<301x1xf32> to vector<301x301xf32>
    %sub3A_333 = arith.subf %mul3A_328, %sub3A_332 : vector<301x301xf32>
    %exp3A_334 = math.exp %sub3A_333 : vector<301x301xf32>
    %reduce_sum3A_335 = arith.constant dense<0.000000e+00> : vector<301xf32>
    %reduce_sum3A_336 = vector.multi_reduction <add>, %exp3A_334, %reduce_sum3A_335 [1] : vector<301x301xf32> to vector<301xf32>
    %broadcast_in_dim3A_337 = vector.shape_cast %reduce_sum3A_336 : vector<301xf32> to vector<301x1xf32>
    %div3A_338 = vector.broadcast %broadcast_in_dim3A_337 : vector<301x1xf32> to vector<301x301xf32>
    %div3A_339 = arith.divf %exp3A_334, %div3A_338 : vector<301x301xf32>
    %dot_general3A_340 = arith.constant dense<0.000000e+00> : vector<301x16xf32>
    %dot_general3A_341 = tpu.matmul %div3A_339, %slice3A_322, %dot_general3A_340 {dimension_numbers = #tpu.dot_dimension_numbers<[1], [0], [0], [1], [0, 0, 1, 1], [], []>, transpose_lhs_hint = false} : vector<301x301xf32>, vector<301x16xf32>, vector<301x16xf32> -> vector<301x16xf32>
    %slice3A_342 = vector.extract_strided_slice %dot_general3A_293 {offsets = [0, 32], sizes = [301, 16], strides = [1, 1]} : vector<301x128xf32> to vector<301x16xf32>
    %slice3A_343 = vector.extract_strided_slice %dot_general3A_295 {offsets = [0, 32], sizes = [301, 16], strides = [1, 1]} : vector<301x128xf32> to vector<301x16xf32>
    %slice3A_344 = vector.extract_strided_slice %dot_general3A_297 {offsets = [0, 32], sizes = [301, 16], strides = [1, 1]} : vector<301x128xf32> to vector<301x16xf32>
    %transpose3A_345 = tpu.transpose %slice3A_343, [1, 0] : vector<301x16xf32> -> vector<16x301xf32>
    %dot_general3A_346 = arith.constant dense<0.000000e+00> : vector<301x301xf32>
    %dot_general3A_347 = tpu.matmul %slice3A_342, %transpose3A_345, %dot_general3A_346 {dimension_numbers = #tpu.dot_dimension_numbers<[1], [0], [0], [1], [0, 0, 1, 1], [], []>, transpose_lhs_hint = false} : vector<301x16xf32>, vector<16x301xf32>, vector<301x301xf32> -> vector<301x301xf32>
    %mul3A_348 = arith.constant 2.500000e-01 : f32
    %mul3A_349 = vector.broadcast %mul3A_348 : f32 to vector<301x301xf32>
    %mul3A_350 = arith.mulf %dot_general3A_347, %mul3A_349 : vector<301x301xf32>
    %reduce_max3A_351 = arith.constant dense<0xFF800000> : vector<301xf32>
    %reduce_max3A_352 = vector.multi_reduction <maximumf>, %mul3A_350, %reduce_max3A_351 [1] : vector<301x301xf32> to vector<301xf32>
    %broadcast_in_dim3A_353 = vector.shape_cast %reduce_max3A_352 : vector<301xf32> to vector<301x1xf32>
    %sub3A_354 = vector.broadcast %broadcast_in_dim3A_353 : vector<301x1xf32> to vector<301x301xf32>
    %sub3A_355 = arith.subf %mul3A_350, %sub3A_354 : vector<301x301xf32>
    %exp3A_356 = math.exp %sub3A_355 : vector<301x301xf32>
    %reduce_sum3A_357 = arith.constant dense<0.000000e+00> : vector<301xf32>
    %reduce_sum3A_358 = vector.multi_reduction <add>, %exp3A_356, %reduce_sum3A_357 [1] : vector<301x301xf32> to vector<301xf32>
    %broadcast_in_dim3A_359 = vector.shape_cast %reduce_sum3A_358 : vector<301xf32> to vector<301x1xf32>
    %div3A_360 = vector.broadcast %broadcast_in_dim3A_359 : vector<301x1xf32> to vector<301x301xf32>
    %div3A_361 = arith.divf %exp3A_356, %div3A_360 : vector<301x301xf32>
    %dot_general3A_362 = arith.constant dense<0.000000e+00> : vector<301x16xf32>
    %dot_general3A_363 = tpu.matmul %div3A_361, %slice3A_344, %dot_general3A_362 {dimension_numbers = #tpu.dot_dimension_numbers<[1], [0], [0], [1], [0, 0, 1, 1], [], []>, transpose_lhs_hint = false} : vector<301x301xf32>, vector<301x16xf32>, vector<301x16xf32> -> vector<301x16xf32>
    %slice3A_364 = vector.extract_strided_slice %dot_general3A_293 {offsets = [0, 48], sizes = [301, 16], strides = [1, 1]} : vector<301x128xf32> to vector<301x16xf32>
    %slice3A_365 = vector.extract_strided_slice %dot_general3A_295 {offsets = [0, 48], sizes = [301, 16], strides = [1, 1]} : vector<301x128xf32> to vector<301x16xf32>
    %slice3A_366 = vector.extract_strided_slice %dot_general3A_297 {offsets = [0, 48], sizes = [301, 16], strides = [1, 1]} : vector<301x128xf32> to vector<301x16xf32>
    %transpose3A_367 = tpu.transpose %slice3A_365, [1, 0] : vector<301x16xf32> -> vector<16x301xf32>
    %dot_general3A_368 = arith.constant dense<0.000000e+00> : vector<301x301xf32>
    %dot_general3A_369 = tpu.matmul %slice3A_364, %transpose3A_367, %dot_general3A_368 {dimension_numbers = #tpu.dot_dimension_numbers<[1], [0], [0], [1], [0, 0, 1, 1], [], []>, transpose_lhs_hint = false} : vector<301x16xf32>, vector<16x301xf32>, vector<301x301xf32> -> vector<301x301xf32>
    %mul3A_370 = arith.constant 2.500000e-01 : f32
    %mul3A_371 = vector.broadcast %mul3A_370 : f32 to vector<301x301xf32>
    %mul3A_372 = arith.mulf %dot_general3A_369, %mul3A_371 : vector<301x301xf32>
    %reduce_max3A_373 = arith.constant dense<0xFF800000> : vector<301xf32>
    %reduce_max3A_374 = vector.multi_reduction <maximumf>, %mul3A_372, %reduce_max3A_373 [1] : vector<301x301xf32> to vector<301xf32>
    %broadcast_in_dim3A_375 = vector.shape_cast %reduce_max3A_374 : vector<301xf32> to vector<301x1xf32>
    %sub3A_376 = vector.broadcast %broadcast_in_dim3A_375 : vector<301x1xf32> to vector<301x301xf32>
    %sub3A_377 = arith.subf %mul3A_372, %sub3A_376 : vector<301x301xf32>
    %exp3A_378 = math.exp %sub3A_377 : vector<301x301xf32>
    %reduce_sum3A_379 = arith.constant dense<0.000000e+00> : vector<301xf32>
    %reduce_sum3A_380 = vector.multi_reduction <add>, %exp3A_378, %reduce_sum3A_379 [1] : vector<301x301xf32> to vector<301xf32>
    %broadcast_in_dim3A_381 = vector.shape_cast %reduce_sum3A_380 : vector<301xf32> to vector<301x1xf32>
    %div3A_382 = vector.broadcast %broadcast_in_dim3A_381 : vector<301x1xf32> to vector<301x301xf32>
    %div3A_383 = arith.divf %exp3A_378, %div3A_382 : vector<301x301xf32>
    %dot_general3A_384 = arith.constant dense<0.000000e+00> : vector<301x16xf32>
    %dot_general3A_385 = tpu.matmul %div3A_383, %slice3A_366, %dot_general3A_384 {dimension_numbers = #tpu.dot_dimension_numbers<[1], [0], [0], [1], [0, 0, 1, 1], [], []>, transpose_lhs_hint = false} : vector<301x301xf32>, vector<301x16xf32>, vector<301x16xf32> -> vector<301x16xf32>
    %slice3A_386 = vector.extract_strided_slice %dot_general3A_293 {offsets = [0, 64], sizes = [301, 16], strides = [1, 1]} : vector<301x128xf32> to vector<301x16xf32>
    %slice3A_387 = vector.extract_strided_slice %dot_general3A_295 {offsets = [0, 64], sizes = [301, 16], strides = [1, 1]} : vector<301x128xf32> to vector<301x16xf32>
    %slice3A_388 = vector.extract_strided_slice %dot_general3A_297 {offsets = [0, 64], sizes = [301, 16], strides = [1, 1]} : vector<301x128xf32> to vector<301x16xf32>
    %transpose3A_389 = tpu.transpose %slice3A_387, [1, 0] : vector<301x16xf32> -> vector<16x301xf32>
    %dot_general3A_390 = arith.constant dense<0.000000e+00> : vector<301x301xf32>
    %dot_general3A_391 = tpu.matmul %slice3A_386, %transpose3A_389, %dot_general3A_390 {dimension_numbers = #tpu.dot_dimension_numbers<[1], [0], [0], [1], [0, 0, 1, 1], [], []>, transpose_lhs_hint = false} : vector<301x16xf32>, vector<16x301xf32>, vector<301x301xf32> -> vector<301x301xf32>
    %mul3A_392 = arith.constant 2.500000e-01 : f32
    %mul3A_393 = vector.broadcast %mul3A_392 : f32 to vector<301x301xf32>
    %mul3A_394 = arith.mulf %dot_general3A_391, %mul3A_393 : vector<301x301xf32>
    %reduce_max3A_395 = arith.constant dense<0xFF800000> : vector<301xf32>
    %reduce_max3A_396 = vector.multi_reduction <maximumf>, %mul3A_394, %reduce_max3A_395 [1] : vector<301x301xf32> to vector<301xf32>
    %broadcast_in_dim3A_397 = vector.shape_cast %reduce_max3A_396 : vector<301xf32> to vector<301x1xf32>
    %sub3A_398 = vector.broadcast %broadcast_in_dim3A_397 : vector<301x1xf32> to vector<301x301xf32>
    %sub3A_399 = arith.subf %mul3A_394, %sub3A_398 : vector<301x301xf32>
    %exp3A_400 = math.exp %sub3A_399 : vector<301x301xf32>
    %reduce_sum3A_401 = arith.constant dense<0.000000e+00> : vector<301xf32>
    %reduce_sum3A_402 = vector.multi_reduction <add>, %exp3A_400, %reduce_sum3A_401 [1] : vector<301x301xf32> to vector<301xf32>
    %broadcast_in_dim3A_403 = vector.shape_cast %reduce_sum3A_402 : vector<301xf32> to vector<301x1xf32>
    %div3A_404 = vector.broadcast %broadcast_in_dim3A_403 : vector<301x1xf32> to vector<301x301xf32>
    %div3A_405 = arith.divf %exp3A_400, %div3A_404 : vector<301x301xf32>
    %dot_general3A_406 = arith.constant dense<0.000000e+00> : vector<301x16xf32>
    %dot_general3A_407 = tpu.matmul %div3A_405, %slice3A_388, %dot_general3A_406 {dimension_numbers = #tpu.dot_dimension_numbers<[1], [0], [0], [1], [0, 0, 1, 1], [], []>, transpose_lhs_hint = false} : vector<301x301xf32>, vector<301x16xf32>, vector<301x16xf32> -> vector<301x16xf32>
    %slice3A_408 = vector.extract_strided_slice %dot_general3A_293 {offsets = [0, 80], sizes = [301, 16], strides = [1, 1]} : vector<301x128xf32> to vector<301x16xf32>
    %slice3A_409 = vector.extract_strided_slice %dot_general3A_295 {offsets = [0, 80], sizes = [301, 16], strides = [1, 1]} : vector<301x128xf32> to vector<301x16xf32>
    %slice3A_410 = vector.extract_strided_slice %dot_general3A_297 {offsets = [0, 80], sizes = [301, 16], strides = [1, 1]} : vector<301x128xf32> to vector<301x16xf32>
    %transpose3A_411 = tpu.transpose %slice3A_409, [1, 0] : vector<301x16xf32> -> vector<16x301xf32>
    %dot_general3A_412 = arith.constant dense<0.000000e+00> : vector<301x301xf32>
    %dot_general3A_413 = tpu.matmul %slice3A_408, %transpose3A_411, %dot_general3A_412 {dimension_numbers = #tpu.dot_dimension_numbers<[1], [0], [0], [1], [0, 0, 1, 1], [], []>, transpose_lhs_hint = false} : vector<301x16xf32>, vector<16x301xf32>, vector<301x301xf32> -> vector<301x301xf32>
    %mul3A_414 = arith.constant 2.500000e-01 : f32
    %mul3A_415 = vector.broadcast %mul3A_414 : f32 to vector<301x301xf32>
    %mul3A_416 = arith.mulf %dot_general3A_413, %mul3A_415 : vector<301x301xf32>
    %reduce_max3A_417 = arith.constant dense<0xFF800000> : vector<301xf32>
    %reduce_max3A_418 = vector.multi_reduction <maximumf>, %mul3A_416, %reduce_max3A_417 [1] : vector<301x301xf32> to vector<301xf32>
    %broadcast_in_dim3A_419 = vector.shape_cast %reduce_max3A_418 : vector<301xf32> to vector<301x1xf32>
    %sub3A_420 = vector.broadcast %broadcast_in_dim3A_419 : vector<301x1xf32> to vector<301x301xf32>
    %sub3A_421 = arith.subf %mul3A_416, %sub3A_420 : vector<301x301xf32>
    %exp3A_422 = math.exp %sub3A_421 : vector<301x301xf32>
    %reduce_sum3A_423 = arith.constant dense<0.000000e+00> : vector<301xf32>
    %reduce_sum3A_424 = vector.multi_reduction <add>, %exp3A_422, %reduce_sum3A_423 [1] : vector<301x301xf32> to vector<301xf32>
    %broadcast_in_dim3A_425 = vector.shape_cast %reduce_sum3A_424 : vector<301xf32> to vector<301x1xf32>
    %div3A_426 = vector.broadcast %broadcast_in_dim3A_425 : vector<301x1xf32> to vector<301x301xf32>
    %div3A_427 = arith.divf %exp3A_422, %div3A_426 : vector<301x301xf32>
    %dot_general3A_428 = arith.constant dense<0.000000e+00> : vector<301x16xf32>
    %dot_general3A_429 = tpu.matmul %div3A_427, %slice3A_410, %dot_general3A_428 {dimension_numbers = #tpu.dot_dimension_numbers<[1], [0], [0], [1], [0, 0, 1, 1], [], []>, transpose_lhs_hint = false} : vector<301x301xf32>, vector<301x16xf32>, vector<301x16xf32> -> vector<301x16xf32>
    %slice3A_430 = vector.extract_strided_slice %dot_general3A_293 {offsets = [0, 96], sizes = [301, 16], strides = [1, 1]} : vector<301x128xf32> to vector<301x16xf32>
    %slice3A_431 = vector.extract_strided_slice %dot_general3A_295 {offsets = [0, 96], sizes = [301, 16], strides = [1, 1]} : vector<301x128xf32> to vector<301x16xf32>
    %slice3A_432 = vector.extract_strided_slice %dot_general3A_297 {offsets = [0, 96], sizes = [301, 16], strides = [1, 1]} : vector<301x128xf32> to vector<301x16xf32>
    %transpose3A_433 = tpu.transpose %slice3A_431, [1, 0] : vector<301x16xf32> -> vector<16x301xf32>
    %dot_general3A_434 = arith.constant dense<0.000000e+00> : vector<301x301xf32>
    %dot_general3A_435 = tpu.matmul %slice3A_430, %transpose3A_433, %dot_general3A_434 {dimension_numbers = #tpu.dot_dimension_numbers<[1], [0], [0], [1], [0, 0, 1, 1], [], []>, transpose_lhs_hint = false} : vector<301x16xf32>, vector<16x301xf32>, vector<301x301xf32> -> vector<301x301xf32>
    %mul3A_436 = arith.constant 2.500000e-01 : f32
    %mul3A_437 = vector.broadcast %mul3A_436 : f32 to vector<301x301xf32>
    %mul3A_438 = arith.mulf %dot_general3A_435, %mul3A_437 : vector<301x301xf32>
    %reduce_max3A_439 = arith.constant dense<0xFF800000> : vector<301xf32>
    %reduce_max3A_440 = vector.multi_reduction <maximumf>, %mul3A_438, %reduce_max3A_439 [1] : vector<301x301xf32> to vector<301xf32>
    %broadcast_in_dim3A_441 = vector.shape_cast %reduce_max3A_440 : vector<301xf32> to vector<301x1xf32>
    %sub3A_442 = vector.broadcast %broadcast_in_dim3A_441 : vector<301x1xf32> to vector<301x301xf32>
    %sub3A_443 = arith.subf %mul3A_438, %sub3A_442 : vector<301x301xf32>
    %exp3A_444 = math.exp %sub3A_443 : vector<301x301xf32>
    %reduce_sum3A_445 = arith.constant dense<0.000000e+00> : vector<301xf32>
    %reduce_sum3A_446 = vector.multi_reduction <add>, %exp3A_444, %reduce_sum3A_445 [1] : vector<301x301xf32> to vector<301xf32>
    %broadcast_in_dim3A_447 = vector.shape_cast %reduce_sum3A_446 : vector<301xf32> to vector<301x1xf32>
    %div3A_448 = vector.broadcast %broadcast_in_dim3A_447 : vector<301x1xf32> to vector<301x301xf32>
    %div3A_449 = arith.divf %exp3A_444, %div3A_448 : vector<301x301xf32>
    %dot_general3A_450 = arith.constant dense<0.000000e+00> : vector<301x16xf32>
    %dot_general3A_451 = tpu.matmul %div3A_449, %slice3A_432, %dot_general3A_450 {dimension_numbers = #tpu.dot_dimension_numbers<[1], [0], [0], [1], [0, 0, 1, 1], [], []>, transpose_lhs_hint = false} : vector<301x301xf32>, vector<301x16xf32>, vector<301x16xf32> -> vector<301x16xf32>
    %slice3A_452 = vector.extract_strided_slice %dot_general3A_293 {offsets = [0, 112], sizes = [301, 16], strides = [1, 1]} : vector<301x128xf32> to vector<301x16xf32>
    %slice3A_453 = vector.extract_strided_slice %dot_general3A_295 {offsets = [0, 112], sizes = [301, 16], strides = [1, 1]} : vector<301x128xf32> to vector<301x16xf32>
    %slice3A_454 = vector.extract_strided_slice %dot_general3A_297 {offsets = [0, 112], sizes = [301, 16], strides = [1, 1]} : vector<301x128xf32> to vector<301x16xf32>
    %transpose3A_455 = tpu.transpose %slice3A_453, [1, 0] : vector<301x16xf32> -> vector<16x301xf32>
    %dot_general3A_456 = arith.constant dense<0.000000e+00> : vector<301x301xf32>
    %dot_general3A_457 = tpu.matmul %slice3A_452, %transpose3A_455, %dot_general3A_456 {dimension_numbers = #tpu.dot_dimension_numbers<[1], [0], [0], [1], [0, 0, 1, 1], [], []>, transpose_lhs_hint = false} : vector<301x16xf32>, vector<16x301xf32>, vector<301x301xf32> -> vector<301x301xf32>
    %mul3A_458 = arith.constant 2.500000e-01 : f32
    %mul3A_459 = vector.broadcast %mul3A_458 : f32 to vector<301x301xf32>
    %mul3A_460 = arith.mulf %dot_general3A_457, %mul3A_459 : vector<301x301xf32>
    %reduce_max3A_461 = arith.constant dense<0xFF800000> : vector<301xf32>
    %reduce_max3A_462 = vector.multi_reduction <maximumf>, %mul3A_460, %reduce_max3A_461 [1] : vector<301x301xf32> to vector<301xf32>
    %broadcast_in_dim3A_463 = vector.shape_cast %reduce_max3A_462 : vector<301xf32> to vector<301x1xf32>
    %sub3A_464 = vector.broadcast %broadcast_in_dim3A_463 : vector<301x1xf32> to vector<301x301xf32>
    %sub3A_465 = arith.subf %mul3A_460, %sub3A_464 : vector<301x301xf32>
    %exp3A_466 = math.exp %sub3A_465 : vector<301x301xf32>
    %reduce_sum3A_467 = arith.constant dense<0.000000e+00> : vector<301xf32>
    %reduce_sum3A_468 = vector.multi_reduction <add>, %exp3A_466, %reduce_sum3A_467 [1] : vector<301x301xf32> to vector<301xf32>
    %broadcast_in_dim3A_469 = vector.shape_cast %reduce_sum3A_468 : vector<301xf32> to vector<301x1xf32>
    %div3A_470 = vector.broadcast %broadcast_in_dim3A_469 : vector<301x1xf32> to vector<301x301xf32>
    %div3A_471 = arith.divf %exp3A_466, %div3A_470 : vector<301x301xf32>
    %dot_general3A_472 = arith.constant dense<0.000000e+00> : vector<301x16xf32>
    %dot_general3A_473 = tpu.matmul %div3A_471, %slice3A_454, %dot_general3A_472 {dimension_numbers = #tpu.dot_dimension_numbers<[1], [0], [0], [1], [0, 0, 1, 1], [], []>, transpose_lhs_hint = false} : vector<301x301xf32>, vector<301x16xf32>, vector<301x16xf32> -> vector<301x16xf32>
    %concatenate3A_474 = tpu.concatenate %dot_general3A_319, %dot_general3A_341, %dot_general3A_363, %dot_general3A_385, %dot_general3A_407, %dot_general3A_429, %dot_general3A_451, %dot_general3A_473 in 1 : vector<301x16xf32>, vector<301x16xf32>, vector<301x16xf32>, vector<301x16xf32>, vector<301x16xf32>, vector<301x16xf32>, vector<301x16xf32>, vector<301x16xf32> -> vector<301x128xf32>
    %dot_general3A_475 = arith.constant dense<0.000000e+00> : vector<301x128xf32>
    %dot_general3A_476 = tpu.matmul %concatenate3A_474, %get3A_266, %dot_general3A_475 {dimension_numbers = #tpu.dot_dimension_numbers<[1], [0], [0], [1], [0, 0, 1, 1], [], []>, transpose_lhs_hint = false} : vector<301x128xf32>, vector<128x128xf32>, vector<301x128xf32> -> vector<301x128xf32>
    %add3A_477 = arith.addf %add3A_246, %dot_general3A_476 : vector<301x128xf32>
    %add3A_478 = vector.broadcast %get3A_271 : vector<1x128xf32> to vector<301x128xf32>
    %add3A_479 = arith.addf %add3A_477, %add3A_478 : vector<301x128xf32>
    %dot_general3A_480 = arith.constant dense<0.000000e+00> : vector<301x512xf32>
    %dot_general3A_481 = tpu.matmul %add3A_479, %get3A_276, %dot_general3A_480 {dimension_numbers = #tpu.dot_dimension_numbers<[1], [0], [0], [1], [0, 0, 1, 1], [], []>, transpose_lhs_hint = false} : vector<301x128xf32>, vector<128x512xf32>, vector<301x512xf32> -> vector<301x512xf32>
    %add3A_482 = vector.broadcast %get3A_281 : vector<1x512xf32> to vector<301x512xf32>
    %add3A_483 = arith.addf %dot_general3A_481, %add3A_482 : vector<301x512xf32>
    %max3A_484 = arith.constant 0.000000e+00 : f32
    %max3A_485 = vector.broadcast %max3A_484 : f32 to vector<301x512xf32>
    %max3A_486 = arith.maximumf %add3A_483, %max3A_485 : vector<301x512xf32>
    %dot_general3A_487 = arith.constant dense<0.000000e+00> : vector<301x128xf32>
    %dot_general3A_488 = tpu.matmul %max3A_486, %get3A_286, %dot_general3A_487 {dimension_numbers = #tpu.dot_dimension_numbers<[1], [0], [0], [1], [0, 0, 1, 1], [], []>, transpose_lhs_hint = false} : vector<301x512xf32>, vector<512x128xf32>, vector<301x128xf32> -> vector<301x128xf32>
    %add3A_489 = vector.broadcast %get3A_291 : vector<1x128xf32> to vector<301x128xf32>
    %add3A_490 = arith.addf %dot_general3A_488, %add3A_489 : vector<301x128xf32>
    %add3A_491 = arith.addf %add3A_479, %add3A_490 : vector<301x128xf32>
    %get3A_492 = arith.constant 2 : index
    %get3A_493 = arith.constant 0 : index
    %get3A_494 = arith.constant 0 : index
    %get3A_495 = vector.load %arg5[%get3A_492, %get3A_493, %get3A_494] : memref<3x128x128xf32, #tpu.memory_space<vmem>>, vector<1x128x128xf32>
    %get3A_496 = vector.shape_cast %get3A_495 : vector<1x128x128xf32> to vector<128x128xf32>
    %get3A_497 = arith.constant 2 : index
    %get3A_498 = arith.constant 0 : index
    %get3A_499 = arith.constant 0 : index
    %get3A_500 = vector.load %arg6[%get3A_497, %get3A_498, %get3A_499] : memref<3x128x128xf32, #tpu.memory_space<vmem>>, vector<1x128x128xf32>
    %get3A_501 = vector.shape_cast %get3A_500 : vector<1x128x128xf32> to vector<128x128xf32>
    %get3A_502 = arith.constant 2 : index
    %get3A_503 = arith.constant 0 : index
    %get3A_504 = arith.constant 0 : index
    %get3A_505 = vector.load %arg7[%get3A_502, %get3A_503, %get3A_504] : memref<3x128x128xf32, #tpu.memory_space<vmem>>, vector<1x128x128xf32>
    %get3A_506 = vector.shape_cast %get3A_505 : vector<1x128x128xf32> to vector<128x128xf32>
    %get3A_507 = arith.constant 2 : index
    %get3A_508 = arith.constant 0 : index
    %get3A_509 = arith.constant 0 : index
    %get3A_510 = vector.load %arg8[%get3A_507, %get3A_508, %get3A_509] : memref<3x128x128xf32, #tpu.memory_space<vmem>>, vector<1x128x128xf32>
    %get3A_511 = vector.shape_cast %get3A_510 : vector<1x128x128xf32> to vector<128x128xf32>
    %get3A_512 = arith.constant 2 : index
    %get3A_513 = arith.constant 0 : index
    %get3A_514 = arith.constant 0 : index
    %get3A_515 = vector.load %arg9[%get3A_512, %get3A_513, %get3A_514] : memref<3x1x128xf32, #tpu.memory_space<vmem>>, vector<1x1x128xf32>
    %get3A_516 = vector.shape_cast %get3A_515 : vector<1x1x128xf32> to vector<1x128xf32>
    %get3A_517 = arith.constant 2 : index
    %get3A_518 = arith.constant 0 : index
    %get3A_519 = arith.constant 0 : index
    %get3A_520 = vector.load %arg10[%get3A_517, %get3A_518, %get3A_519] : memref<3x128x512xf32, #tpu.memory_space<vmem>>, vector<1x128x512xf32>
    %get3A_521 = vector.shape_cast %get3A_520 : vector<1x128x512xf32> to vector<128x512xf32>
    %get3A_522 = arith.constant 2 : index
    %get3A_523 = arith.constant 0 : index
    %get3A_524 = arith.constant 0 : index
    %get3A_525 = vector.load %arg11[%get3A_522, %get3A_523, %get3A_524] : memref<3x1x512xf32, #tpu.memory_space<vmem>>, vector<1x1x512xf32>
    %get3A_526 = vector.shape_cast %get3A_525 : vector<1x1x512xf32> to vector<1x512xf32>
    %get3A_527 = arith.constant 2 : index
    %get3A_528 = arith.constant 0 : index
    %get3A_529 = arith.constant 0 : index
    %get3A_530 = vector.load %arg12[%get3A_527, %get3A_528, %get3A_529] : memref<3x512x128xf32, #tpu.memory_space<vmem>>, vector<1x512x128xf32>
    %get3A_531 = vector.shape_cast %get3A_530 : vector<1x512x128xf32> to vector<512x128xf32>
    %get3A_532 = arith.constant 2 : index
    %get3A_533 = arith.constant 0 : index
    %get3A_534 = arith.constant 0 : index
    %get3A_535 = vector.load %arg13[%get3A_532, %get3A_533, %get3A_534] : memref<3x1x128xf32, #tpu.memory_space<vmem>>, vector<1x1x128xf32>
    %get3A_536 = vector.shape_cast %get3A_535 : vector<1x1x128xf32> to vector<1x128xf32>
    %dot_general3A_537 = arith.constant dense<0.000000e+00> : vector<301x128xf32>
    %dot_general3A_538 = tpu.matmul %add3A_491, %get3A_496, %dot_general3A_537 {dimension_numbers = #tpu.dot_dimension_numbers<[1], [0], [0], [1], [0, 0, 1, 1], [], []>, transpose_lhs_hint = false} : vector<301x128xf32>, vector<128x128xf32>, vector<301x128xf32> -> vector<301x128xf32>
    %dot_general3A_539 = arith.constant dense<0.000000e+00> : vector<301x128xf32>
    %dot_general3A_540 = tpu.matmul %add3A_491, %get3A_501, %dot_general3A_539 {dimension_numbers = #tpu.dot_dimension_numbers<[1], [0], [0], [1], [0, 0, 1, 1], [], []>, transpose_lhs_hint = false} : vector<301x128xf32>, vector<128x128xf32>, vector<301x128xf32> -> vector<301x128xf32>
    %dot_general3A_541 = arith.constant dense<0.000000e+00> : vector<301x128xf32>
    %dot_general3A_542 = tpu.matmul %add3A_491, %get3A_506, %dot_general3A_541 {dimension_numbers = #tpu.dot_dimension_numbers<[1], [0], [0], [1], [0, 0, 1, 1], [], []>, transpose_lhs_hint = false} : vector<301x128xf32>, vector<128x128xf32>, vector<301x128xf32> -> vector<301x128xf32>
    %slice3A_543 = vector.extract_strided_slice %dot_general3A_538 {offsets = [0, 0], sizes = [301, 16], strides = [1, 1]} : vector<301x128xf32> to vector<301x16xf32>
    %slice3A_544 = vector.extract_strided_slice %dot_general3A_540 {offsets = [0, 0], sizes = [301, 16], strides = [1, 1]} : vector<301x128xf32> to vector<301x16xf32>
    %slice3A_545 = vector.extract_strided_slice %dot_general3A_542 {offsets = [0, 0], sizes = [301, 16], strides = [1, 1]} : vector<301x128xf32> to vector<301x16xf32>
    %transpose3A_546 = tpu.transpose %slice3A_544, [1, 0] : vector<301x16xf32> -> vector<16x301xf32>
    %dot_general3A_547 = arith.constant dense<0.000000e+00> : vector<301x301xf32>
    %dot_general3A_548 = tpu.matmul %slice3A_543, %transpose3A_546, %dot_general3A_547 {dimension_numbers = #tpu.dot_dimension_numbers<[1], [0], [0], [1], [0, 0, 1, 1], [], []>, transpose_lhs_hint = false} : vector<301x16xf32>, vector<16x301xf32>, vector<301x301xf32> -> vector<301x301xf32>
    %mul3A_549 = arith.constant 2.500000e-01 : f32
    %mul3A_550 = vector.broadcast %mul3A_549 : f32 to vector<301x301xf32>
    %mul3A_551 = arith.mulf %dot_general3A_548, %mul3A_550 : vector<301x301xf32>
    %reduce_max3A_552 = arith.constant dense<0xFF800000> : vector<301xf32>
    %reduce_max3A_553 = vector.multi_reduction <maximumf>, %mul3A_551, %reduce_max3A_552 [1] : vector<301x301xf32> to vector<301xf32>
    %broadcast_in_dim3A_554 = vector.shape_cast %reduce_max3A_553 : vector<301xf32> to vector<301x1xf32>
    %sub3A_555 = vector.broadcast %broadcast_in_dim3A_554 : vector<301x1xf32> to vector<301x301xf32>
    %sub3A_556 = arith.subf %mul3A_551, %sub3A_555 : vector<301x301xf32>
    %exp3A_557 = math.exp %sub3A_556 : vector<301x301xf32>
    %reduce_sum3A_558 = arith.constant dense<0.000000e+00> : vector<301xf32>
    %reduce_sum3A_559 = vector.multi_reduction <add>, %exp3A_557, %reduce_sum3A_558 [1] : vector<301x301xf32> to vector<301xf32>
    %broadcast_in_dim3A_560 = vector.shape_cast %reduce_sum3A_559 : vector<301xf32> to vector<301x1xf32>
    %div3A_561 = vector.broadcast %broadcast_in_dim3A_560 : vector<301x1xf32> to vector<301x301xf32>
    %div3A_562 = arith.divf %exp3A_557, %div3A_561 : vector<301x301xf32>
    %dot_general3A_563 = arith.constant dense<0.000000e+00> : vector<301x16xf32>
    %dot_general3A_564 = tpu.matmul %div3A_562, %slice3A_545, %dot_general3A_563 {dimension_numbers = #tpu.dot_dimension_numbers<[1], [0], [0], [1], [0, 0, 1, 1], [], []>, transpose_lhs_hint = false} : vector<301x301xf32>, vector<301x16xf32>, vector<301x16xf32> -> vector<301x16xf32>
    %slice3A_565 = vector.extract_strided_slice %dot_general3A_538 {offsets = [0, 16], sizes = [301, 16], strides = [1, 1]} : vector<301x128xf32> to vector<301x16xf32>
    %slice3A_566 = vector.extract_strided_slice %dot_general3A_540 {offsets = [0, 16], sizes = [301, 16], strides = [1, 1]} : vector<301x128xf32> to vector<301x16xf32>
    %slice3A_567 = vector.extract_strided_slice %dot_general3A_542 {offsets = [0, 16], sizes = [301, 16], strides = [1, 1]} : vector<301x128xf32> to vector<301x16xf32>
    %transpose3A_568 = tpu.transpose %slice3A_566, [1, 0] : vector<301x16xf32> -> vector<16x301xf32>
    %dot_general3A_569 = arith.constant dense<0.000000e+00> : vector<301x301xf32>
    %dot_general3A_570 = tpu.matmul %slice3A_565, %transpose3A_568, %dot_general3A_569 {dimension_numbers = #tpu.dot_dimension_numbers<[1], [0], [0], [1], [0, 0, 1, 1], [], []>, transpose_lhs_hint = false} : vector<301x16xf32>, vector<16x301xf32>, vector<301x301xf32> -> vector<301x301xf32>
    %mul3A_571 = arith.constant 2.500000e-01 : f32
    %mul3A_572 = vector.broadcast %mul3A_571 : f32 to vector<301x301xf32>
    %mul3A_573 = arith.mulf %dot_general3A_570, %mul3A_572 : vector<301x301xf32>
    %reduce_max3A_574 = arith.constant dense<0xFF800000> : vector<301xf32>
    %reduce_max3A_575 = vector.multi_reduction <maximumf>, %mul3A_573, %reduce_max3A_574 [1] : vector<301x301xf32> to vector<301xf32>
    %broadcast_in_dim3A_576 = vector.shape_cast %reduce_max3A_575 : vector<301xf32> to vector<301x1xf32>
    %sub3A_577 = vector.broadcast %broadcast_in_dim3A_576 : vector<301x1xf32> to vector<301x301xf32>
    %sub3A_578 = arith.subf %mul3A_573, %sub3A_577 : vector<301x301xf32>
    %exp3A_579 = math.exp %sub3A_578 : vector<301x301xf32>
    %reduce_sum3A_580 = arith.constant dense<0.000000e+00> : vector<301xf32>
    %reduce_sum3A_581 = vector.multi_reduction <add>, %exp3A_579, %reduce_sum3A_580 [1] : vector<301x301xf32> to vector<301xf32>
    %broadcast_in_dim3A_582 = vector.shape_cast %reduce_sum3A_581 : vector<301xf32> to vector<301x1xf32>
    %div3A_583 = vector.broadcast %broadcast_in_dim3A_582 : vector<301x1xf32> to vector<301x301xf32>
    %div3A_584 = arith.divf %exp3A_579, %div3A_583 : vector<301x301xf32>
    %dot_general3A_585 = arith.constant dense<0.000000e+00> : vector<301x16xf32>
    %dot_general3A_586 = tpu.matmul %div3A_584, %slice3A_567, %dot_general3A_585 {dimension_numbers = #tpu.dot_dimension_numbers<[1], [0], [0], [1], [0, 0, 1, 1], [], []>, transpose_lhs_hint = false} : vector<301x301xf32>, vector<301x16xf32>, vector<301x16xf32> -> vector<301x16xf32>
    %slice3A_587 = vector.extract_strided_slice %dot_general3A_538 {offsets = [0, 32], sizes = [301, 16], strides = [1, 1]} : vector<301x128xf32> to vector<301x16xf32>
    %slice3A_588 = vector.extract_strided_slice %dot_general3A_540 {offsets = [0, 32], sizes = [301, 16], strides = [1, 1]} : vector<301x128xf32> to vector<301x16xf32>
    %slice3A_589 = vector.extract_strided_slice %dot_general3A_542 {offsets = [0, 32], sizes = [301, 16], strides = [1, 1]} : vector<301x128xf32> to vector<301x16xf32>
    %transpose3A_590 = tpu.transpose %slice3A_588, [1, 0] : vector<301x16xf32> -> vector<16x301xf32>
    %dot_general3A_591 = arith.constant dense<0.000000e+00> : vector<301x301xf32>
    %dot_general3A_592 = tpu.matmul %slice3A_587, %transpose3A_590, %dot_general3A_591 {dimension_numbers = #tpu.dot_dimension_numbers<[1], [0], [0], [1], [0, 0, 1, 1], [], []>, transpose_lhs_hint = false} : vector<301x16xf32>, vector<16x301xf32>, vector<301x301xf32> -> vector<301x301xf32>
    %mul3A_593 = arith.constant 2.500000e-01 : f32
    %mul3A_594 = vector.broadcast %mul3A_593 : f32 to vector<301x301xf32>
    %mul3A_595 = arith.mulf %dot_general3A_592, %mul3A_594 : vector<301x301xf32>
    %reduce_max3A_596 = arith.constant dense<0xFF800000> : vector<301xf32>
    %reduce_max3A_597 = vector.multi_reduction <maximumf>, %mul3A_595, %reduce_max3A_596 [1] : vector<301x301xf32> to vector<301xf32>
    %broadcast_in_dim3A_598 = vector.shape_cast %reduce_max3A_597 : vector<301xf32> to vector<301x1xf32>
    %sub3A_599 = vector.broadcast %broadcast_in_dim3A_598 : vector<301x1xf32> to vector<301x301xf32>
    %sub3A_600 = arith.subf %mul3A_595, %sub3A_599 : vector<301x301xf32>
    %exp3A_601 = math.exp %sub3A_600 : vector<301x301xf32>
    %reduce_sum3A_602 = arith.constant dense<0.000000e+00> : vector<301xf32>
    %reduce_sum3A_603 = vector.multi_reduction <add>, %exp3A_601, %reduce_sum3A_602 [1] : vector<301x301xf32> to vector<301xf32>
    %broadcast_in_dim3A_604 = vector.shape_cast %reduce_sum3A_603 : vector<301xf32> to vector<301x1xf32>
    %div3A_605 = vector.broadcast %broadcast_in_dim3A_604 : vector<301x1xf32> to vector<301x301xf32>
    %div3A_606 = arith.divf %exp3A_601, %div3A_605 : vector<301x301xf32>
    %dot_general3A_607 = arith.constant dense<0.000000e+00> : vector<301x16xf32>
    %dot_general3A_608 = tpu.matmul %div3A_606, %slice3A_589, %dot_general3A_607 {dimension_numbers = #tpu.dot_dimension_numbers<[1], [0], [0], [1], [0, 0, 1, 1], [], []>, transpose_lhs_hint = false} : vector<301x301xf32>, vector<301x16xf32>, vector<301x16xf32> -> vector<301x16xf32>
    %slice3A_609 = vector.extract_strided_slice %dot_general3A_538 {offsets = [0, 48], sizes = [301, 16], strides = [1, 1]} : vector<301x128xf32> to vector<301x16xf32>
    %slice3A_610 = vector.extract_strided_slice %dot_general3A_540 {offsets = [0, 48], sizes = [301, 16], strides = [1, 1]} : vector<301x128xf32> to vector<301x16xf32>
    %slice3A_611 = vector.extract_strided_slice %dot_general3A_542 {offsets = [0, 48], sizes = [301, 16], strides = [1, 1]} : vector<301x128xf32> to vector<301x16xf32>
    %transpose3A_612 = tpu.transpose %slice3A_610, [1, 0] : vector<301x16xf32> -> vector<16x301xf32>
    %dot_general3A_613 = arith.constant dense<0.000000e+00> : vector<301x301xf32>
    %dot_general3A_614 = tpu.matmul %slice3A_609, %transpose3A_612, %dot_general3A_613 {dimension_numbers = #tpu.dot_dimension_numbers<[1], [0], [0], [1], [0, 0, 1, 1], [], []>, transpose_lhs_hint = false} : vector<301x16xf32>, vector<16x301xf32>, vector<301x301xf32> -> vector<301x301xf32>
    %mul3A_615 = arith.constant 2.500000e-01 : f32
    %mul3A_616 = vector.broadcast %mul3A_615 : f32 to vector<301x301xf32>
    %mul3A_617 = arith.mulf %dot_general3A_614, %mul3A_616 : vector<301x301xf32>
    %reduce_max3A_618 = arith.constant dense<0xFF800000> : vector<301xf32>
    %reduce_max3A_619 = vector.multi_reduction <maximumf>, %mul3A_617, %reduce_max3A_618 [1] : vector<301x301xf32> to vector<301xf32>
    %broadcast_in_dim3A_620 = vector.shape_cast %reduce_max3A_619 : vector<301xf32> to vector<301x1xf32>
    %sub3A_621 = vector.broadcast %broadcast_in_dim3A_620 : vector<301x1xf32> to vector<301x301xf32>
    %sub3A_622 = arith.subf %mul3A_617, %sub3A_621 : vector<301x301xf32>
    %exp3A_623 = math.exp %sub3A_622 : vector<301x301xf32>
    %reduce_sum3A_624 = arith.constant dense<0.000000e+00> : vector<301xf32>
    %reduce_sum3A_625 = vector.multi_reduction <add>, %exp3A_623, %reduce_sum3A_624 [1] : vector<301x301xf32> to vector<301xf32>
    %broadcast_in_dim3A_626 = vector.shape_cast %reduce_sum3A_625 : vector<301xf32> to vector<301x1xf32>
    %div3A_627 = vector.broadcast %broadcast_in_dim3A_626 : vector<301x1xf32> to vector<301x301xf32>
    %div3A_628 = arith.divf %exp3A_623, %div3A_627 : vector<301x301xf32>
    %dot_general3A_629 = arith.constant dense<0.000000e+00> : vector<301x16xf32>
    %dot_general3A_630 = tpu.matmul %div3A_628, %slice3A_611, %dot_general3A_629 {dimension_numbers = #tpu.dot_dimension_numbers<[1], [0], [0], [1], [0, 0, 1, 1], [], []>, transpose_lhs_hint = false} : vector<301x301xf32>, vector<301x16xf32>, vector<301x16xf32> -> vector<301x16xf32>
    %slice3A_631 = vector.extract_strided_slice %dot_general3A_538 {offsets = [0, 64], sizes = [301, 16], strides = [1, 1]} : vector<301x128xf32> to vector<301x16xf32>
    %slice3A_632 = vector.extract_strided_slice %dot_general3A_540 {offsets = [0, 64], sizes = [301, 16], strides = [1, 1]} : vector<301x128xf32> to vector<301x16xf32>
    %slice3A_633 = vector.extract_strided_slice %dot_general3A_542 {offsets = [0, 64], sizes = [301, 16], strides = [1, 1]} : vector<301x128xf32> to vector<301x16xf32>
    %transpose3A_634 = tpu.transpose %slice3A_632, [1, 0] : vector<301x16xf32> -> vector<16x301xf32>
    %dot_general3A_635 = arith.constant dense<0.000000e+00> : vector<301x301xf32>
    %dot_general3A_636 = tpu.matmul %slice3A_631, %transpose3A_634, %dot_general3A_635 {dimension_numbers = #tpu.dot_dimension_numbers<[1], [0], [0], [1], [0, 0, 1, 1], [], []>, transpose_lhs_hint = false} : vector<301x16xf32>, vector<16x301xf32>, vector<301x301xf32> -> vector<301x301xf32>
    %mul3A_637 = arith.constant 2.500000e-01 : f32
    %mul3A_638 = vector.broadcast %mul3A_637 : f32 to vector<301x301xf32>
    %mul3A_639 = arith.mulf %dot_general3A_636, %mul3A_638 : vector<301x301xf32>
    %reduce_max3A_640 = arith.constant dense<0xFF800000> : vector<301xf32>
    %reduce_max3A_641 = vector.multi_reduction <maximumf>, %mul3A_639, %reduce_max3A_640 [1] : vector<301x301xf32> to vector<301xf32>
    %broadcast_in_dim3A_642 = vector.shape_cast %reduce_max3A_641 : vector<301xf32> to vector<301x1xf32>
    %sub3A_643 = vector.broadcast %broadcast_in_dim3A_642 : vector<301x1xf32> to vector<301x301xf32>
    %sub3A_644 = arith.subf %mul3A_639, %sub3A_643 : vector<301x301xf32>
    %exp3A_645 = math.exp %sub3A_644 : vector<301x301xf32>
    %reduce_sum3A_646 = arith.constant dense<0.000000e+00> : vector<301xf32>
    %reduce_sum3A_647 = vector.multi_reduction <add>, %exp3A_645, %reduce_sum3A_646 [1] : vector<301x301xf32> to vector<301xf32>
    %broadcast_in_dim3A_648 = vector.shape_cast %reduce_sum3A_647 : vector<301xf32> to vector<301x1xf32>
    %div3A_649 = vector.broadcast %broadcast_in_dim3A_648 : vector<301x1xf32> to vector<301x301xf32>
    %div3A_650 = arith.divf %exp3A_645, %div3A_649 : vector<301x301xf32>
    %dot_general3A_651 = arith.constant dense<0.000000e+00> : vector<301x16xf32>
    %dot_general3A_652 = tpu.matmul %div3A_650, %slice3A_633, %dot_general3A_651 {dimension_numbers = #tpu.dot_dimension_numbers<[1], [0], [0], [1], [0, 0, 1, 1], [], []>, transpose_lhs_hint = false} : vector<301x301xf32>, vector<301x16xf32>, vector<301x16xf32> -> vector<301x16xf32>
    %slice3A_653 = vector.extract_strided_slice %dot_general3A_538 {offsets = [0, 80], sizes = [301, 16], strides = [1, 1]} : vector<301x128xf32> to vector<301x16xf32>
    %slice3A_654 = vector.extract_strided_slice %dot_general3A_540 {offsets = [0, 80], sizes = [301, 16], strides = [1, 1]} : vector<301x128xf32> to vector<301x16xf32>
    %slice3A_655 = vector.extract_strided_slice %dot_general3A_542 {offsets = [0, 80], sizes = [301, 16], strides = [1, 1]} : vector<301x128xf32> to vector<301x16xf32>
    %transpose3A_656 = tpu.transpose %slice3A_654, [1, 0] : vector<301x16xf32> -> vector<16x301xf32>
    %dot_general3A_657 = arith.constant dense<0.000000e+00> : vector<301x301xf32>
    %dot_general3A_658 = tpu.matmul %slice3A_653, %transpose3A_656, %dot_general3A_657 {dimension_numbers = #tpu.dot_dimension_numbers<[1], [0], [0], [1], [0, 0, 1, 1], [], []>, transpose_lhs_hint = false} : vector<301x16xf32>, vector<16x301xf32>, vector<301x301xf32> -> vector<301x301xf32>
    %mul3A_659 = arith.constant 2.500000e-01 : f32
    %mul3A_660 = vector.broadcast %mul3A_659 : f32 to vector<301x301xf32>
    %mul3A_661 = arith.mulf %dot_general3A_658, %mul3A_660 : vector<301x301xf32>
    %reduce_max3A_662 = arith.constant dense<0xFF800000> : vector<301xf32>
    %reduce_max3A_663 = vector.multi_reduction <maximumf>, %mul3A_661, %reduce_max3A_662 [1] : vector<301x301xf32> to vector<301xf32>
    %broadcast_in_dim3A_664 = vector.shape_cast %reduce_max3A_663 : vector<301xf32> to vector<301x1xf32>
    %sub3A_665 = vector.broadcast %broadcast_in_dim3A_664 : vector<301x1xf32> to vector<301x301xf32>
    %sub3A_666 = arith.subf %mul3A_661, %sub3A_665 : vector<301x301xf32>
    %exp3A_667 = math.exp %sub3A_666 : vector<301x301xf32>
    %reduce_sum3A_668 = arith.constant dense<0.000000e+00> : vector<301xf32>
    %reduce_sum3A_669 = vector.multi_reduction <add>, %exp3A_667, %reduce_sum3A_668 [1] : vector<301x301xf32> to vector<301xf32>
    %broadcast_in_dim3A_670 = vector.shape_cast %reduce_sum3A_669 : vector<301xf32> to vector<301x1xf32>
    %div3A_671 = vector.broadcast %broadcast_in_dim3A_670 : vector<301x1xf32> to vector<301x301xf32>
    %div3A_672 = arith.divf %exp3A_667, %div3A_671 : vector<301x301xf32>
    %dot_general3A_673 = arith.constant dense<0.000000e+00> : vector<301x16xf32>
    %dot_general3A_674 = tpu.matmul %div3A_672, %slice3A_655, %dot_general3A_673 {dimension_numbers = #tpu.dot_dimension_numbers<[1], [0], [0], [1], [0, 0, 1, 1], [], []>, transpose_lhs_hint = false} : vector<301x301xf32>, vector<301x16xf32>, vector<301x16xf32> -> vector<301x16xf32>
    %slice3A_675 = vector.extract_strided_slice %dot_general3A_538 {offsets = [0, 96], sizes = [301, 16], strides = [1, 1]} : vector<301x128xf32> to vector<301x16xf32>
    %slice3A_676 = vector.extract_strided_slice %dot_general3A_540 {offsets = [0, 96], sizes = [301, 16], strides = [1, 1]} : vector<301x128xf32> to vector<301x16xf32>
    %slice3A_677 = vector.extract_strided_slice %dot_general3A_542 {offsets = [0, 96], sizes = [301, 16], strides = [1, 1]} : vector<301x128xf32> to vector<301x16xf32>
    %transpose3A_678 = tpu.transpose %slice3A_676, [1, 0] : vector<301x16xf32> -> vector<16x301xf32>
    %dot_general3A_679 = arith.constant dense<0.000000e+00> : vector<301x301xf32>
    %dot_general3A_680 = tpu.matmul %slice3A_675, %transpose3A_678, %dot_general3A_679 {dimension_numbers = #tpu.dot_dimension_numbers<[1], [0], [0], [1], [0, 0, 1, 1], [], []>, transpose_lhs_hint = false} : vector<301x16xf32>, vector<16x301xf32>, vector<301x301xf32> -> vector<301x301xf32>
    %mul3A_681 = arith.constant 2.500000e-01 : f32
    %mul3A_682 = vector.broadcast %mul3A_681 : f32 to vector<301x301xf32>
    %mul3A_683 = arith.mulf %dot_general3A_680, %mul3A_682 : vector<301x301xf32>
    %reduce_max3A_684 = arith.constant dense<0xFF800000> : vector<301xf32>
    %reduce_max3A_685 = vector.multi_reduction <maximumf>, %mul3A_683, %reduce_max3A_684 [1] : vector<301x301xf32> to vector<301xf32>
    %broadcast_in_dim3A_686 = vector.shape_cast %reduce_max3A_685 : vector<301xf32> to vector<301x1xf32>
    %sub3A_687 = vector.broadcast %broadcast_in_dim3A_686 : vector<301x1xf32> to vector<301x301xf32>
    %sub3A_688 = arith.subf %mul3A_683, %sub3A_687 : vector<301x301xf32>
    %exp3A_689 = math.exp %sub3A_688 : vector<301x301xf32>
    %reduce_sum3A_690 = arith.constant dense<0.000000e+00> : vector<301xf32>
    %reduce_sum3A_691 = vector.multi_reduction <add>, %exp3A_689, %reduce_sum3A_690 [1] : vector<301x301xf32> to vector<301xf32>
    %broadcast_in_dim3A_692 = vector.shape_cast %reduce_sum3A_691 : vector<301xf32> to vector<301x1xf32>
    %div3A_693 = vector.broadcast %broadcast_in_dim3A_692 : vector<301x1xf32> to vector<301x301xf32>
    %div3A_694 = arith.divf %exp3A_689, %div3A_693 : vector<301x301xf32>
    %dot_general3A_695 = arith.constant dense<0.000000e+00> : vector<301x16xf32>
    %dot_general3A_696 = tpu.matmul %div3A_694, %slice3A_677, %dot_general3A_695 {dimension_numbers = #tpu.dot_dimension_numbers<[1], [0], [0], [1], [0, 0, 1, 1], [], []>, transpose_lhs_hint = false} : vector<301x301xf32>, vector<301x16xf32>, vector<301x16xf32> -> vector<301x16xf32>
    %slice3A_697 = vector.extract_strided_slice %dot_general3A_538 {offsets = [0, 112], sizes = [301, 16], strides = [1, 1]} : vector<301x128xf32> to vector<301x16xf32>
    %slice3A_698 = vector.extract_strided_slice %dot_general3A_540 {offsets = [0, 112], sizes = [301, 16], strides = [1, 1]} : vector<301x128xf32> to vector<301x16xf32>
    %slice3A_699 = vector.extract_strided_slice %dot_general3A_542 {offsets = [0, 112], sizes = [301, 16], strides = [1, 1]} : vector<301x128xf32> to vector<301x16xf32>
    %transpose3A_700 = tpu.transpose %slice3A_698, [1, 0] : vector<301x16xf32> -> vector<16x301xf32>
    %dot_general3A_701 = arith.constant dense<0.000000e+00> : vector<301x301xf32>
    %dot_general3A_702 = tpu.matmul %slice3A_697, %transpose3A_700, %dot_general3A_701 {dimension_numbers = #tpu.dot_dimension_numbers<[1], [0], [0], [1], [0, 0, 1, 1], [], []>, transpose_lhs_hint = false} : vector<301x16xf32>, vector<16x301xf32>, vector<301x301xf32> -> vector<301x301xf32>
    %mul3A_703 = arith.constant 2.500000e-01 : f32
    %mul3A_704 = vector.broadcast %mul3A_703 : f32 to vector<301x301xf32>
    %mul3A_705 = arith.mulf %dot_general3A_702, %mul3A_704 : vector<301x301xf32>
    %reduce_max3A_706 = arith.constant dense<0xFF800000> : vector<301xf32>
    %reduce_max3A_707 = vector.multi_reduction <maximumf>, %mul3A_705, %reduce_max3A_706 [1] : vector<301x301xf32> to vector<301xf32>
    %broadcast_in_dim3A_708 = vector.shape_cast %reduce_max3A_707 : vector<301xf32> to vector<301x1xf32>
    %sub3A_709 = vector.broadcast %broadcast_in_dim3A_708 : vector<301x1xf32> to vector<301x301xf32>
    %sub3A_710 = arith.subf %mul3A_705, %sub3A_709 : vector<301x301xf32>
    %exp3A_711 = math.exp %sub3A_710 : vector<301x301xf32>
    %reduce_sum3A_712 = arith.constant dense<0.000000e+00> : vector<301xf32>
    %reduce_sum3A_713 = vector.multi_reduction <add>, %exp3A_711, %reduce_sum3A_712 [1] : vector<301x301xf32> to vector<301xf32>
    %broadcast_in_dim3A_714 = vector.shape_cast %reduce_sum3A_713 : vector<301xf32> to vector<301x1xf32>
    %div3A_715 = vector.broadcast %broadcast_in_dim3A_714 : vector<301x1xf32> to vector<301x301xf32>
    %div3A_716 = arith.divf %exp3A_711, %div3A_715 : vector<301x301xf32>
    %dot_general3A_717 = arith.constant dense<0.000000e+00> : vector<301x16xf32>
    %dot_general3A_718 = tpu.matmul %div3A_716, %slice3A_699, %dot_general3A_717 {dimension_numbers = #tpu.dot_dimension_numbers<[1], [0], [0], [1], [0, 0, 1, 1], [], []>, transpose_lhs_hint = false} : vector<301x301xf32>, vector<301x16xf32>, vector<301x16xf32> -> vector<301x16xf32>
    %concatenate3A_719 = tpu.concatenate %dot_general3A_564, %dot_general3A_586, %dot_general3A_608, %dot_general3A_630, %dot_general3A_652, %dot_general3A_674, %dot_general3A_696, %dot_general3A_718 in 1 : vector<301x16xf32>, vector<301x16xf32>, vector<301x16xf32>, vector<301x16xf32>, vector<301x16xf32>, vector<301x16xf32>, vector<301x16xf32>, vector<301x16xf32> -> vector<301x128xf32>
    %dot_general3A_720 = arith.constant dense<0.000000e+00> : vector<301x128xf32>
    %dot_general3A_721 = tpu.matmul %concatenate3A_719, %get3A_511, %dot_general3A_720 {dimension_numbers = #tpu.dot_dimension_numbers<[1], [0], [0], [1], [0, 0, 1, 1], [], []>, transpose_lhs_hint = false} : vector<301x128xf32>, vector<128x128xf32>, vector<301x128xf32> -> vector<301x128xf32>
    %add3A_722 = arith.addf %add3A_491, %dot_general3A_721 : vector<301x128xf32>
    %add3A_723 = vector.broadcast %get3A_516 : vector<1x128xf32> to vector<301x128xf32>
    %add3A_724 = arith.addf %add3A_722, %add3A_723 : vector<301x128xf32>
    %dot_general3A_725 = arith.constant dense<0.000000e+00> : vector<301x512xf32>
    %dot_general3A_726 = tpu.matmul %add3A_724, %get3A_521, %dot_general3A_725 {dimension_numbers = #tpu.dot_dimension_numbers<[1], [0], [0], [1], [0, 0, 1, 1], [], []>, transpose_lhs_hint = false} : vector<301x128xf32>, vector<128x512xf32>, vector<301x512xf32> -> vector<301x512xf32>
    %add3A_727 = vector.broadcast %get3A_526 : vector<1x512xf32> to vector<301x512xf32>
    %add3A_728 = arith.addf %dot_general3A_726, %add3A_727 : vector<301x512xf32>
    %max3A_729 = arith.constant 0.000000e+00 : f32
    %max3A_730 = vector.broadcast %max3A_729 : f32 to vector<301x512xf32>
    %max3A_731 = arith.maximumf %add3A_728, %max3A_730 : vector<301x512xf32>
    %dot_general3A_732 = arith.constant dense<0.000000e+00> : vector<301x128xf32>
    %dot_general3A_733 = tpu.matmul %max3A_731, %get3A_531, %dot_general3A_732 {dimension_numbers = #tpu.dot_dimension_numbers<[1], [0], [0], [1], [0, 0, 1, 1], [], []>, transpose_lhs_hint = false} : vector<301x512xf32>, vector<512x128xf32>, vector<301x128xf32> -> vector<301x128xf32>
    %add3A_734 = vector.broadcast %get3A_536 : vector<1x128xf32> to vector<301x128xf32>
    %add3A_735 = arith.addf %dot_general3A_733, %add3A_734 : vector<301x128xf32>
    %add3A_736 = arith.addf %add3A_724, %add3A_735 : vector<301x128xf32>
    %slice3A_737 = vector.extract_strided_slice %add3A_736 {offsets = [0, 0], sizes = [1, 128], strides = [1, 1]} : vector<301x128xf32> to vector<1x128xf32>
    %slice3A_738 = vector.extract_strided_slice %add3A_736 {offsets = [1, 0], sizes = [100, 128], strides = [1, 1]} : vector<301x128xf32> to vector<100x128xf32>
    %slice3A_739 = vector.extract_strided_slice %add3A_736 {offsets = [101, 0], sizes = [100, 128], strides = [1, 1]} : vector<301x128xf32> to vector<100x128xf32>
    %slice3A_740 = vector.extract_strided_slice %add3A_736 {offsets = [201, 0], sizes = [100, 128], strides = [1, 1]} : vector<301x128xf32> to vector<100x128xf32>
    %get3A_741 = arith.constant 0 : index
    %get3A_742 = arith.constant 0 : index
    %get3A_743 = vector.load %arg23[%get3A_741, %get3A_742] : memref<128x128xf32, #tpu.memory_space<vmem>>, vector<128x128xf32>
    %dot_general3A_744 = arith.constant dense<0.000000e+00> : vector<1x128xf32>
    %dot_general3A_745 = tpu.matmul %slice3A_737, %get3A_743, %dot_general3A_744 {dimension_numbers = #tpu.dot_dimension_numbers<[1], [0], [0], [1], [0, 0, 1, 1], [], []>, transpose_lhs_hint = false} : vector<1x128xf32>, vector<128x128xf32>, vector<1x128xf32> -> vector<1x128xf32>
    %get3A_746 = arith.constant 0 : index
    %get3A_747 = arith.constant 0 : index
    %get3A_748 = vector.load %arg24[%get3A_746, %get3A_747] : memref<1x128xf32, #tpu.memory_space<vmem>>, vector<1x128xf32>
    %add3A_749 = arith.addf %dot_general3A_745, %get3A_748 : vector<1x128xf32>
    %get3A_750 = arith.constant 0 : index
    %get3A_751 = arith.constant 0 : index
    %get3A_752 = vector.load %arg27[%get3A_750, %get3A_751] : memref<128x128xf32, #tpu.memory_space<vmem>>, vector<128x128xf32>
    %dot_general3A_753 = arith.constant dense<0.000000e+00> : vector<100x128xf32>
    %dot_general3A_754 = tpu.matmul %slice3A_738, %get3A_752, %dot_general3A_753 {dimension_numbers = #tpu.dot_dimension_numbers<[1], [0], [0], [1], [0, 0, 1, 1], [], []>, transpose_lhs_hint = false} : vector<100x128xf32>, vector<128x128xf32>, vector<100x128xf32> -> vector<100x128xf32>
    %get3A_755 = arith.constant 0 : index
    %get3A_756 = arith.constant 0 : index
    %get3A_757 = vector.load %arg28[%get3A_755, %get3A_756] : memref<1x128xf32, #tpu.memory_space<vmem>>, vector<1x128xf32>
    %add3A_758 = vector.broadcast %get3A_757 : vector<1x128xf32> to vector<100x128xf32>
    %add3A_759 = arith.addf %dot_general3A_754, %add3A_758 : vector<100x128xf32>
    %concatenate3A_760 = tpu.concatenate %slice3A_739, %slice3A_740 in 1 : vector<100x128xf32>, vector<100x128xf32> -> vector<100x256xf32>
    %get3A_761 = arith.constant 0 : index
    %get3A_762 = arith.constant 0 : index
    %get3A_763 = vector.load %arg25[%get3A_761, %get3A_762] : memref<256x128xf32, #tpu.memory_space<vmem>>, vector<256x128xf32>
    %dot_general3A_764 = arith.constant dense<0.000000e+00> : vector<100x128xf32>
    %dot_general3A_765 = tpu.matmul %concatenate3A_760, %get3A_763, %dot_general3A_764 {dimension_numbers = #tpu.dot_dimension_numbers<[1], [0], [0], [1], [0, 0, 1, 1], [], []>, transpose_lhs_hint = false} : vector<100x256xf32>, vector<256x128xf32>, vector<100x128xf32> -> vector<100x128xf32>
    %get3A_766 = arith.constant 0 : index
    %get3A_767 = arith.constant 0 : index
    %get3A_768 = vector.load %arg26[%get3A_766, %get3A_767] : memref<1x128xf32, #tpu.memory_space<vmem>>, vector<1x128xf32>
    %add3A_769 = vector.broadcast %get3A_768 : vector<1x128xf32> to vector<100x128xf32>
    %add3A_770 = arith.addf %dot_general3A_765, %add3A_769 : vector<100x128xf32>
    %concatenate3A_771 = tpu.concatenate %add3A_749, %add3A_759, %add3A_770 in 0 : vector<1x128xf32>, vector<100x128xf32>, vector<100x128xf32> -> vector<201x128xf32>
    %get3A_772 = arith.constant 0 : index
    %get3A_773 = arith.constant 0 : index
    %get3A_774 = arith.constant 0 : index
    %get3A_775 = vector.load %arg14[%get3A_772, %get3A_773, %get3A_774] : memref<3x128x128xf32, #tpu.memory_space<vmem>>, vector<1x128x128xf32>
    %get3A_776 = vector.shape_cast %get3A_775 : vector<1x128x128xf32> to vector<128x128xf32>
    %get3A_777 = arith.constant 0 : index
    %get3A_778 = arith.constant 0 : index
    %get3A_779 = arith.constant 0 : index
    %get3A_780 = vector.load %arg15[%get3A_777, %get3A_778, %get3A_779] : memref<3x128x128xf32, #tpu.memory_space<vmem>>, vector<1x128x128xf32>
    %get3A_781 = vector.shape_cast %get3A_780 : vector<1x128x128xf32> to vector<128x128xf32>
    %get3A_782 = arith.constant 0 : index
    %get3A_783 = arith.constant 0 : index
    %get3A_784 = arith.constant 0 : index
    %get3A_785 = vector.load %arg16[%get3A_782, %get3A_783, %get3A_784] : memref<3x128x128xf32, #tpu.memory_space<vmem>>, vector<1x128x128xf32>
    %get3A_786 = vector.shape_cast %get3A_785 : vector<1x128x128xf32> to vector<128x128xf32>
    %get3A_787 = arith.constant 0 : index
    %get3A_788 = arith.constant 0 : index
    %get3A_789 = arith.constant 0 : index
    %get3A_790 = vector.load %arg17[%get3A_787, %get3A_788, %get3A_789] : memref<3x128x128xf32, #tpu.memory_space<vmem>>, vector<1x128x128xf32>
    %get3A_791 = vector.shape_cast %get3A_790 : vector<1x128x128xf32> to vector<128x128xf32>
    %get3A_792 = arith.constant 0 : index
    %get3A_793 = arith.constant 0 : index
    %get3A_794 = arith.constant 0 : index
    %get3A_795 = vector.load %arg18[%get3A_792, %get3A_793, %get3A_794] : memref<3x1x128xf32, #tpu.memory_space<vmem>>, vector<1x1x128xf32>
    %get3A_796 = vector.shape_cast %get3A_795 : vector<1x1x128xf32> to vector<1x128xf32>
    %get3A_797 = arith.constant 0 : index
    %get3A_798 = arith.constant 0 : index
    %get3A_799 = arith.constant 0 : index
    %get3A_800 = vector.load %arg19[%get3A_797, %get3A_798, %get3A_799] : memref<3x128x512xf32, #tpu.memory_space<vmem>>, vector<1x128x512xf32>
    %get3A_801 = vector.shape_cast %get3A_800 : vector<1x128x512xf32> to vector<128x512xf32>
    %get3A_802 = arith.constant 0 : index
    %get3A_803 = arith.constant 0 : index
    %get3A_804 = arith.constant 0 : index
    %get3A_805 = vector.load %arg20[%get3A_802, %get3A_803, %get3A_804] : memref<3x1x512xf32, #tpu.memory_space<vmem>>, vector<1x1x512xf32>
    %get3A_806 = vector.shape_cast %get3A_805 : vector<1x1x512xf32> to vector<1x512xf32>
    %get3A_807 = arith.constant 0 : index
    %get3A_808 = arith.constant 0 : index
    %get3A_809 = arith.constant 0 : index
    %get3A_810 = vector.load %arg21[%get3A_807, %get3A_808, %get3A_809] : memref<3x512x128xf32, #tpu.memory_space<vmem>>, vector<1x512x128xf32>
    %get3A_811 = vector.shape_cast %get3A_810 : vector<1x512x128xf32> to vector<512x128xf32>
    %get3A_812 = arith.constant 0 : index
    %get3A_813 = arith.constant 0 : index
    %get3A_814 = arith.constant 0 : index
    %get3A_815 = vector.load %arg22[%get3A_812, %get3A_813, %get3A_814] : memref<3x1x128xf32, #tpu.memory_space<vmem>>, vector<1x1x128xf32>
    %get3A_816 = vector.shape_cast %get3A_815 : vector<1x1x128xf32> to vector<1x128xf32>
    %dot_general3A_817 = arith.constant dense<0.000000e+00> : vector<201x128xf32>
    %dot_general3A_818 = tpu.matmul %concatenate3A_771, %get3A_776, %dot_general3A_817 {dimension_numbers = #tpu.dot_dimension_numbers<[1], [0], [0], [1], [0, 0, 1, 1], [], []>, transpose_lhs_hint = false} : vector<201x128xf32>, vector<128x128xf32>, vector<201x128xf32> -> vector<201x128xf32>
    %dot_general3A_819 = arith.constant dense<0.000000e+00> : vector<201x128xf32>
    %dot_general3A_820 = tpu.matmul %concatenate3A_771, %get3A_781, %dot_general3A_819 {dimension_numbers = #tpu.dot_dimension_numbers<[1], [0], [0], [1], [0, 0, 1, 1], [], []>, transpose_lhs_hint = false} : vector<201x128xf32>, vector<128x128xf32>, vector<201x128xf32> -> vector<201x128xf32>
    %dot_general3A_821 = arith.constant dense<0.000000e+00> : vector<201x128xf32>
    %dot_general3A_822 = tpu.matmul %concatenate3A_771, %get3A_786, %dot_general3A_821 {dimension_numbers = #tpu.dot_dimension_numbers<[1], [0], [0], [1], [0, 0, 1, 1], [], []>, transpose_lhs_hint = false} : vector<201x128xf32>, vector<128x128xf32>, vector<201x128xf32> -> vector<201x128xf32>
    %slice3A_823 = vector.extract_strided_slice %dot_general3A_818 {offsets = [0, 0], sizes = [201, 16], strides = [1, 1]} : vector<201x128xf32> to vector<201x16xf32>
    %slice3A_824 = vector.extract_strided_slice %dot_general3A_820 {offsets = [0, 0], sizes = [201, 16], strides = [1, 1]} : vector<201x128xf32> to vector<201x16xf32>
    %slice3A_825 = vector.extract_strided_slice %dot_general3A_822 {offsets = [0, 0], sizes = [201, 16], strides = [1, 1]} : vector<201x128xf32> to vector<201x16xf32>
    %transpose3A_826 = tpu.transpose %slice3A_824, [1, 0] : vector<201x16xf32> -> vector<16x201xf32>
    %dot_general3A_827 = arith.constant dense<0.000000e+00> : vector<201x201xf32>
    %dot_general3A_828 = tpu.matmul %slice3A_823, %transpose3A_826, %dot_general3A_827 {dimension_numbers = #tpu.dot_dimension_numbers<[1], [0], [0], [1], [0, 0, 1, 1], [], []>, transpose_lhs_hint = false} : vector<201x16xf32>, vector<16x201xf32>, vector<201x201xf32> -> vector<201x201xf32>
    %mul3A_829 = arith.constant 2.500000e-01 : f32
    %mul3A_830 = vector.broadcast %mul3A_829 : f32 to vector<201x201xf32>
    %mul3A_831 = arith.mulf %dot_general3A_828, %mul3A_830 : vector<201x201xf32>
    %reduce_max3A_832 = arith.constant dense<0xFF800000> : vector<201xf32>
    %reduce_max3A_833 = vector.multi_reduction <maximumf>, %mul3A_831, %reduce_max3A_832 [1] : vector<201x201xf32> to vector<201xf32>
    %broadcast_in_dim3A_834 = vector.shape_cast %reduce_max3A_833 : vector<201xf32> to vector<201x1xf32>
    %sub3A_835 = vector.broadcast %broadcast_in_dim3A_834 : vector<201x1xf32> to vector<201x201xf32>
    %sub3A_836 = arith.subf %mul3A_831, %sub3A_835 : vector<201x201xf32>
    %exp3A_837 = math.exp %sub3A_836 : vector<201x201xf32>
    %reduce_sum3A_838 = arith.constant dense<0.000000e+00> : vector<201xf32>
    %reduce_sum3A_839 = vector.multi_reduction <add>, %exp3A_837, %reduce_sum3A_838 [1] : vector<201x201xf32> to vector<201xf32>
    %broadcast_in_dim3A_840 = vector.shape_cast %reduce_sum3A_839 : vector<201xf32> to vector<201x1xf32>
    %div3A_841 = vector.broadcast %broadcast_in_dim3A_840 : vector<201x1xf32> to vector<201x201xf32>
    %div3A_842 = arith.divf %exp3A_837, %div3A_841 : vector<201x201xf32>
    %dot_general3A_843 = arith.constant dense<0.000000e+00> : vector<201x16xf32>
    %dot_general3A_844 = tpu.matmul %div3A_842, %slice3A_825, %dot_general3A_843 {dimension_numbers = #tpu.dot_dimension_numbers<[1], [0], [0], [1], [0, 0, 1, 1], [], []>, transpose_lhs_hint = false} : vector<201x201xf32>, vector<201x16xf32>, vector<201x16xf32> -> vector<201x16xf32>
    %slice3A_845 = vector.extract_strided_slice %dot_general3A_818 {offsets = [0, 16], sizes = [201, 16], strides = [1, 1]} : vector<201x128xf32> to vector<201x16xf32>
    %slice3A_846 = vector.extract_strided_slice %dot_general3A_820 {offsets = [0, 16], sizes = [201, 16], strides = [1, 1]} : vector<201x128xf32> to vector<201x16xf32>
    %slice3A_847 = vector.extract_strided_slice %dot_general3A_822 {offsets = [0, 16], sizes = [201, 16], strides = [1, 1]} : vector<201x128xf32> to vector<201x16xf32>
    %transpose3A_848 = tpu.transpose %slice3A_846, [1, 0] : vector<201x16xf32> -> vector<16x201xf32>
    %dot_general3A_849 = arith.constant dense<0.000000e+00> : vector<201x201xf32>
    %dot_general3A_850 = tpu.matmul %slice3A_845, %transpose3A_848, %dot_general3A_849 {dimension_numbers = #tpu.dot_dimension_numbers<[1], [0], [0], [1], [0, 0, 1, 1], [], []>, transpose_lhs_hint = false} : vector<201x16xf32>, vector<16x201xf32>, vector<201x201xf32> -> vector<201x201xf32>
    %mul3A_851 = arith.constant 2.500000e-01 : f32
    %mul3A_852 = vector.broadcast %mul3A_851 : f32 to vector<201x201xf32>
    %mul3A_853 = arith.mulf %dot_general3A_850, %mul3A_852 : vector<201x201xf32>
    %reduce_max3A_854 = arith.constant dense<0xFF800000> : vector<201xf32>
    %reduce_max3A_855 = vector.multi_reduction <maximumf>, %mul3A_853, %reduce_max3A_854 [1] : vector<201x201xf32> to vector<201xf32>
    %broadcast_in_dim3A_856 = vector.shape_cast %reduce_max3A_855 : vector<201xf32> to vector<201x1xf32>
    %sub3A_857 = vector.broadcast %broadcast_in_dim3A_856 : vector<201x1xf32> to vector<201x201xf32>
    %sub3A_858 = arith.subf %mul3A_853, %sub3A_857 : vector<201x201xf32>
    %exp3A_859 = math.exp %sub3A_858 : vector<201x201xf32>
    %reduce_sum3A_860 = arith.constant dense<0.000000e+00> : vector<201xf32>
    %reduce_sum3A_861 = vector.multi_reduction <add>, %exp3A_859, %reduce_sum3A_860 [1] : vector<201x201xf32> to vector<201xf32>
    %broadcast_in_dim3A_862 = vector.shape_cast %reduce_sum3A_861 : vector<201xf32> to vector<201x1xf32>
    %div3A_863 = vector.broadcast %broadcast_in_dim3A_862 : vector<201x1xf32> to vector<201x201xf32>
    %div3A_864 = arith.divf %exp3A_859, %div3A_863 : vector<201x201xf32>
    %dot_general3A_865 = arith.constant dense<0.000000e+00> : vector<201x16xf32>
    %dot_general3A_866 = tpu.matmul %div3A_864, %slice3A_847, %dot_general3A_865 {dimension_numbers = #tpu.dot_dimension_numbers<[1], [0], [0], [1], [0, 0, 1, 1], [], []>, transpose_lhs_hint = false} : vector<201x201xf32>, vector<201x16xf32>, vector<201x16xf32> -> vector<201x16xf32>
    %slice3A_867 = vector.extract_strided_slice %dot_general3A_818 {offsets = [0, 32], sizes = [201, 16], strides = [1, 1]} : vector<201x128xf32> to vector<201x16xf32>
    %slice3A_868 = vector.extract_strided_slice %dot_general3A_820 {offsets = [0, 32], sizes = [201, 16], strides = [1, 1]} : vector<201x128xf32> to vector<201x16xf32>
    %slice3A_869 = vector.extract_strided_slice %dot_general3A_822 {offsets = [0, 32], sizes = [201, 16], strides = [1, 1]} : vector<201x128xf32> to vector<201x16xf32>
    %transpose3A_870 = tpu.transpose %slice3A_868, [1, 0] : vector<201x16xf32> -> vector<16x201xf32>
    %dot_general3A_871 = arith.constant dense<0.000000e+00> : vector<201x201xf32>
    %dot_general3A_872 = tpu.matmul %slice3A_867, %transpose3A_870, %dot_general3A_871 {dimension_numbers = #tpu.dot_dimension_numbers<[1], [0], [0], [1], [0, 0, 1, 1], [], []>, transpose_lhs_hint = false} : vector<201x16xf32>, vector<16x201xf32>, vector<201x201xf32> -> vector<201x201xf32>
    %mul3A_873 = arith.constant 2.500000e-01 : f32
    %mul3A_874 = vector.broadcast %mul3A_873 : f32 to vector<201x201xf32>
    %mul3A_875 = arith.mulf %dot_general3A_872, %mul3A_874 : vector<201x201xf32>
    %reduce_max3A_876 = arith.constant dense<0xFF800000> : vector<201xf32>
    %reduce_max3A_877 = vector.multi_reduction <maximumf>, %mul3A_875, %reduce_max3A_876 [1] : vector<201x201xf32> to vector<201xf32>
    %broadcast_in_dim3A_878 = vector.shape_cast %reduce_max3A_877 : vector<201xf32> to vector<201x1xf32>
    %sub3A_879 = vector.broadcast %broadcast_in_dim3A_878 : vector<201x1xf32> to vector<201x201xf32>
    %sub3A_880 = arith.subf %mul3A_875, %sub3A_879 : vector<201x201xf32>
    %exp3A_881 = math.exp %sub3A_880 : vector<201x201xf32>
    %reduce_sum3A_882 = arith.constant dense<0.000000e+00> : vector<201xf32>
    %reduce_sum3A_883 = vector.multi_reduction <add>, %exp3A_881, %reduce_sum3A_882 [1] : vector<201x201xf32> to vector<201xf32>
    %broadcast_in_dim3A_884 = vector.shape_cast %reduce_sum3A_883 : vector<201xf32> to vector<201x1xf32>
    %div3A_885 = vector.broadcast %broadcast_in_dim3A_884 : vector<201x1xf32> to vector<201x201xf32>
    %div3A_886 = arith.divf %exp3A_881, %div3A_885 : vector<201x201xf32>
    %dot_general3A_887 = arith.constant dense<0.000000e+00> : vector<201x16xf32>
    %dot_general3A_888 = tpu.matmul %div3A_886, %slice3A_869, %dot_general3A_887 {dimension_numbers = #tpu.dot_dimension_numbers<[1], [0], [0], [1], [0, 0, 1, 1], [], []>, transpose_lhs_hint = false} : vector<201x201xf32>, vector<201x16xf32>, vector<201x16xf32> -> vector<201x16xf32>
    %slice3A_889 = vector.extract_strided_slice %dot_general3A_818 {offsets = [0, 48], sizes = [201, 16], strides = [1, 1]} : vector<201x128xf32> to vector<201x16xf32>
    %slice3A_890 = vector.extract_strided_slice %dot_general3A_820 {offsets = [0, 48], sizes = [201, 16], strides = [1, 1]} : vector<201x128xf32> to vector<201x16xf32>
    %slice3A_891 = vector.extract_strided_slice %dot_general3A_822 {offsets = [0, 48], sizes = [201, 16], strides = [1, 1]} : vector<201x128xf32> to vector<201x16xf32>
    %transpose3A_892 = tpu.transpose %slice3A_890, [1, 0] : vector<201x16xf32> -> vector<16x201xf32>
    %dot_general3A_893 = arith.constant dense<0.000000e+00> : vector<201x201xf32>
    %dot_general3A_894 = tpu.matmul %slice3A_889, %transpose3A_892, %dot_general3A_893 {dimension_numbers = #tpu.dot_dimension_numbers<[1], [0], [0], [1], [0, 0, 1, 1], [], []>, transpose_lhs_hint = false} : vector<201x16xf32>, vector<16x201xf32>, vector<201x201xf32> -> vector<201x201xf32>
    %mul3A_895 = arith.constant 2.500000e-01 : f32
    %mul3A_896 = vector.broadcast %mul3A_895 : f32 to vector<201x201xf32>
    %mul3A_897 = arith.mulf %dot_general3A_894, %mul3A_896 : vector<201x201xf32>
    %reduce_max3A_898 = arith.constant dense<0xFF800000> : vector<201xf32>
    %reduce_max3A_899 = vector.multi_reduction <maximumf>, %mul3A_897, %reduce_max3A_898 [1] : vector<201x201xf32> to vector<201xf32>
    %broadcast_in_dim3A_900 = vector.shape_cast %reduce_max3A_899 : vector<201xf32> to vector<201x1xf32>
    %sub3A_901 = vector.broadcast %broadcast_in_dim3A_900 : vector<201x1xf32> to vector<201x201xf32>
    %sub3A_902 = arith.subf %mul3A_897, %sub3A_901 : vector<201x201xf32>
    %exp3A_903 = math.exp %sub3A_902 : vector<201x201xf32>
    %reduce_sum3A_904 = arith.constant dense<0.000000e+00> : vector<201xf32>
    %reduce_sum3A_905 = vector.multi_reduction <add>, %exp3A_903, %reduce_sum3A_904 [1] : vector<201x201xf32> to vector<201xf32>
    %broadcast_in_dim3A_906 = vector.shape_cast %reduce_sum3A_905 : vector<201xf32> to vector<201x1xf32>
    %div3A_907 = vector.broadcast %broadcast_in_dim3A_906 : vector<201x1xf32> to vector<201x201xf32>
    %div3A_908 = arith.divf %exp3A_903, %div3A_907 : vector<201x201xf32>
    %dot_general3A_909 = arith.constant dense<0.000000e+00> : vector<201x16xf32>
    %dot_general3A_910 = tpu.matmul %div3A_908, %slice3A_891, %dot_general3A_909 {dimension_numbers = #tpu.dot_dimension_numbers<[1], [0], [0], [1], [0, 0, 1, 1], [], []>, transpose_lhs_hint = false} : vector<201x201xf32>, vector<201x16xf32>, vector<201x16xf32> -> vector<201x16xf32>
    %slice3A_911 = vector.extract_strided_slice %dot_general3A_818 {offsets = [0, 64], sizes = [201, 16], strides = [1, 1]} : vector<201x128xf32> to vector<201x16xf32>
    %slice3A_912 = vector.extract_strided_slice %dot_general3A_820 {offsets = [0, 64], sizes = [201, 16], strides = [1, 1]} : vector<201x128xf32> to vector<201x16xf32>
    %slice3A_913 = vector.extract_strided_slice %dot_general3A_822 {offsets = [0, 64], sizes = [201, 16], strides = [1, 1]} : vector<201x128xf32> to vector<201x16xf32>
    %transpose3A_914 = tpu.transpose %slice3A_912, [1, 0] : vector<201x16xf32> -> vector<16x201xf32>
    %dot_general3A_915 = arith.constant dense<0.000000e+00> : vector<201x201xf32>
    %dot_general3A_916 = tpu.matmul %slice3A_911, %transpose3A_914, %dot_general3A_915 {dimension_numbers = #tpu.dot_dimension_numbers<[1], [0], [0], [1], [0, 0, 1, 1], [], []>, transpose_lhs_hint = false} : vector<201x16xf32>, vector<16x201xf32>, vector<201x201xf32> -> vector<201x201xf32>
    %mul3A_917 = arith.constant 2.500000e-01 : f32
    %mul3A_918 = vector.broadcast %mul3A_917 : f32 to vector<201x201xf32>
    %mul3A_919 = arith.mulf %dot_general3A_916, %mul3A_918 : vector<201x201xf32>
    %reduce_max3A_920 = arith.constant dense<0xFF800000> : vector<201xf32>
    %reduce_max3A_921 = vector.multi_reduction <maximumf>, %mul3A_919, %reduce_max3A_920 [1] : vector<201x201xf32> to vector<201xf32>
    %broadcast_in_dim3A_922 = vector.shape_cast %reduce_max3A_921 : vector<201xf32> to vector<201x1xf32>
    %sub3A_923 = vector.broadcast %broadcast_in_dim3A_922 : vector<201x1xf32> to vector<201x201xf32>
    %sub3A_924 = arith.subf %mul3A_919, %sub3A_923 : vector<201x201xf32>
    %exp3A_925 = math.exp %sub3A_924 : vector<201x201xf32>
    %reduce_sum3A_926 = arith.constant dense<0.000000e+00> : vector<201xf32>
    %reduce_sum3A_927 = vector.multi_reduction <add>, %exp3A_925, %reduce_sum3A_926 [1] : vector<201x201xf32> to vector<201xf32>
    %broadcast_in_dim3A_928 = vector.shape_cast %reduce_sum3A_927 : vector<201xf32> to vector<201x1xf32>
    %div3A_929 = vector.broadcast %broadcast_in_dim3A_928 : vector<201x1xf32> to vector<201x201xf32>
    %div3A_930 = arith.divf %exp3A_925, %div3A_929 : vector<201x201xf32>
    %dot_general3A_931 = arith.constant dense<0.000000e+00> : vector<201x16xf32>
    %dot_general3A_932 = tpu.matmul %div3A_930, %slice3A_913, %dot_general3A_931 {dimension_numbers = #tpu.dot_dimension_numbers<[1], [0], [0], [1], [0, 0, 1, 1], [], []>, transpose_lhs_hint = false} : vector<201x201xf32>, vector<201x16xf32>, vector<201x16xf32> -> vector<201x16xf32>
    %slice3A_933 = vector.extract_strided_slice %dot_general3A_818 {offsets = [0, 80], sizes = [201, 16], strides = [1, 1]} : vector<201x128xf32> to vector<201x16xf32>
    %slice3A_934 = vector.extract_strided_slice %dot_general3A_820 {offsets = [0, 80], sizes = [201, 16], strides = [1, 1]} : vector<201x128xf32> to vector<201x16xf32>
    %slice3A_935 = vector.extract_strided_slice %dot_general3A_822 {offsets = [0, 80], sizes = [201, 16], strides = [1, 1]} : vector<201x128xf32> to vector<201x16xf32>
    %transpose3A_936 = tpu.transpose %slice3A_934, [1, 0] : vector<201x16xf32> -> vector<16x201xf32>
    %dot_general3A_937 = arith.constant dense<0.000000e+00> : vector<201x201xf32>
    %dot_general3A_938 = tpu.matmul %slice3A_933, %transpose3A_936, %dot_general3A_937 {dimension_numbers = #tpu.dot_dimension_numbers<[1], [0], [0], [1], [0, 0, 1, 1], [], []>, transpose_lhs_hint = false} : vector<201x16xf32>, vector<16x201xf32>, vector<201x201xf32> -> vector<201x201xf32>
    %mul3A_939 = arith.constant 2.500000e-01 : f32
    %mul3A_940 = vector.broadcast %mul3A_939 : f32 to vector<201x201xf32>
    %mul3A_941 = arith.mulf %dot_general3A_938, %mul3A_940 : vector<201x201xf32>
    %reduce_max3A_942 = arith.constant dense<0xFF800000> : vector<201xf32>
    %reduce_max3A_943 = vector.multi_reduction <maximumf>, %mul3A_941, %reduce_max3A_942 [1] : vector<201x201xf32> to vector<201xf32>
    %broadcast_in_dim3A_944 = vector.shape_cast %reduce_max3A_943 : vector<201xf32> to vector<201x1xf32>
    %sub3A_945 = vector.broadcast %broadcast_in_dim3A_944 : vector<201x1xf32> to vector<201x201xf32>
    %sub3A_946 = arith.subf %mul3A_941, %sub3A_945 : vector<201x201xf32>
    %exp3A_947 = math.exp %sub3A_946 : vector<201x201xf32>
    %reduce_sum3A_948 = arith.constant dense<0.000000e+00> : vector<201xf32>
    %reduce_sum3A_949 = vector.multi_reduction <add>, %exp3A_947, %reduce_sum3A_948 [1] : vector<201x201xf32> to vector<201xf32>
    %broadcast_in_dim3A_950 = vector.shape_cast %reduce_sum3A_949 : vector<201xf32> to vector<201x1xf32>
    %div3A_951 = vector.broadcast %broadcast_in_dim3A_950 : vector<201x1xf32> to vector<201x201xf32>
    %div3A_952 = arith.divf %exp3A_947, %div3A_951 : vector<201x201xf32>
    %dot_general3A_953 = arith.constant dense<0.000000e+00> : vector<201x16xf32>
    %dot_general3A_954 = tpu.matmul %div3A_952, %slice3A_935, %dot_general3A_953 {dimension_numbers = #tpu.dot_dimension_numbers<[1], [0], [0], [1], [0, 0, 1, 1], [], []>, transpose_lhs_hint = false} : vector<201x201xf32>, vector<201x16xf32>, vector<201x16xf32> -> vector<201x16xf32>
    %slice3A_955 = vector.extract_strided_slice %dot_general3A_818 {offsets = [0, 96], sizes = [201, 16], strides = [1, 1]} : vector<201x128xf32> to vector<201x16xf32>
    %slice3A_956 = vector.extract_strided_slice %dot_general3A_820 {offsets = [0, 96], sizes = [201, 16], strides = [1, 1]} : vector<201x128xf32> to vector<201x16xf32>
    %slice3A_957 = vector.extract_strided_slice %dot_general3A_822 {offsets = [0, 96], sizes = [201, 16], strides = [1, 1]} : vector<201x128xf32> to vector<201x16xf32>
    %transpose3A_958 = tpu.transpose %slice3A_956, [1, 0] : vector<201x16xf32> -> vector<16x201xf32>
    %dot_general3A_959 = arith.constant dense<0.000000e+00> : vector<201x201xf32>
    %dot_general3A_960 = tpu.matmul %slice3A_955, %transpose3A_958, %dot_general3A_959 {dimension_numbers = #tpu.dot_dimension_numbers<[1], [0], [0], [1], [0, 0, 1, 1], [], []>, transpose_lhs_hint = false} : vector<201x16xf32>, vector<16x201xf32>, vector<201x201xf32> -> vector<201x201xf32>
    %mul3A_961 = arith.constant 2.500000e-01 : f32
    %mul3A_962 = vector.broadcast %mul3A_961 : f32 to vector<201x201xf32>
    %mul3A_963 = arith.mulf %dot_general3A_960, %mul3A_962 : vector<201x201xf32>
    %reduce_max3A_964 = arith.constant dense<0xFF800000> : vector<201xf32>
    %reduce_max3A_965 = vector.multi_reduction <maximumf>, %mul3A_963, %reduce_max3A_964 [1] : vector<201x201xf32> to vector<201xf32>
    %broadcast_in_dim3A_966 = vector.shape_cast %reduce_max3A_965 : vector<201xf32> to vector<201x1xf32>
    %sub3A_967 = vector.broadcast %broadcast_in_dim3A_966 : vector<201x1xf32> to vector<201x201xf32>
    %sub3A_968 = arith.subf %mul3A_963, %sub3A_967 : vector<201x201xf32>
    %exp3A_969 = math.exp %sub3A_968 : vector<201x201xf32>
    %reduce_sum3A_970 = arith.constant dense<0.000000e+00> : vector<201xf32>
    %reduce_sum3A_971 = vector.multi_reduction <add>, %exp3A_969, %reduce_sum3A_970 [1] : vector<201x201xf32> to vector<201xf32>
    %broadcast_in_dim3A_972 = vector.shape_cast %reduce_sum3A_971 : vector<201xf32> to vector<201x1xf32>
    %div3A_973 = vector.broadcast %broadcast_in_dim3A_972 : vector<201x1xf32> to vector<201x201xf32>
    %div3A_974 = arith.divf %exp3A_969, %div3A_973 : vector<201x201xf32>
    %dot_general3A_975 = arith.constant dense<0.000000e+00> : vector<201x16xf32>
    %dot_general3A_976 = tpu.matmul %div3A_974, %slice3A_957, %dot_general3A_975 {dimension_numbers = #tpu.dot_dimension_numbers<[1], [0], [0], [1], [0, 0, 1, 1], [], []>, transpose_lhs_hint = false} : vector<201x201xf32>, vector<201x16xf32>, vector<201x16xf32> -> vector<201x16xf32>
    %slice3A_977 = vector.extract_strided_slice %dot_general3A_818 {offsets = [0, 112], sizes = [201, 16], strides = [1, 1]} : vector<201x128xf32> to vector<201x16xf32>
    %slice3A_978 = vector.extract_strided_slice %dot_general3A_820 {offsets = [0, 112], sizes = [201, 16], strides = [1, 1]} : vector<201x128xf32> to vector<201x16xf32>
    %slice3A_979 = vector.extract_strided_slice %dot_general3A_822 {offsets = [0, 112], sizes = [201, 16], strides = [1, 1]} : vector<201x128xf32> to vector<201x16xf32>
    %transpose3A_980 = tpu.transpose %slice3A_978, [1, 0] : vector<201x16xf32> -> vector<16x201xf32>
    %dot_general3A_981 = arith.constant dense<0.000000e+00> : vector<201x201xf32>
    %dot_general3A_982 = tpu.matmul %slice3A_977, %transpose3A_980, %dot_general3A_981 {dimension_numbers = #tpu.dot_dimension_numbers<[1], [0], [0], [1], [0, 0, 1, 1], [], []>, transpose_lhs_hint = false} : vector<201x16xf32>, vector<16x201xf32>, vector<201x201xf32> -> vector<201x201xf32>
    %mul3A_983 = arith.constant 2.500000e-01 : f32
    %mul3A_984 = vector.broadcast %mul3A_983 : f32 to vector<201x201xf32>
    %mul3A_985 = arith.mulf %dot_general3A_982, %mul3A_984 : vector<201x201xf32>
    %reduce_max3A_986 = arith.constant dense<0xFF800000> : vector<201xf32>
    %reduce_max3A_987 = vector.multi_reduction <maximumf>, %mul3A_985, %reduce_max3A_986 [1] : vector<201x201xf32> to vector<201xf32>
    %broadcast_in_dim3A_988 = vector.shape_cast %reduce_max3A_987 : vector<201xf32> to vector<201x1xf32>
    %sub3A_989 = vector.broadcast %broadcast_in_dim3A_988 : vector<201x1xf32> to vector<201x201xf32>
    %sub3A_990 = arith.subf %mul3A_985, %sub3A_989 : vector<201x201xf32>
    %exp3A_991 = math.exp %sub3A_990 : vector<201x201xf32>
    %reduce_sum3A_992 = arith.constant dense<0.000000e+00> : vector<201xf32>
    %reduce_sum3A_993 = vector.multi_reduction <add>, %exp3A_991, %reduce_sum3A_992 [1] : vector<201x201xf32> to vector<201xf32>
    %broadcast_in_dim3A_994 = vector.shape_cast %reduce_sum3A_993 : vector<201xf32> to vector<201x1xf32>
    %div3A_995 = vector.broadcast %broadcast_in_dim3A_994 : vector<201x1xf32> to vector<201x201xf32>
    %div3A_996 = arith.divf %exp3A_991, %div3A_995 : vector<201x201xf32>
    %dot_general3A_997 = arith.constant dense<0.000000e+00> : vector<201x16xf32>
    %dot_general3A_998 = tpu.matmul %div3A_996, %slice3A_979, %dot_general3A_997 {dimension_numbers = #tpu.dot_dimension_numbers<[1], [0], [0], [1], [0, 0, 1, 1], [], []>, transpose_lhs_hint = false} : vector<201x201xf32>, vector<201x16xf32>, vector<201x16xf32> -> vector<201x16xf32>
    %concatenate3A_999 = tpu.concatenate %dot_general3A_844, %dot_general3A_866, %dot_general3A_888, %dot_general3A_910, %dot_general3A_932, %dot_general3A_954, %dot_general3A_976, %dot_general3A_998 in 1 : vector<201x16xf32>, vector<201x16xf32>, vector<201x16xf32>, vector<201x16xf32>, vector<201x16xf32>, vector<201x16xf32>, vector<201x16xf32>, vector<201x16xf32> -> vector<201x128xf32>
    %dot_general3A_1000 = arith.constant dense<0.000000e+00> : vector<201x128xf32>
    %dot_general3A_1001 = tpu.matmul %concatenate3A_999, %get3A_791, %dot_general3A_1000 {dimension_numbers = #tpu.dot_dimension_numbers<[1], [0], [0], [1], [0, 0, 1, 1], [], []>, transpose_lhs_hint = false} : vector<201x128xf32>, vector<128x128xf32>, vector<201x128xf32> -> vector<201x128xf32>
    %add3A_1002 = arith.addf %concatenate3A_771, %dot_general3A_1001 : vector<201x128xf32>
    %add3A_1003 = vector.broadcast %get3A_796 : vector<1x128xf32> to vector<201x128xf32>
    %add3A_1004 = arith.addf %add3A_1002, %add3A_1003 : vector<201x128xf32>
    %dot_general3A_1005 = arith.constant dense<0.000000e+00> : vector<201x512xf32>
    %dot_general3A_1006 = tpu.matmul %add3A_1004, %get3A_801, %dot_general3A_1005 {dimension_numbers = #tpu.dot_dimension_numbers<[1], [0], [0], [1], [0, 0, 1, 1], [], []>, transpose_lhs_hint = false} : vector<201x128xf32>, vector<128x512xf32>, vector<201x512xf32> -> vector<201x512xf32>
    %add3A_1007 = vector.broadcast %get3A_806 : vector<1x512xf32> to vector<201x512xf32>
    %add3A_1008 = arith.addf %dot_general3A_1006, %add3A_1007 : vector<201x512xf32>
    %max3A_1009 = arith.constant 0.000000e+00 : f32
    %max3A_1010 = vector.broadcast %max3A_1009 : f32 to vector<201x512xf32>
    %max3A_1011 = arith.maximumf %add3A_1008, %max3A_1010 : vector<201x512xf32>
    %dot_general3A_1012 = arith.constant dense<0.000000e+00> : vector<201x128xf32>
    %dot_general3A_1013 = tpu.matmul %max3A_1011, %get3A_811, %dot_general3A_1012 {dimension_numbers = #tpu.dot_dimension_numbers<[1], [0], [0], [1], [0, 0, 1, 1], [], []>, transpose_lhs_hint = false} : vector<201x512xf32>, vector<512x128xf32>, vector<201x128xf32> -> vector<201x128xf32>
    %add3A_1014 = vector.broadcast %get3A_816 : vector<1x128xf32> to vector<201x128xf32>
    %add3A_1015 = arith.addf %dot_general3A_1013, %add3A_1014 : vector<201x128xf32>
    %add3A_1016 = arith.addf %add3A_1004, %add3A_1015 : vector<201x128xf32>
    %get3A_1017 = arith.constant 1 : index
    %get3A_1018 = arith.constant 0 : index
    %get3A_1019 = arith.constant 0 : index
    %get3A_1020 = vector.load %arg14[%get3A_1017, %get3A_1018, %get3A_1019] : memref<3x128x128xf32, #tpu.memory_space<vmem>>, vector<1x128x128xf32>
    %get3A_1021 = vector.shape_cast %get3A_1020 : vector<1x128x128xf32> to vector<128x128xf32>
    %get3A_1022 = arith.constant 1 : index
    %get3A_1023 = arith.constant 0 : index
    %get3A_1024 = arith.constant 0 : index
    %get3A_1025 = vector.load %arg15[%get3A_1022, %get3A_1023, %get3A_1024] : memref<3x128x128xf32, #tpu.memory_space<vmem>>, vector<1x128x128xf32>
    %get3A_1026 = vector.shape_cast %get3A_1025 : vector<1x128x128xf32> to vector<128x128xf32>
    %get3A_1027 = arith.constant 1 : index
    %get3A_1028 = arith.constant 0 : index
    %get3A_1029 = arith.constant 0 : index
    %get3A_1030 = vector.load %arg16[%get3A_1027, %get3A_1028, %get3A_1029] : memref<3x128x128xf32, #tpu.memory_space<vmem>>, vector<1x128x128xf32>
    %get3A_1031 = vector.shape_cast %get3A_1030 : vector<1x128x128xf32> to vector<128x128xf32>
    %get3A_1032 = arith.constant 1 : index
    %get3A_1033 = arith.constant 0 : index
    %get3A_1034 = arith.constant 0 : index
    %get3A_1035 = vector.load %arg17[%get3A_1032, %get3A_1033, %get3A_1034] : memref<3x128x128xf32, #tpu.memory_space<vmem>>, vector<1x128x128xf32>
    %get3A_1036 = vector.shape_cast %get3A_1035 : vector<1x128x128xf32> to vector<128x128xf32>
    %get3A_1037 = arith.constant 1 : index
    %get3A_1038 = arith.constant 0 : index
    %get3A_1039 = arith.constant 0 : index
    %get3A_1040 = vector.load %arg18[%get3A_1037, %get3A_1038, %get3A_1039] : memref<3x1x128xf32, #tpu.memory_space<vmem>>, vector<1x1x128xf32>
    %get3A_1041 = vector.shape_cast %get3A_1040 : vector<1x1x128xf32> to vector<1x128xf32>
    %get3A_1042 = arith.constant 1 : index
    %get3A_1043 = arith.constant 0 : index
    %get3A_1044 = arith.constant 0 : index
    %get3A_1045 = vector.load %arg19[%get3A_1042, %get3A_1043, %get3A_1044] : memref<3x128x512xf32, #tpu.memory_space<vmem>>, vector<1x128x512xf32>
    %get3A_1046 = vector.shape_cast %get3A_1045 : vector<1x128x512xf32> to vector<128x512xf32>
    %get3A_1047 = arith.constant 1 : index
    %get3A_1048 = arith.constant 0 : index
    %get3A_1049 = arith.constant 0 : index
    %get3A_1050 = vector.load %arg20[%get3A_1047, %get3A_1048, %get3A_1049] : memref<3x1x512xf32, #tpu.memory_space<vmem>>, vector<1x1x512xf32>
    %get3A_1051 = vector.shape_cast %get3A_1050 : vector<1x1x512xf32> to vector<1x512xf32>
    %get3A_1052 = arith.constant 1 : index
    %get3A_1053 = arith.constant 0 : index
    %get3A_1054 = arith.constant 0 : index
    %get3A_1055 = vector.load %arg21[%get3A_1052, %get3A_1053, %get3A_1054] : memref<3x512x128xf32, #tpu.memory_space<vmem>>, vector<1x512x128xf32>
    %get3A_1056 = vector.shape_cast %get3A_1055 : vector<1x512x128xf32> to vector<512x128xf32>
    %get3A_1057 = arith.constant 1 : index
    %get3A_1058 = arith.constant 0 : index
    %get3A_1059 = arith.constant 0 : index
    %get3A_1060 = vector.load %arg22[%get3A_1057, %get3A_1058, %get3A_1059] : memref<3x1x128xf32, #tpu.memory_space<vmem>>, vector<1x1x128xf32>
    %get3A_1061 = vector.shape_cast %get3A_1060 : vector<1x1x128xf32> to vector<1x128xf32>
    %dot_general3A_1062 = arith.constant dense<0.000000e+00> : vector<201x128xf32>
    %dot_general3A_1063 = tpu.matmul %add3A_1016, %get3A_1021, %dot_general3A_1062 {dimension_numbers = #tpu.dot_dimension_numbers<[1], [0], [0], [1], [0, 0, 1, 1], [], []>, transpose_lhs_hint = false} : vector<201x128xf32>, vector<128x128xf32>, vector<201x128xf32> -> vector<201x128xf32>
    %dot_general3A_1064 = arith.constant dense<0.000000e+00> : vector<201x128xf32>
    %dot_general3A_1065 = tpu.matmul %add3A_1016, %get3A_1026, %dot_general3A_1064 {dimension_numbers = #tpu.dot_dimension_numbers<[1], [0], [0], [1], [0, 0, 1, 1], [], []>, transpose_lhs_hint = false} : vector<201x128xf32>, vector<128x128xf32>, vector<201x128xf32> -> vector<201x128xf32>
    %dot_general3A_1066 = arith.constant dense<0.000000e+00> : vector<201x128xf32>
    %dot_general3A_1067 = tpu.matmul %add3A_1016, %get3A_1031, %dot_general3A_1066 {dimension_numbers = #tpu.dot_dimension_numbers<[1], [0], [0], [1], [0, 0, 1, 1], [], []>, transpose_lhs_hint = false} : vector<201x128xf32>, vector<128x128xf32>, vector<201x128xf32> -> vector<201x128xf32>
    %slice3A_1068 = vector.extract_strided_slice %dot_general3A_1063 {offsets = [0, 0], sizes = [201, 16], strides = [1, 1]} : vector<201x128xf32> to vector<201x16xf32>
    %slice3A_1069 = vector.extract_strided_slice %dot_general3A_1065 {offsets = [0, 0], sizes = [201, 16], strides = [1, 1]} : vector<201x128xf32> to vector<201x16xf32>
    %slice3A_1070 = vector.extract_strided_slice %dot_general3A_1067 {offsets = [0, 0], sizes = [201, 16], strides = [1, 1]} : vector<201x128xf32> to vector<201x16xf32>
    %transpose3A_1071 = tpu.transpose %slice3A_1069, [1, 0] : vector<201x16xf32> -> vector<16x201xf32>
    %dot_general3A_1072 = arith.constant dense<0.000000e+00> : vector<201x201xf32>
    %dot_general3A_1073 = tpu.matmul %slice3A_1068, %transpose3A_1071, %dot_general3A_1072 {dimension_numbers = #tpu.dot_dimension_numbers<[1], [0], [0], [1], [0, 0, 1, 1], [], []>, transpose_lhs_hint = false} : vector<201x16xf32>, vector<16x201xf32>, vector<201x201xf32> -> vector<201x201xf32>
    %mul3A_1074 = arith.constant 2.500000e-01 : f32
    %mul3A_1075 = vector.broadcast %mul3A_1074 : f32 to vector<201x201xf32>
    %mul3A_1076 = arith.mulf %dot_general3A_1073, %mul3A_1075 : vector<201x201xf32>
    %reduce_max3A_1077 = arith.constant dense<0xFF800000> : vector<201xf32>
    %reduce_max3A_1078 = vector.multi_reduction <maximumf>, %mul3A_1076, %reduce_max3A_1077 [1] : vector<201x201xf32> to vector<201xf32>
    %broadcast_in_dim3A_1079 = vector.shape_cast %reduce_max3A_1078 : vector<201xf32> to vector<201x1xf32>
    %sub3A_1080 = vector.broadcast %broadcast_in_dim3A_1079 : vector<201x1xf32> to vector<201x201xf32>
    %sub3A_1081 = arith.subf %mul3A_1076, %sub3A_1080 : vector<201x201xf32>
    %exp3A_1082 = math.exp %sub3A_1081 : vector<201x201xf32>
    %reduce_sum3A_1083 = arith.constant dense<0.000000e+00> : vector<201xf32>
    %reduce_sum3A_1084 = vector.multi_reduction <add>, %exp3A_1082, %reduce_sum3A_1083 [1] : vector<201x201xf32> to vector<201xf32>
    %broadcast_in_dim3A_1085 = vector.shape_cast %reduce_sum3A_1084 : vector<201xf32> to vector<201x1xf32>
    %div3A_1086 = vector.broadcast %broadcast_in_dim3A_1085 : vector<201x1xf32> to vector<201x201xf32>
    %div3A_1087 = arith.divf %exp3A_1082, %div3A_1086 : vector<201x201xf32>
    %dot_general3A_1088 = arith.constant dense<0.000000e+00> : vector<201x16xf32>
    %dot_general3A_1089 = tpu.matmul %div3A_1087, %slice3A_1070, %dot_general3A_1088 {dimension_numbers = #tpu.dot_dimension_numbers<[1], [0], [0], [1], [0, 0, 1, 1], [], []>, transpose_lhs_hint = false} : vector<201x201xf32>, vector<201x16xf32>, vector<201x16xf32> -> vector<201x16xf32>
    %slice3A_1090 = vector.extract_strided_slice %dot_general3A_1063 {offsets = [0, 16], sizes = [201, 16], strides = [1, 1]} : vector<201x128xf32> to vector<201x16xf32>
    %slice3A_1091 = vector.extract_strided_slice %dot_general3A_1065 {offsets = [0, 16], sizes = [201, 16], strides = [1, 1]} : vector<201x128xf32> to vector<201x16xf32>
    %slice3A_1092 = vector.extract_strided_slice %dot_general3A_1067 {offsets = [0, 16], sizes = [201, 16], strides = [1, 1]} : vector<201x128xf32> to vector<201x16xf32>
    %transpose3A_1093 = tpu.transpose %slice3A_1091, [1, 0] : vector<201x16xf32> -> vector<16x201xf32>
    %dot_general3A_1094 = arith.constant dense<0.000000e+00> : vector<201x201xf32>
    %dot_general3A_1095 = tpu.matmul %slice3A_1090, %transpose3A_1093, %dot_general3A_1094 {dimension_numbers = #tpu.dot_dimension_numbers<[1], [0], [0], [1], [0, 0, 1, 1], [], []>, transpose_lhs_hint = false} : vector<201x16xf32>, vector<16x201xf32>, vector<201x201xf32> -> vector<201x201xf32>
    %mul3A_1096 = arith.constant 2.500000e-01 : f32
    %mul3A_1097 = vector.broadcast %mul3A_1096 : f32 to vector<201x201xf32>
    %mul3A_1098 = arith.mulf %dot_general3A_1095, %mul3A_1097 : vector<201x201xf32>
    %reduce_max3A_1099 = arith.constant dense<0xFF800000> : vector<201xf32>
    %reduce_max3A_1100 = vector.multi_reduction <maximumf>, %mul3A_1098, %reduce_max3A_1099 [1] : vector<201x201xf32> to vector<201xf32>
    %broadcast_in_dim3A_1101 = vector.shape_cast %reduce_max3A_1100 : vector<201xf32> to vector<201x1xf32>
    %sub3A_1102 = vector.broadcast %broadcast_in_dim3A_1101 : vector<201x1xf32> to vector<201x201xf32>
    %sub3A_1103 = arith.subf %mul3A_1098, %sub3A_1102 : vector<201x201xf32>
    %exp3A_1104 = math.exp %sub3A_1103 : vector<201x201xf32>
    %reduce_sum3A_1105 = arith.constant dense<0.000000e+00> : vector<201xf32>
    %reduce_sum3A_1106 = vector.multi_reduction <add>, %exp3A_1104, %reduce_sum3A_1105 [1] : vector<201x201xf32> to vector<201xf32>
    %broadcast_in_dim3A_1107 = vector.shape_cast %reduce_sum3A_1106 : vector<201xf32> to vector<201x1xf32>
    %div3A_1108 = vector.broadcast %broadcast_in_dim3A_1107 : vector<201x1xf32> to vector<201x201xf32>
    %div3A_1109 = arith.divf %exp3A_1104, %div3A_1108 : vector<201x201xf32>
    %dot_general3A_1110 = arith.constant dense<0.000000e+00> : vector<201x16xf32>
    %dot_general3A_1111 = tpu.matmul %div3A_1109, %slice3A_1092, %dot_general3A_1110 {dimension_numbers = #tpu.dot_dimension_numbers<[1], [0], [0], [1], [0, 0, 1, 1], [], []>, transpose_lhs_hint = false} : vector<201x201xf32>, vector<201x16xf32>, vector<201x16xf32> -> vector<201x16xf32>
    %slice3A_1112 = vector.extract_strided_slice %dot_general3A_1063 {offsets = [0, 32], sizes = [201, 16], strides = [1, 1]} : vector<201x128xf32> to vector<201x16xf32>
    %slice3A_1113 = vector.extract_strided_slice %dot_general3A_1065 {offsets = [0, 32], sizes = [201, 16], strides = [1, 1]} : vector<201x128xf32> to vector<201x16xf32>
    %slice3A_1114 = vector.extract_strided_slice %dot_general3A_1067 {offsets = [0, 32], sizes = [201, 16], strides = [1, 1]} : vector<201x128xf32> to vector<201x16xf32>
    %transpose3A_1115 = tpu.transpose %slice3A_1113, [1, 0] : vector<201x16xf32> -> vector<16x201xf32>
    %dot_general3A_1116 = arith.constant dense<0.000000e+00> : vector<201x201xf32>
    %dot_general3A_1117 = tpu.matmul %slice3A_1112, %transpose3A_1115, %dot_general3A_1116 {dimension_numbers = #tpu.dot_dimension_numbers<[1], [0], [0], [1], [0, 0, 1, 1], [], []>, transpose_lhs_hint = false} : vector<201x16xf32>, vector<16x201xf32>, vector<201x201xf32> -> vector<201x201xf32>
    %mul3A_1118 = arith.constant 2.500000e-01 : f32
    %mul3A_1119 = vector.broadcast %mul3A_1118 : f32 to vector<201x201xf32>
    %mul3A_1120 = arith.mulf %dot_general3A_1117, %mul3A_1119 : vector<201x201xf32>
    %reduce_max3A_1121 = arith.constant dense<0xFF800000> : vector<201xf32>
    %reduce_max3A_1122 = vector.multi_reduction <maximumf>, %mul3A_1120, %reduce_max3A_1121 [1] : vector<201x201xf32> to vector<201xf32>
    %broadcast_in_dim3A_1123 = vector.shape_cast %reduce_max3A_1122 : vector<201xf32> to vector<201x1xf32>
    %sub3A_1124 = vector.broadcast %broadcast_in_dim3A_1123 : vector<201x1xf32> to vector<201x201xf32>
    %sub3A_1125 = arith.subf %mul3A_1120, %sub3A_1124 : vector<201x201xf32>
    %exp3A_1126 = math.exp %sub3A_1125 : vector<201x201xf32>
    %reduce_sum3A_1127 = arith.constant dense<0.000000e+00> : vector<201xf32>
    %reduce_sum3A_1128 = vector.multi_reduction <add>, %exp3A_1126, %reduce_sum3A_1127 [1] : vector<201x201xf32> to vector<201xf32>
    %broadcast_in_dim3A_1129 = vector.shape_cast %reduce_sum3A_1128 : vector<201xf32> to vector<201x1xf32>
    %div3A_1130 = vector.broadcast %broadcast_in_dim3A_1129 : vector<201x1xf32> to vector<201x201xf32>
    %div3A_1131 = arith.divf %exp3A_1126, %div3A_1130 : vector<201x201xf32>
    %dot_general3A_1132 = arith.constant dense<0.000000e+00> : vector<201x16xf32>
    %dot_general3A_1133 = tpu.matmul %div3A_1131, %slice3A_1114, %dot_general3A_1132 {dimension_numbers = #tpu.dot_dimension_numbers<[1], [0], [0], [1], [0, 0, 1, 1], [], []>, transpose_lhs_hint = false} : vector<201x201xf32>, vector<201x16xf32>, vector<201x16xf32> -> vector<201x16xf32>
    %slice3A_1134 = vector.extract_strided_slice %dot_general3A_1063 {offsets = [0, 48], sizes = [201, 16], strides = [1, 1]} : vector<201x128xf32> to vector<201x16xf32>
    %slice3A_1135 = vector.extract_strided_slice %dot_general3A_1065 {offsets = [0, 48], sizes = [201, 16], strides = [1, 1]} : vector<201x128xf32> to vector<201x16xf32>
    %slice3A_1136 = vector.extract_strided_slice %dot_general3A_1067 {offsets = [0, 48], sizes = [201, 16], strides = [1, 1]} : vector<201x128xf32> to vector<201x16xf32>
    %transpose3A_1137 = tpu.transpose %slice3A_1135, [1, 0] : vector<201x16xf32> -> vector<16x201xf32>
    %dot_general3A_1138 = arith.constant dense<0.000000e+00> : vector<201x201xf32>
    %dot_general3A_1139 = tpu.matmul %slice3A_1134, %transpose3A_1137, %dot_general3A_1138 {dimension_numbers = #tpu.dot_dimension_numbers<[1], [0], [0], [1], [0, 0, 1, 1], [], []>, transpose_lhs_hint = false} : vector<201x16xf32>, vector<16x201xf32>, vector<201x201xf32> -> vector<201x201xf32>
    %mul3A_1140 = arith.constant 2.500000e-01 : f32
    %mul3A_1141 = vector.broadcast %mul3A_1140 : f32 to vector<201x201xf32>
    %mul3A_1142 = arith.mulf %dot_general3A_1139, %mul3A_1141 : vector<201x201xf32>
    %reduce_max3A_1143 = arith.constant dense<0xFF800000> : vector<201xf32>
    %reduce_max3A_1144 = vector.multi_reduction <maximumf>, %mul3A_1142, %reduce_max3A_1143 [1] : vector<201x201xf32> to vector<201xf32>
    %broadcast_in_dim3A_1145 = vector.shape_cast %reduce_max3A_1144 : vector<201xf32> to vector<201x1xf32>
    %sub3A_1146 = vector.broadcast %broadcast_in_dim3A_1145 : vector<201x1xf32> to vector<201x201xf32>
    %sub3A_1147 = arith.subf %mul3A_1142, %sub3A_1146 : vector<201x201xf32>
    %exp3A_1148 = math.exp %sub3A_1147 : vector<201x201xf32>
    %reduce_sum3A_1149 = arith.constant dense<0.000000e+00> : vector<201xf32>
    %reduce_sum3A_1150 = vector.multi_reduction <add>, %exp3A_1148, %reduce_sum3A_1149 [1] : vector<201x201xf32> to vector<201xf32>
    %broadcast_in_dim3A_1151 = vector.shape_cast %reduce_sum3A_1150 : vector<201xf32> to vector<201x1xf32>
    %div3A_1152 = vector.broadcast %broadcast_in_dim3A_1151 : vector<201x1xf32> to vector<201x201xf32>
    %div3A_1153 = arith.divf %exp3A_1148, %div3A_1152 : vector<201x201xf32>
    %dot_general3A_1154 = arith.constant dense<0.000000e+00> : vector<201x16xf32>
    %dot_general3A_1155 = tpu.matmul %div3A_1153, %slice3A_1136, %dot_general3A_1154 {dimension_numbers = #tpu.dot_dimension_numbers<[1], [0], [0], [1], [0, 0, 1, 1], [], []>, transpose_lhs_hint = false} : vector<201x201xf32>, vector<201x16xf32>, vector<201x16xf32> -> vector<201x16xf32>
    %slice3A_1156 = vector.extract_strided_slice %dot_general3A_1063 {offsets = [0, 64], sizes = [201, 16], strides = [1, 1]} : vector<201x128xf32> to vector<201x16xf32>
    %slice3A_1157 = vector.extract_strided_slice %dot_general3A_1065 {offsets = [0, 64], sizes = [201, 16], strides = [1, 1]} : vector<201x128xf32> to vector<201x16xf32>
    %slice3A_1158 = vector.extract_strided_slice %dot_general3A_1067 {offsets = [0, 64], sizes = [201, 16], strides = [1, 1]} : vector<201x128xf32> to vector<201x16xf32>
    %transpose3A_1159 = tpu.transpose %slice3A_1157, [1, 0] : vector<201x16xf32> -> vector<16x201xf32>
    %dot_general3A_1160 = arith.constant dense<0.000000e+00> : vector<201x201xf32>
    %dot_general3A_1161 = tpu.matmul %slice3A_1156, %transpose3A_1159, %dot_general3A_1160 {dimension_numbers = #tpu.dot_dimension_numbers<[1], [0], [0], [1], [0, 0, 1, 1], [], []>, transpose_lhs_hint = false} : vector<201x16xf32>, vector<16x201xf32>, vector<201x201xf32> -> vector<201x201xf32>
    %mul3A_1162 = arith.constant 2.500000e-01 : f32
    %mul3A_1163 = vector.broadcast %mul3A_1162 : f32 to vector<201x201xf32>
    %mul3A_1164 = arith.mulf %dot_general3A_1161, %mul3A_1163 : vector<201x201xf32>
    %reduce_max3A_1165 = arith.constant dense<0xFF800000> : vector<201xf32>
    %reduce_max3A_1166 = vector.multi_reduction <maximumf>, %mul3A_1164, %reduce_max3A_1165 [1] : vector<201x201xf32> to vector<201xf32>
    %broadcast_in_dim3A_1167 = vector.shape_cast %reduce_max3A_1166 : vector<201xf32> to vector<201x1xf32>
    %sub3A_1168 = vector.broadcast %broadcast_in_dim3A_1167 : vector<201x1xf32> to vector<201x201xf32>
    %sub3A_1169 = arith.subf %mul3A_1164, %sub3A_1168 : vector<201x201xf32>
    %exp3A_1170 = math.exp %sub3A_1169 : vector<201x201xf32>
    %reduce_sum3A_1171 = arith.constant dense<0.000000e+00> : vector<201xf32>
    %reduce_sum3A_1172 = vector.multi_reduction <add>, %exp3A_1170, %reduce_sum3A_1171 [1] : vector<201x201xf32> to vector<201xf32>
    %broadcast_in_dim3A_1173 = vector.shape_cast %reduce_sum3A_1172 : vector<201xf32> to vector<201x1xf32>
    %div3A_1174 = vector.broadcast %broadcast_in_dim3A_1173 : vector<201x1xf32> to vector<201x201xf32>
    %div3A_1175 = arith.divf %exp3A_1170, %div3A_1174 : vector<201x201xf32>
    %dot_general3A_1176 = arith.constant dense<0.000000e+00> : vector<201x16xf32>
    %dot_general3A_1177 = tpu.matmul %div3A_1175, %slice3A_1158, %dot_general3A_1176 {dimension_numbers = #tpu.dot_dimension_numbers<[1], [0], [0], [1], [0, 0, 1, 1], [], []>, transpose_lhs_hint = false} : vector<201x201xf32>, vector<201x16xf32>, vector<201x16xf32> -> vector<201x16xf32>
    %slice3A_1178 = vector.extract_strided_slice %dot_general3A_1063 {offsets = [0, 80], sizes = [201, 16], strides = [1, 1]} : vector<201x128xf32> to vector<201x16xf32>
    %slice3A_1179 = vector.extract_strided_slice %dot_general3A_1065 {offsets = [0, 80], sizes = [201, 16], strides = [1, 1]} : vector<201x128xf32> to vector<201x16xf32>
    %slice3A_1180 = vector.extract_strided_slice %dot_general3A_1067 {offsets = [0, 80], sizes = [201, 16], strides = [1, 1]} : vector<201x128xf32> to vector<201x16xf32>
    %transpose3A_1181 = tpu.transpose %slice3A_1179, [1, 0] : vector<201x16xf32> -> vector<16x201xf32>
    %dot_general3A_1182 = arith.constant dense<0.000000e+00> : vector<201x201xf32>
    %dot_general3A_1183 = tpu.matmul %slice3A_1178, %transpose3A_1181, %dot_general3A_1182 {dimension_numbers = #tpu.dot_dimension_numbers<[1], [0], [0], [1], [0, 0, 1, 1], [], []>, transpose_lhs_hint = false} : vector<201x16xf32>, vector<16x201xf32>, vector<201x201xf32> -> vector<201x201xf32>
    %mul3A_1184 = arith.constant 2.500000e-01 : f32
    %mul3A_1185 = vector.broadcast %mul3A_1184 : f32 to vector<201x201xf32>
    %mul3A_1186 = arith.mulf %dot_general3A_1183, %mul3A_1185 : vector<201x201xf32>
    %reduce_max3A_1187 = arith.constant dense<0xFF800000> : vector<201xf32>
    %reduce_max3A_1188 = vector.multi_reduction <maximumf>, %mul3A_1186, %reduce_max3A_1187 [1] : vector<201x201xf32> to vector<201xf32>
    %broadcast_in_dim3A_1189 = vector.shape_cast %reduce_max3A_1188 : vector<201xf32> to vector<201x1xf32>
    %sub3A_1190 = vector.broadcast %broadcast_in_dim3A_1189 : vector<201x1xf32> to vector<201x201xf32>
    %sub3A_1191 = arith.subf %mul3A_1186, %sub3A_1190 : vector<201x201xf32>
    %exp3A_1192 = math.exp %sub3A_1191 : vector<201x201xf32>
    %reduce_sum3A_1193 = arith.constant dense<0.000000e+00> : vector<201xf32>
    %reduce_sum3A_1194 = vector.multi_reduction <add>, %exp3A_1192, %reduce_sum3A_1193 [1] : vector<201x201xf32> to vector<201xf32>
    %broadcast_in_dim3A_1195 = vector.shape_cast %reduce_sum3A_1194 : vector<201xf32> to vector<201x1xf32>
    %div3A_1196 = vector.broadcast %broadcast_in_dim3A_1195 : vector<201x1xf32> to vector<201x201xf32>
    %div3A_1197 = arith.divf %exp3A_1192, %div3A_1196 : vector<201x201xf32>
    %dot_general3A_1198 = arith.constant dense<0.000000e+00> : vector<201x16xf32>
    %dot_general3A_1199 = tpu.matmul %div3A_1197, %slice3A_1180, %dot_general3A_1198 {dimension_numbers = #tpu.dot_dimension_numbers<[1], [0], [0], [1], [0, 0, 1, 1], [], []>, transpose_lhs_hint = false} : vector<201x201xf32>, vector<201x16xf32>, vector<201x16xf32> -> vector<201x16xf32>
    %slice3A_1200 = vector.extract_strided_slice %dot_general3A_1063 {offsets = [0, 96], sizes = [201, 16], strides = [1, 1]} : vector<201x128xf32> to vector<201x16xf32>
    %slice3A_1201 = vector.extract_strided_slice %dot_general3A_1065 {offsets = [0, 96], sizes = [201, 16], strides = [1, 1]} : vector<201x128xf32> to vector<201x16xf32>
    %slice3A_1202 = vector.extract_strided_slice %dot_general3A_1067 {offsets = [0, 96], sizes = [201, 16], strides = [1, 1]} : vector<201x128xf32> to vector<201x16xf32>
    %transpose3A_1203 = tpu.transpose %slice3A_1201, [1, 0] : vector<201x16xf32> -> vector<16x201xf32>
    %dot_general3A_1204 = arith.constant dense<0.000000e+00> : vector<201x201xf32>
    %dot_general3A_1205 = tpu.matmul %slice3A_1200, %transpose3A_1203, %dot_general3A_1204 {dimension_numbers = #tpu.dot_dimension_numbers<[1], [0], [0], [1], [0, 0, 1, 1], [], []>, transpose_lhs_hint = false} : vector<201x16xf32>, vector<16x201xf32>, vector<201x201xf32> -> vector<201x201xf32>
    %mul3A_1206 = arith.constant 2.500000e-01 : f32
    %mul3A_1207 = vector.broadcast %mul3A_1206 : f32 to vector<201x201xf32>
    %mul3A_1208 = arith.mulf %dot_general3A_1205, %mul3A_1207 : vector<201x201xf32>
    %reduce_max3A_1209 = arith.constant dense<0xFF800000> : vector<201xf32>
    %reduce_max3A_1210 = vector.multi_reduction <maximumf>, %mul3A_1208, %reduce_max3A_1209 [1] : vector<201x201xf32> to vector<201xf32>
    %broadcast_in_dim3A_1211 = vector.shape_cast %reduce_max3A_1210 : vector<201xf32> to vector<201x1xf32>
    %sub3A_1212 = vector.broadcast %broadcast_in_dim3A_1211 : vector<201x1xf32> to vector<201x201xf32>
    %sub3A_1213 = arith.subf %mul3A_1208, %sub3A_1212 : vector<201x201xf32>
    %exp3A_1214 = math.exp %sub3A_1213 : vector<201x201xf32>
    %reduce_sum3A_1215 = arith.constant dense<0.000000e+00> : vector<201xf32>
    %reduce_sum3A_1216 = vector.multi_reduction <add>, %exp3A_1214, %reduce_sum3A_1215 [1] : vector<201x201xf32> to vector<201xf32>
    %broadcast_in_dim3A_1217 = vector.shape_cast %reduce_sum3A_1216 : vector<201xf32> to vector<201x1xf32>
    %div3A_1218 = vector.broadcast %broadcast_in_dim3A_1217 : vector<201x1xf32> to vector<201x201xf32>
    %div3A_1219 = arith.divf %exp3A_1214, %div3A_1218 : vector<201x201xf32>
    %dot_general3A_1220 = arith.constant dense<0.000000e+00> : vector<201x16xf32>
    %dot_general3A_1221 = tpu.matmul %div3A_1219, %slice3A_1202, %dot_general3A_1220 {dimension_numbers = #tpu.dot_dimension_numbers<[1], [0], [0], [1], [0, 0, 1, 1], [], []>, transpose_lhs_hint = false} : vector<201x201xf32>, vector<201x16xf32>, vector<201x16xf32> -> vector<201x16xf32>
    %slice3A_1222 = vector.extract_strided_slice %dot_general3A_1063 {offsets = [0, 112], sizes = [201, 16], strides = [1, 1]} : vector<201x128xf32> to vector<201x16xf32>
    %slice3A_1223 = vector.extract_strided_slice %dot_general3A_1065 {offsets = [0, 112], sizes = [201, 16], strides = [1, 1]} : vector<201x128xf32> to vector<201x16xf32>
    %slice3A_1224 = vector.extract_strided_slice %dot_general3A_1067 {offsets = [0, 112], sizes = [201, 16], strides = [1, 1]} : vector<201x128xf32> to vector<201x16xf32>
    %transpose3A_1225 = tpu.transpose %slice3A_1223, [1, 0] : vector<201x16xf32> -> vector<16x201xf32>
    %dot_general3A_1226 = arith.constant dense<0.000000e+00> : vector<201x201xf32>
    %dot_general3A_1227 = tpu.matmul %slice3A_1222, %transpose3A_1225, %dot_general3A_1226 {dimension_numbers = #tpu.dot_dimension_numbers<[1], [0], [0], [1], [0, 0, 1, 1], [], []>, transpose_lhs_hint = false} : vector<201x16xf32>, vector<16x201xf32>, vector<201x201xf32> -> vector<201x201xf32>
    %mul3A_1228 = arith.constant 2.500000e-01 : f32
    %mul3A_1229 = vector.broadcast %mul3A_1228 : f32 to vector<201x201xf32>
    %mul3A_1230 = arith.mulf %dot_general3A_1227, %mul3A_1229 : vector<201x201xf32>
    %reduce_max3A_1231 = arith.constant dense<0xFF800000> : vector<201xf32>
    %reduce_max3A_1232 = vector.multi_reduction <maximumf>, %mul3A_1230, %reduce_max3A_1231 [1] : vector<201x201xf32> to vector<201xf32>
    %broadcast_in_dim3A_1233 = vector.shape_cast %reduce_max3A_1232 : vector<201xf32> to vector<201x1xf32>
    %sub3A_1234 = vector.broadcast %broadcast_in_dim3A_1233 : vector<201x1xf32> to vector<201x201xf32>
    %sub3A_1235 = arith.subf %mul3A_1230, %sub3A_1234 : vector<201x201xf32>
    %exp3A_1236 = math.exp %sub3A_1235 : vector<201x201xf32>
    %reduce_sum3A_1237 = arith.constant dense<0.000000e+00> : vector<201xf32>
    %reduce_sum3A_1238 = vector.multi_reduction <add>, %exp3A_1236, %reduce_sum3A_1237 [1] : vector<201x201xf32> to vector<201xf32>
    %broadcast_in_dim3A_1239 = vector.shape_cast %reduce_sum3A_1238 : vector<201xf32> to vector<201x1xf32>
    %div3A_1240 = vector.broadcast %broadcast_in_dim3A_1239 : vector<201x1xf32> to vector<201x201xf32>
    %div3A_1241 = arith.divf %exp3A_1236, %div3A_1240 : vector<201x201xf32>
    %dot_general3A_1242 = arith.constant dense<0.000000e+00> : vector<201x16xf32>
    %dot_general3A_1243 = tpu.matmul %div3A_1241, %slice3A_1224, %dot_general3A_1242 {dimension_numbers = #tpu.dot_dimension_numbers<[1], [0], [0], [1], [0, 0, 1, 1], [], []>, transpose_lhs_hint = false} : vector<201x201xf32>, vector<201x16xf32>, vector<201x16xf32> -> vector<201x16xf32>
    %concatenate3A_1244 = tpu.concatenate %dot_general3A_1089, %dot_general3A_1111, %dot_general3A_1133, %dot_general3A_1155, %dot_general3A_1177, %dot_general3A_1199, %dot_general3A_1221, %dot_general3A_1243 in 1 : vector<201x16xf32>, vector<201x16xf32>, vector<201x16xf32>, vector<201x16xf32>, vector<201x16xf32>, vector<201x16xf32>, vector<201x16xf32>, vector<201x16xf32> -> vector<201x128xf32>
    %dot_general3A_1245 = arith.constant dense<0.000000e+00> : vector<201x128xf32>
    %dot_general3A_1246 = tpu.matmul %concatenate3A_1244, %get3A_1036, %dot_general3A_1245 {dimension_numbers = #tpu.dot_dimension_numbers<[1], [0], [0], [1], [0, 0, 1, 1], [], []>, transpose_lhs_hint = false} : vector<201x128xf32>, vector<128x128xf32>, vector<201x128xf32> -> vector<201x128xf32>
    %add3A_1247 = arith.addf %add3A_1016, %dot_general3A_1246 : vector<201x128xf32>
    %add3A_1248 = vector.broadcast %get3A_1041 : vector<1x128xf32> to vector<201x128xf32>
    %add3A_1249 = arith.addf %add3A_1247, %add3A_1248 : vector<201x128xf32>
    %dot_general3A_1250 = arith.constant dense<0.000000e+00> : vector<201x512xf32>
    %dot_general3A_1251 = tpu.matmul %add3A_1249, %get3A_1046, %dot_general3A_1250 {dimension_numbers = #tpu.dot_dimension_numbers<[1], [0], [0], [1], [0, 0, 1, 1], [], []>, transpose_lhs_hint = false} : vector<201x128xf32>, vector<128x512xf32>, vector<201x512xf32> -> vector<201x512xf32>
    %add3A_1252 = vector.broadcast %get3A_1051 : vector<1x512xf32> to vector<201x512xf32>
    %add3A_1253 = arith.addf %dot_general3A_1251, %add3A_1252 : vector<201x512xf32>
    %max3A_1254 = arith.constant 0.000000e+00 : f32
    %max3A_1255 = vector.broadcast %max3A_1254 : f32 to vector<201x512xf32>
    %max3A_1256 = arith.maximumf %add3A_1253, %max3A_1255 : vector<201x512xf32>
    %dot_general3A_1257 = arith.constant dense<0.000000e+00> : vector<201x128xf32>
    %dot_general3A_1258 = tpu.matmul %max3A_1256, %get3A_1056, %dot_general3A_1257 {dimension_numbers = #tpu.dot_dimension_numbers<[1], [0], [0], [1], [0, 0, 1, 1], [], []>, transpose_lhs_hint = false} : vector<201x512xf32>, vector<512x128xf32>, vector<201x128xf32> -> vector<201x128xf32>
    %add3A_1259 = vector.broadcast %get3A_1061 : vector<1x128xf32> to vector<201x128xf32>
    %add3A_1260 = arith.addf %dot_general3A_1258, %add3A_1259 : vector<201x128xf32>
    %add3A_1261 = arith.addf %add3A_1249, %add3A_1260 : vector<201x128xf32>
    %get3A_1262 = arith.constant 2 : index
    %get3A_1263 = arith.constant 0 : index
    %get3A_1264 = arith.constant 0 : index
    %get3A_1265 = vector.load %arg14[%get3A_1262, %get3A_1263, %get3A_1264] : memref<3x128x128xf32, #tpu.memory_space<vmem>>, vector<1x128x128xf32>
    %get3A_1266 = vector.shape_cast %get3A_1265 : vector<1x128x128xf32> to vector<128x128xf32>
    %get3A_1267 = arith.constant 2 : index
    %get3A_1268 = arith.constant 0 : index
    %get3A_1269 = arith.constant 0 : index
    %get3A_1270 = vector.load %arg15[%get3A_1267, %get3A_1268, %get3A_1269] : memref<3x128x128xf32, #tpu.memory_space<vmem>>, vector<1x128x128xf32>
    %get3A_1271 = vector.shape_cast %get3A_1270 : vector<1x128x128xf32> to vector<128x128xf32>
    %get3A_1272 = arith.constant 2 : index
    %get3A_1273 = arith.constant 0 : index
    %get3A_1274 = arith.constant 0 : index
    %get3A_1275 = vector.load %arg16[%get3A_1272, %get3A_1273, %get3A_1274] : memref<3x128x128xf32, #tpu.memory_space<vmem>>, vector<1x128x128xf32>
    %get3A_1276 = vector.shape_cast %get3A_1275 : vector<1x128x128xf32> to vector<128x128xf32>
    %get3A_1277 = arith.constant 2 : index
    %get3A_1278 = arith.constant 0 : index
    %get3A_1279 = arith.constant 0 : index
    %get3A_1280 = vector.load %arg17[%get3A_1277, %get3A_1278, %get3A_1279] : memref<3x128x128xf32, #tpu.memory_space<vmem>>, vector<1x128x128xf32>
    %get3A_1281 = vector.shape_cast %get3A_1280 : vector<1x128x128xf32> to vector<128x128xf32>
    %get3A_1282 = arith.constant 2 : index
    %get3A_1283 = arith.constant 0 : index
    %get3A_1284 = arith.constant 0 : index
    %get3A_1285 = vector.load %arg18[%get3A_1282, %get3A_1283, %get3A_1284] : memref<3x1x128xf32, #tpu.memory_space<vmem>>, vector<1x1x128xf32>
    %get3A_1286 = vector.shape_cast %get3A_1285 : vector<1x1x128xf32> to vector<1x128xf32>
    %get3A_1287 = arith.constant 2 : index
    %get3A_1288 = arith.constant 0 : index
    %get3A_1289 = arith.constant 0 : index
    %get3A_1290 = vector.load %arg19[%get3A_1287, %get3A_1288, %get3A_1289] : memref<3x128x512xf32, #tpu.memory_space<vmem>>, vector<1x128x512xf32>
    %get3A_1291 = vector.shape_cast %get3A_1290 : vector<1x128x512xf32> to vector<128x512xf32>
    %get3A_1292 = arith.constant 2 : index
    %get3A_1293 = arith.constant 0 : index
    %get3A_1294 = arith.constant 0 : index
    %get3A_1295 = vector.load %arg20[%get3A_1292, %get3A_1293, %get3A_1294] : memref<3x1x512xf32, #tpu.memory_space<vmem>>, vector<1x1x512xf32>
    %get3A_1296 = vector.shape_cast %get3A_1295 : vector<1x1x512xf32> to vector<1x512xf32>
    %get3A_1297 = arith.constant 2 : index
    %get3A_1298 = arith.constant 0 : index
    %get3A_1299 = arith.constant 0 : index
    %get3A_1300 = vector.load %arg21[%get3A_1297, %get3A_1298, %get3A_1299] : memref<3x512x128xf32, #tpu.memory_space<vmem>>, vector<1x512x128xf32>
    %get3A_1301 = vector.shape_cast %get3A_1300 : vector<1x512x128xf32> to vector<512x128xf32>
    %get3A_1302 = arith.constant 2 : index
    %get3A_1303 = arith.constant 0 : index
    %get3A_1304 = arith.constant 0 : index
    %get3A_1305 = vector.load %arg22[%get3A_1302, %get3A_1303, %get3A_1304] : memref<3x1x128xf32, #tpu.memory_space<vmem>>, vector<1x1x128xf32>
    %get3A_1306 = vector.shape_cast %get3A_1305 : vector<1x1x128xf32> to vector<1x128xf32>
    %dot_general3A_1307 = arith.constant dense<0.000000e+00> : vector<201x128xf32>
    %dot_general3A_1308 = tpu.matmul %add3A_1261, %get3A_1266, %dot_general3A_1307 {dimension_numbers = #tpu.dot_dimension_numbers<[1], [0], [0], [1], [0, 0, 1, 1], [], []>, transpose_lhs_hint = false} : vector<201x128xf32>, vector<128x128xf32>, vector<201x128xf32> -> vector<201x128xf32>
    %dot_general3A_1309 = arith.constant dense<0.000000e+00> : vector<201x128xf32>
    %dot_general3A_1310 = tpu.matmul %add3A_1261, %get3A_1271, %dot_general3A_1309 {dimension_numbers = #tpu.dot_dimension_numbers<[1], [0], [0], [1], [0, 0, 1, 1], [], []>, transpose_lhs_hint = false} : vector<201x128xf32>, vector<128x128xf32>, vector<201x128xf32> -> vector<201x128xf32>
    %dot_general3A_1311 = arith.constant dense<0.000000e+00> : vector<201x128xf32>
    %dot_general3A_1312 = tpu.matmul %add3A_1261, %get3A_1276, %dot_general3A_1311 {dimension_numbers = #tpu.dot_dimension_numbers<[1], [0], [0], [1], [0, 0, 1, 1], [], []>, transpose_lhs_hint = false} : vector<201x128xf32>, vector<128x128xf32>, vector<201x128xf32> -> vector<201x128xf32>
    %slice3A_1313 = vector.extract_strided_slice %dot_general3A_1308 {offsets = [0, 0], sizes = [201, 16], strides = [1, 1]} : vector<201x128xf32> to vector<201x16xf32>
    %slice3A_1314 = vector.extract_strided_slice %dot_general3A_1310 {offsets = [0, 0], sizes = [201, 16], strides = [1, 1]} : vector<201x128xf32> to vector<201x16xf32>
    %slice3A_1315 = vector.extract_strided_slice %dot_general3A_1312 {offsets = [0, 0], sizes = [201, 16], strides = [1, 1]} : vector<201x128xf32> to vector<201x16xf32>
    %transpose3A_1316 = tpu.transpose %slice3A_1314, [1, 0] : vector<201x16xf32> -> vector<16x201xf32>
    %dot_general3A_1317 = arith.constant dense<0.000000e+00> : vector<201x201xf32>
    %dot_general3A_1318 = tpu.matmul %slice3A_1313, %transpose3A_1316, %dot_general3A_1317 {dimension_numbers = #tpu.dot_dimension_numbers<[1], [0], [0], [1], [0, 0, 1, 1], [], []>, transpose_lhs_hint = false} : vector<201x16xf32>, vector<16x201xf32>, vector<201x201xf32> -> vector<201x201xf32>
    %mul3A_1319 = arith.constant 2.500000e-01 : f32
    %mul3A_1320 = vector.broadcast %mul3A_1319 : f32 to vector<201x201xf32>
    %mul3A_1321 = arith.mulf %dot_general3A_1318, %mul3A_1320 : vector<201x201xf32>
    %reduce_max3A_1322 = arith.constant dense<0xFF800000> : vector<201xf32>
    %reduce_max3A_1323 = vector.multi_reduction <maximumf>, %mul3A_1321, %reduce_max3A_1322 [1] : vector<201x201xf32> to vector<201xf32>
    %broadcast_in_dim3A_1324 = vector.shape_cast %reduce_max3A_1323 : vector<201xf32> to vector<201x1xf32>
    %sub3A_1325 = vector.broadcast %broadcast_in_dim3A_1324 : vector<201x1xf32> to vector<201x201xf32>
    %sub3A_1326 = arith.subf %mul3A_1321, %sub3A_1325 : vector<201x201xf32>
    %exp3A_1327 = math.exp %sub3A_1326 : vector<201x201xf32>
    %reduce_sum3A_1328 = arith.constant dense<0.000000e+00> : vector<201xf32>
    %reduce_sum3A_1329 = vector.multi_reduction <add>, %exp3A_1327, %reduce_sum3A_1328 [1] : vector<201x201xf32> to vector<201xf32>
    %broadcast_in_dim3A_1330 = vector.shape_cast %reduce_sum3A_1329 : vector<201xf32> to vector<201x1xf32>
    %div3A_1331 = vector.broadcast %broadcast_in_dim3A_1330 : vector<201x1xf32> to vector<201x201xf32>
    %div3A_1332 = arith.divf %exp3A_1327, %div3A_1331 : vector<201x201xf32>
    %dot_general3A_1333 = arith.constant dense<0.000000e+00> : vector<201x16xf32>
    %dot_general3A_1334 = tpu.matmul %div3A_1332, %slice3A_1315, %dot_general3A_1333 {dimension_numbers = #tpu.dot_dimension_numbers<[1], [0], [0], [1], [0, 0, 1, 1], [], []>, transpose_lhs_hint = false} : vector<201x201xf32>, vector<201x16xf32>, vector<201x16xf32> -> vector<201x16xf32>
    %slice3A_1335 = vector.extract_strided_slice %dot_general3A_1308 {offsets = [0, 16], sizes = [201, 16], strides = [1, 1]} : vector<201x128xf32> to vector<201x16xf32>
    %slice3A_1336 = vector.extract_strided_slice %dot_general3A_1310 {offsets = [0, 16], sizes = [201, 16], strides = [1, 1]} : vector<201x128xf32> to vector<201x16xf32>
    %slice3A_1337 = vector.extract_strided_slice %dot_general3A_1312 {offsets = [0, 16], sizes = [201, 16], strides = [1, 1]} : vector<201x128xf32> to vector<201x16xf32>
    %transpose3A_1338 = tpu.transpose %slice3A_1336, [1, 0] : vector<201x16xf32> -> vector<16x201xf32>
    %dot_general3A_1339 = arith.constant dense<0.000000e+00> : vector<201x201xf32>
    %dot_general3A_1340 = tpu.matmul %slice3A_1335, %transpose3A_1338, %dot_general3A_1339 {dimension_numbers = #tpu.dot_dimension_numbers<[1], [0], [0], [1], [0, 0, 1, 1], [], []>, transpose_lhs_hint = false} : vector<201x16xf32>, vector<16x201xf32>, vector<201x201xf32> -> vector<201x201xf32>
    %mul3A_1341 = arith.constant 2.500000e-01 : f32
    %mul3A_1342 = vector.broadcast %mul3A_1341 : f32 to vector<201x201xf32>
    %mul3A_1343 = arith.mulf %dot_general3A_1340, %mul3A_1342 : vector<201x201xf32>
    %reduce_max3A_1344 = arith.constant dense<0xFF800000> : vector<201xf32>
    %reduce_max3A_1345 = vector.multi_reduction <maximumf>, %mul3A_1343, %reduce_max3A_1344 [1] : vector<201x201xf32> to vector<201xf32>
    %broadcast_in_dim3A_1346 = vector.shape_cast %reduce_max3A_1345 : vector<201xf32> to vector<201x1xf32>
    %sub3A_1347 = vector.broadcast %broadcast_in_dim3A_1346 : vector<201x1xf32> to vector<201x201xf32>
    %sub3A_1348 = arith.subf %mul3A_1343, %sub3A_1347 : vector<201x201xf32>
    %exp3A_1349 = math.exp %sub3A_1348 : vector<201x201xf32>
    %reduce_sum3A_1350 = arith.constant dense<0.000000e+00> : vector<201xf32>
    %reduce_sum3A_1351 = vector.multi_reduction <add>, %exp3A_1349, %reduce_sum3A_1350 [1] : vector<201x201xf32> to vector<201xf32>
    %broadcast_in_dim3A_1352 = vector.shape_cast %reduce_sum3A_1351 : vector<201xf32> to vector<201x1xf32>
    %div3A_1353 = vector.broadcast %broadcast_in_dim3A_1352 : vector<201x1xf32> to vector<201x201xf32>
    %div3A_1354 = arith.divf %exp3A_1349, %div3A_1353 : vector<201x201xf32>
    %dot_general3A_1355 = arith.constant dense<0.000000e+00> : vector<201x16xf32>
    %dot_general3A_1356 = tpu.matmul %div3A_1354, %slice3A_1337, %dot_general3A_1355 {dimension_numbers = #tpu.dot_dimension_numbers<[1], [0], [0], [1], [0, 0, 1, 1], [], []>, transpose_lhs_hint = false} : vector<201x201xf32>, vector<201x16xf32>, vector<201x16xf32> -> vector<201x16xf32>
    %slice3A_1357 = vector.extract_strided_slice %dot_general3A_1308 {offsets = [0, 32], sizes = [201, 16], strides = [1, 1]} : vector<201x128xf32> to vector<201x16xf32>
    %slice3A_1358 = vector.extract_strided_slice %dot_general3A_1310 {offsets = [0, 32], sizes = [201, 16], strides = [1, 1]} : vector<201x128xf32> to vector<201x16xf32>
    %slice3A_1359 = vector.extract_strided_slice %dot_general3A_1312 {offsets = [0, 32], sizes = [201, 16], strides = [1, 1]} : vector<201x128xf32> to vector<201x16xf32>
    %transpose3A_1360 = tpu.transpose %slice3A_1358, [1, 0] : vector<201x16xf32> -> vector<16x201xf32>
    %dot_general3A_1361 = arith.constant dense<0.000000e+00> : vector<201x201xf32>
    %dot_general3A_1362 = tpu.matmul %slice3A_1357, %transpose3A_1360, %dot_general3A_1361 {dimension_numbers = #tpu.dot_dimension_numbers<[1], [0], [0], [1], [0, 0, 1, 1], [], []>, transpose_lhs_hint = false} : vector<201x16xf32>, vector<16x201xf32>, vector<201x201xf32> -> vector<201x201xf32>
    %mul3A_1363 = arith.constant 2.500000e-01 : f32
    %mul3A_1364 = vector.broadcast %mul3A_1363 : f32 to vector<201x201xf32>
    %mul3A_1365 = arith.mulf %dot_general3A_1362, %mul3A_1364 : vector<201x201xf32>
    %reduce_max3A_1366 = arith.constant dense<0xFF800000> : vector<201xf32>
    %reduce_max3A_1367 = vector.multi_reduction <maximumf>, %mul3A_1365, %reduce_max3A_1366 [1] : vector<201x201xf32> to vector<201xf32>
    %broadcast_in_dim3A_1368 = vector.shape_cast %reduce_max3A_1367 : vector<201xf32> to vector<201x1xf32>
    %sub3A_1369 = vector.broadcast %broadcast_in_dim3A_1368 : vector<201x1xf32> to vector<201x201xf32>
    %sub3A_1370 = arith.subf %mul3A_1365, %sub3A_1369 : vector<201x201xf32>
    %exp3A_1371 = math.exp %sub3A_1370 : vector<201x201xf32>
    %reduce_sum3A_1372 = arith.constant dense<0.000000e+00> : vector<201xf32>
    %reduce_sum3A_1373 = vector.multi_reduction <add>, %exp3A_1371, %reduce_sum3A_1372 [1] : vector<201x201xf32> to vector<201xf32>
    %broadcast_in_dim3A_1374 = vector.shape_cast %reduce_sum3A_1373 : vector<201xf32> to vector<201x1xf32>
    %div3A_1375 = vector.broadcast %broadcast_in_dim3A_1374 : vector<201x1xf32> to vector<201x201xf32>
    %div3A_1376 = arith.divf %exp3A_1371, %div3A_1375 : vector<201x201xf32>
    %dot_general3A_1377 = arith.constant dense<0.000000e+00> : vector<201x16xf32>
    %dot_general3A_1378 = tpu.matmul %div3A_1376, %slice3A_1359, %dot_general3A_1377 {dimension_numbers = #tpu.dot_dimension_numbers<[1], [0], [0], [1], [0, 0, 1, 1], [], []>, transpose_lhs_hint = false} : vector<201x201xf32>, vector<201x16xf32>, vector<201x16xf32> -> vector<201x16xf32>
    %slice3A_1379 = vector.extract_strided_slice %dot_general3A_1308 {offsets = [0, 48], sizes = [201, 16], strides = [1, 1]} : vector<201x128xf32> to vector<201x16xf32>
    %slice3A_1380 = vector.extract_strided_slice %dot_general3A_1310 {offsets = [0, 48], sizes = [201, 16], strides = [1, 1]} : vector<201x128xf32> to vector<201x16xf32>
    %slice3A_1381 = vector.extract_strided_slice %dot_general3A_1312 {offsets = [0, 48], sizes = [201, 16], strides = [1, 1]} : vector<201x128xf32> to vector<201x16xf32>
    %transpose3A_1382 = tpu.transpose %slice3A_1380, [1, 0] : vector<201x16xf32> -> vector<16x201xf32>
    %dot_general3A_1383 = arith.constant dense<0.000000e+00> : vector<201x201xf32>
    %dot_general3A_1384 = tpu.matmul %slice3A_1379, %transpose3A_1382, %dot_general3A_1383 {dimension_numbers = #tpu.dot_dimension_numbers<[1], [0], [0], [1], [0, 0, 1, 1], [], []>, transpose_lhs_hint = false} : vector<201x16xf32>, vector<16x201xf32>, vector<201x201xf32> -> vector<201x201xf32>
    %mul3A_1385 = arith.constant 2.500000e-01 : f32
    %mul3A_1386 = vector.broadcast %mul3A_1385 : f32 to vector<201x201xf32>
    %mul3A_1387 = arith.mulf %dot_general3A_1384, %mul3A_1386 : vector<201x201xf32>
    %reduce_max3A_1388 = arith.constant dense<0xFF800000> : vector<201xf32>
    %reduce_max3A_1389 = vector.multi_reduction <maximumf>, %mul3A_1387, %reduce_max3A_1388 [1] : vector<201x201xf32> to vector<201xf32>
    %broadcast_in_dim3A_1390 = vector.shape_cast %reduce_max3A_1389 : vector<201xf32> to vector<201x1xf32>
    %sub3A_1391 = vector.broadcast %broadcast_in_dim3A_1390 : vector<201x1xf32> to vector<201x201xf32>
    %sub3A_1392 = arith.subf %mul3A_1387, %sub3A_1391 : vector<201x201xf32>
    %exp3A_1393 = math.exp %sub3A_1392 : vector<201x201xf32>
    %reduce_sum3A_1394 = arith.constant dense<0.000000e+00> : vector<201xf32>
    %reduce_sum3A_1395 = vector.multi_reduction <add>, %exp3A_1393, %reduce_sum3A_1394 [1] : vector<201x201xf32> to vector<201xf32>
    %broadcast_in_dim3A_1396 = vector.shape_cast %reduce_sum3A_1395 : vector<201xf32> to vector<201x1xf32>
    %div3A_1397 = vector.broadcast %broadcast_in_dim3A_1396 : vector<201x1xf32> to vector<201x201xf32>
    %div3A_1398 = arith.divf %exp3A_1393, %div3A_1397 : vector<201x201xf32>
    %dot_general3A_1399 = arith.constant dense<0.000000e+00> : vector<201x16xf32>
    %dot_general3A_1400 = tpu.matmul %div3A_1398, %slice3A_1381, %dot_general3A_1399 {dimension_numbers = #tpu.dot_dimension_numbers<[1], [0], [0], [1], [0, 0, 1, 1], [], []>, transpose_lhs_hint = false} : vector<201x201xf32>, vector<201x16xf32>, vector<201x16xf32> -> vector<201x16xf32>
    %slice3A_1401 = vector.extract_strided_slice %dot_general3A_1308 {offsets = [0, 64], sizes = [201, 16], strides = [1, 1]} : vector<201x128xf32> to vector<201x16xf32>
    %slice3A_1402 = vector.extract_strided_slice %dot_general3A_1310 {offsets = [0, 64], sizes = [201, 16], strides = [1, 1]} : vector<201x128xf32> to vector<201x16xf32>
    %slice3A_1403 = vector.extract_strided_slice %dot_general3A_1312 {offsets = [0, 64], sizes = [201, 16], strides = [1, 1]} : vector<201x128xf32> to vector<201x16xf32>
    %transpose3A_1404 = tpu.transpose %slice3A_1402, [1, 0] : vector<201x16xf32> -> vector<16x201xf32>
    %dot_general3A_1405 = arith.constant dense<0.000000e+00> : vector<201x201xf32>
    %dot_general3A_1406 = tpu.matmul %slice3A_1401, %transpose3A_1404, %dot_general3A_1405 {dimension_numbers = #tpu.dot_dimension_numbers<[1], [0], [0], [1], [0, 0, 1, 1], [], []>, transpose_lhs_hint = false} : vector<201x16xf32>, vector<16x201xf32>, vector<201x201xf32> -> vector<201x201xf32>
    %mul3A_1407 = arith.constant 2.500000e-01 : f32
    %mul3A_1408 = vector.broadcast %mul3A_1407 : f32 to vector<201x201xf32>
    %mul3A_1409 = arith.mulf %dot_general3A_1406, %mul3A_1408 : vector<201x201xf32>
    %reduce_max3A_1410 = arith.constant dense<0xFF800000> : vector<201xf32>
    %reduce_max3A_1411 = vector.multi_reduction <maximumf>, %mul3A_1409, %reduce_max3A_1410 [1] : vector<201x201xf32> to vector<201xf32>
    %broadcast_in_dim3A_1412 = vector.shape_cast %reduce_max3A_1411 : vector<201xf32> to vector<201x1xf32>
    %sub3A_1413 = vector.broadcast %broadcast_in_dim3A_1412 : vector<201x1xf32> to vector<201x201xf32>
    %sub3A_1414 = arith.subf %mul3A_1409, %sub3A_1413 : vector<201x201xf32>
    %exp3A_1415 = math.exp %sub3A_1414 : vector<201x201xf32>
    %reduce_sum3A_1416 = arith.constant dense<0.000000e+00> : vector<201xf32>
    %reduce_sum3A_1417 = vector.multi_reduction <add>, %exp3A_1415, %reduce_sum3A_1416 [1] : vector<201x201xf32> to vector<201xf32>
    %broadcast_in_dim3A_1418 = vector.shape_cast %reduce_sum3A_1417 : vector<201xf32> to vector<201x1xf32>
    %div3A_1419 = vector.broadcast %broadcast_in_dim3A_1418 : vector<201x1xf32> to vector<201x201xf32>
    %div3A_1420 = arith.divf %exp3A_1415, %div3A_1419 : vector<201x201xf32>
    %dot_general3A_1421 = arith.constant dense<0.000000e+00> : vector<201x16xf32>
    %dot_general3A_1422 = tpu.matmul %div3A_1420, %slice3A_1403, %dot_general3A_1421 {dimension_numbers = #tpu.dot_dimension_numbers<[1], [0], [0], [1], [0, 0, 1, 1], [], []>, transpose_lhs_hint = false} : vector<201x201xf32>, vector<201x16xf32>, vector<201x16xf32> -> vector<201x16xf32>
    %slice3A_1423 = vector.extract_strided_slice %dot_general3A_1308 {offsets = [0, 80], sizes = [201, 16], strides = [1, 1]} : vector<201x128xf32> to vector<201x16xf32>
    %slice3A_1424 = vector.extract_strided_slice %dot_general3A_1310 {offsets = [0, 80], sizes = [201, 16], strides = [1, 1]} : vector<201x128xf32> to vector<201x16xf32>
    %slice3A_1425 = vector.extract_strided_slice %dot_general3A_1312 {offsets = [0, 80], sizes = [201, 16], strides = [1, 1]} : vector<201x128xf32> to vector<201x16xf32>
    %transpose3A_1426 = tpu.transpose %slice3A_1424, [1, 0] : vector<201x16xf32> -> vector<16x201xf32>
    %dot_general3A_1427 = arith.constant dense<0.000000e+00> : vector<201x201xf32>
    %dot_general3A_1428 = tpu.matmul %slice3A_1423, %transpose3A_1426, %dot_general3A_1427 {dimension_numbers = #tpu.dot_dimension_numbers<[1], [0], [0], [1], [0, 0, 1, 1], [], []>, transpose_lhs_hint = false} : vector<201x16xf32>, vector<16x201xf32>, vector<201x201xf32> -> vector<201x201xf32>
    %mul3A_1429 = arith.constant 2.500000e-01 : f32
    %mul3A_1430 = vector.broadcast %mul3A_1429 : f32 to vector<201x201xf32>
    %mul3A_1431 = arith.mulf %dot_general3A_1428, %mul3A_1430 : vector<201x201xf32>
    %reduce_max3A_1432 = arith.constant dense<0xFF800000> : vector<201xf32>
    %reduce_max3A_1433 = vector.multi_reduction <maximumf>, %mul3A_1431, %reduce_max3A_1432 [1] : vector<201x201xf32> to vector<201xf32>
    %broadcast_in_dim3A_1434 = vector.shape_cast %reduce_max3A_1433 : vector<201xf32> to vector<201x1xf32>
    %sub3A_1435 = vector.broadcast %broadcast_in_dim3A_1434 : vector<201x1xf32> to vector<201x201xf32>
    %sub3A_1436 = arith.subf %mul3A_1431, %sub3A_1435 : vector<201x201xf32>
    %exp3A_1437 = math.exp %sub3A_1436 : vector<201x201xf32>
    %reduce_sum3A_1438 = arith.constant dense<0.000000e+00> : vector<201xf32>
    %reduce_sum3A_1439 = vector.multi_reduction <add>, %exp3A_1437, %reduce_sum3A_1438 [1] : vector<201x201xf32> to vector<201xf32>
    %broadcast_in_dim3A_1440 = vector.shape_cast %reduce_sum3A_1439 : vector<201xf32> to vector<201x1xf32>
    %div3A_1441 = vector.broadcast %broadcast_in_dim3A_1440 : vector<201x1xf32> to vector<201x201xf32>
    %div3A_1442 = arith.divf %exp3A_1437, %div3A_1441 : vector<201x201xf32>
    %dot_general3A_1443 = arith.constant dense<0.000000e+00> : vector<201x16xf32>
    %dot_general3A_1444 = tpu.matmul %div3A_1442, %slice3A_1425, %dot_general3A_1443 {dimension_numbers = #tpu.dot_dimension_numbers<[1], [0], [0], [1], [0, 0, 1, 1], [], []>, transpose_lhs_hint = false} : vector<201x201xf32>, vector<201x16xf32>, vector<201x16xf32> -> vector<201x16xf32>
    %slice3A_1445 = vector.extract_strided_slice %dot_general3A_1308 {offsets = [0, 96], sizes = [201, 16], strides = [1, 1]} : vector<201x128xf32> to vector<201x16xf32>
    %slice3A_1446 = vector.extract_strided_slice %dot_general3A_1310 {offsets = [0, 96], sizes = [201, 16], strides = [1, 1]} : vector<201x128xf32> to vector<201x16xf32>
    %slice3A_1447 = vector.extract_strided_slice %dot_general3A_1312 {offsets = [0, 96], sizes = [201, 16], strides = [1, 1]} : vector<201x128xf32> to vector<201x16xf32>
    %transpose3A_1448 = tpu.transpose %slice3A_1446, [1, 0] : vector<201x16xf32> -> vector<16x201xf32>
    %dot_general3A_1449 = arith.constant dense<0.000000e+00> : vector<201x201xf32>
    %dot_general3A_1450 = tpu.matmul %slice3A_1445, %transpose3A_1448, %dot_general3A_1449 {dimension_numbers = #tpu.dot_dimension_numbers<[1], [0], [0], [1], [0, 0, 1, 1], [], []>, transpose_lhs_hint = false} : vector<201x16xf32>, vector<16x201xf32>, vector<201x201xf32> -> vector<201x201xf32>
    %mul3A_1451 = arith.constant 2.500000e-01 : f32
    %mul3A_1452 = vector.broadcast %mul3A_1451 : f32 to vector<201x201xf32>
    %mul3A_1453 = arith.mulf %dot_general3A_1450, %mul3A_1452 : vector<201x201xf32>
    %reduce_max3A_1454 = arith.constant dense<0xFF800000> : vector<201xf32>
    %reduce_max3A_1455 = vector.multi_reduction <maximumf>, %mul3A_1453, %reduce_max3A_1454 [1] : vector<201x201xf32> to vector<201xf32>
    %broadcast_in_dim3A_1456 = vector.shape_cast %reduce_max3A_1455 : vector<201xf32> to vector<201x1xf32>
    %sub3A_1457 = vector.broadcast %broadcast_in_dim3A_1456 : vector<201x1xf32> to vector<201x201xf32>
    %sub3A_1458 = arith.subf %mul3A_1453, %sub3A_1457 : vector<201x201xf32>
    %exp3A_1459 = math.exp %sub3A_1458 : vector<201x201xf32>
    %reduce_sum3A_1460 = arith.constant dense<0.000000e+00> : vector<201xf32>
    %reduce_sum3A_1461 = vector.multi_reduction <add>, %exp3A_1459, %reduce_sum3A_1460 [1] : vector<201x201xf32> to vector<201xf32>
    %broadcast_in_dim3A_1462 = vector.shape_cast %reduce_sum3A_1461 : vector<201xf32> to vector<201x1xf32>
    %div3A_1463 = vector.broadcast %broadcast_in_dim3A_1462 : vector<201x1xf32> to vector<201x201xf32>
    %div3A_1464 = arith.divf %exp3A_1459, %div3A_1463 : vector<201x201xf32>
    %dot_general3A_1465 = arith.constant dense<0.000000e+00> : vector<201x16xf32>
    %dot_general3A_1466 = tpu.matmul %div3A_1464, %slice3A_1447, %dot_general3A_1465 {dimension_numbers = #tpu.dot_dimension_numbers<[1], [0], [0], [1], [0, 0, 1, 1], [], []>, transpose_lhs_hint = false} : vector<201x201xf32>, vector<201x16xf32>, vector<201x16xf32> -> vector<201x16xf32>
    %slice3A_1467 = vector.extract_strided_slice %dot_general3A_1308 {offsets = [0, 112], sizes = [201, 16], strides = [1, 1]} : vector<201x128xf32> to vector<201x16xf32>
    %slice3A_1468 = vector.extract_strided_slice %dot_general3A_1310 {offsets = [0, 112], sizes = [201, 16], strides = [1, 1]} : vector<201x128xf32> to vector<201x16xf32>
    %slice3A_1469 = vector.extract_strided_slice %dot_general3A_1312 {offsets = [0, 112], sizes = [201, 16], strides = [1, 1]} : vector<201x128xf32> to vector<201x16xf32>
    %transpose3A_1470 = tpu.transpose %slice3A_1468, [1, 0] : vector<201x16xf32> -> vector<16x201xf32>
    %dot_general3A_1471 = arith.constant dense<0.000000e+00> : vector<201x201xf32>
    %dot_general3A_1472 = tpu.matmul %slice3A_1467, %transpose3A_1470, %dot_general3A_1471 {dimension_numbers = #tpu.dot_dimension_numbers<[1], [0], [0], [1], [0, 0, 1, 1], [], []>, transpose_lhs_hint = false} : vector<201x16xf32>, vector<16x201xf32>, vector<201x201xf32> -> vector<201x201xf32>
    %mul3A_1473 = arith.constant 2.500000e-01 : f32
    %mul3A_1474 = vector.broadcast %mul3A_1473 : f32 to vector<201x201xf32>
    %mul3A_1475 = arith.mulf %dot_general3A_1472, %mul3A_1474 : vector<201x201xf32>
    %reduce_max3A_1476 = arith.constant dense<0xFF800000> : vector<201xf32>
    %reduce_max3A_1477 = vector.multi_reduction <maximumf>, %mul3A_1475, %reduce_max3A_1476 [1] : vector<201x201xf32> to vector<201xf32>
    %broadcast_in_dim3A_1478 = vector.shape_cast %reduce_max3A_1477 : vector<201xf32> to vector<201x1xf32>
    %sub3A_1479 = vector.broadcast %broadcast_in_dim3A_1478 : vector<201x1xf32> to vector<201x201xf32>
    %sub3A_1480 = arith.subf %mul3A_1475, %sub3A_1479 : vector<201x201xf32>
    %exp3A_1481 = math.exp %sub3A_1480 : vector<201x201xf32>
    %reduce_sum3A_1482 = arith.constant dense<0.000000e+00> : vector<201xf32>
    %reduce_sum3A_1483 = vector.multi_reduction <add>, %exp3A_1481, %reduce_sum3A_1482 [1] : vector<201x201xf32> to vector<201xf32>
    %broadcast_in_dim3A_1484 = vector.shape_cast %reduce_sum3A_1483 : vector<201xf32> to vector<201x1xf32>
    %div3A_1485 = vector.broadcast %broadcast_in_dim3A_1484 : vector<201x1xf32> to vector<201x201xf32>
    %div3A_1486 = arith.divf %exp3A_1481, %div3A_1485 : vector<201x201xf32>
    %dot_general3A_1487 = arith.constant dense<0.000000e+00> : vector<201x16xf32>
    %dot_general3A_1488 = tpu.matmul %div3A_1486, %slice3A_1469, %dot_general3A_1487 {dimension_numbers = #tpu.dot_dimension_numbers<[1], [0], [0], [1], [0, 0, 1, 1], [], []>, transpose_lhs_hint = false} : vector<201x201xf32>, vector<201x16xf32>, vector<201x16xf32> -> vector<201x16xf32>
    %concatenate3A_1489 = tpu.concatenate %dot_general3A_1334, %dot_general3A_1356, %dot_general3A_1378, %dot_general3A_1400, %dot_general3A_1422, %dot_general3A_1444, %dot_general3A_1466, %dot_general3A_1488 in 1 : vector<201x16xf32>, vector<201x16xf32>, vector<201x16xf32>, vector<201x16xf32>, vector<201x16xf32>, vector<201x16xf32>, vector<201x16xf32>, vector<201x16xf32> -> vector<201x128xf32>
    %dot_general3A_1490 = arith.constant dense<0.000000e+00> : vector<201x128xf32>
    %dot_general3A_1491 = tpu.matmul %concatenate3A_1489, %get3A_1281, %dot_general3A_1490 {dimension_numbers = #tpu.dot_dimension_numbers<[1], [0], [0], [1], [0, 0, 1, 1], [], []>, transpose_lhs_hint = false} : vector<201x128xf32>, vector<128x128xf32>, vector<201x128xf32> -> vector<201x128xf32>
    %add3A_1492 = arith.addf %add3A_1261, %dot_general3A_1491 : vector<201x128xf32>
    %add3A_1493 = vector.broadcast %get3A_1286 : vector<1x128xf32> to vector<201x128xf32>
    %add3A_1494 = arith.addf %add3A_1492, %add3A_1493 : vector<201x128xf32>
    %dot_general3A_1495 = arith.constant dense<0.000000e+00> : vector<201x512xf32>
    %dot_general3A_1496 = tpu.matmul %add3A_1494, %get3A_1291, %dot_general3A_1495 {dimension_numbers = #tpu.dot_dimension_numbers<[1], [0], [0], [1], [0, 0, 1, 1], [], []>, transpose_lhs_hint = false} : vector<201x128xf32>, vector<128x512xf32>, vector<201x512xf32> -> vector<201x512xf32>
    %add3A_1497 = vector.broadcast %get3A_1296 : vector<1x512xf32> to vector<201x512xf32>
    %add3A_1498 = arith.addf %dot_general3A_1496, %add3A_1497 : vector<201x512xf32>
    %max3A_1499 = arith.constant 0.000000e+00 : f32
    %max3A_1500 = vector.broadcast %max3A_1499 : f32 to vector<201x512xf32>
    %max3A_1501 = arith.maximumf %add3A_1498, %max3A_1500 : vector<201x512xf32>
    %dot_general3A_1502 = arith.constant dense<0.000000e+00> : vector<201x128xf32>
    %dot_general3A_1503 = tpu.matmul %max3A_1501, %get3A_1301, %dot_general3A_1502 {dimension_numbers = #tpu.dot_dimension_numbers<[1], [0], [0], [1], [0, 0, 1, 1], [], []>, transpose_lhs_hint = false} : vector<201x512xf32>, vector<512x128xf32>, vector<201x128xf32> -> vector<201x128xf32>
    %add3A_1504 = vector.broadcast %get3A_1306 : vector<1x128xf32> to vector<201x128xf32>
    %add3A_1505 = arith.addf %dot_general3A_1503, %add3A_1504 : vector<201x128xf32>
    %add3A_1506 = arith.addf %add3A_1494, %add3A_1505 : vector<201x128xf32>
    %slice3A_1507 = vector.extract_strided_slice %add3A_1506 {offsets = [101, 0], sizes = [100, 128], strides = [1, 1]} : vector<201x128xf32> to vector<100x128xf32>
    %get3A_1508 = arith.constant 0 : index
    %get3A_1509 = arith.constant 0 : index
    %get3A_1510 = vector.load %arg29[%get3A_1508, %get3A_1509] : memref<128x1xf32, #tpu.memory_space<vmem>>, vector<128x1xf32>
    %dot_general3A_1511 = arith.constant dense<0.000000e+00> : vector<100x1xf32>
    %dot_general3A_1512 = tpu.matmul %slice3A_1507, %get3A_1510, %dot_general3A_1511 {dimension_numbers = #tpu.dot_dimension_numbers<[1], [0], [0], [1], [0, 0, 1, 1], [], []>, transpose_lhs_hint = false} : vector<100x128xf32>, vector<128x1xf32>, vector<100x1xf32> -> vector<100x1xf32>
    %get3A_1513 = arith.constant 0 : index
    %get3A_1514 = arith.constant 0 : index
    %get3A_1515 = vector.load %arg30[%get3A_1513, %get3A_1514] : memref<1x1xf32, #tpu.memory_space<vmem>>, vector<1x1xf32>
    %add3A_1516 = vector.broadcast %get3A_1515 : vector<1x1xf32> to vector<100x1xf32>
    %add3A_1517 = arith.addf %dot_general3A_1512, %add3A_1516 : vector<100x1xf32>
    %transpose3A_1518 = tpu.transpose %add3A_1517, [1, 0] : vector<100x1xf32> -> vector<1x100xf32>
    %reduce_max3A_1519 = vector.shape_cast %transpose3A_1518 : vector<1x100xf32> to vector<1x1x100xf32>
    %reduce_max3A_1520 = arith.constant dense<0xFF800000> : vector<1xf32>
    %reduce_max3A_1521 = vector.multi_reduction <maximumf>, %reduce_max3A_1519, %reduce_max3A_1520 [1, 2] : vector<1x1x100xf32> to vector<1xf32>
    %reduce_max3A_1522 = vector.shape_cast %reduce_max3A_1521 : vector<1xf32> to vector<1x1x1xf32>
    %reduce_max3A_1523 = vector.extract %reduce_max3A_1522[0, 0, 0] : f32 from vector<1x1x1xf32>
    %sub3A_1524 = vector.broadcast %reduce_max3A_1523 : f32 to vector<1x100xf32>
    %sub3A_1525 = arith.subf %transpose3A_1518, %sub3A_1524 : vector<1x100xf32>
    %exp3A_1526 = math.exp %sub3A_1525 : vector<1x100xf32>
    %reduce_sum3A_1527 = vector.shape_cast %exp3A_1526 : vector<1x100xf32> to vector<1x1x100xf32>
    %reduce_sum3A_1528 = arith.constant dense<0.000000e+00> : vector<1xf32>
    %reduce_sum3A_1529 = vector.multi_reduction <add>, %reduce_sum3A_1527, %reduce_sum3A_1528 [1, 2] : vector<1x1x100xf32> to vector<1xf32>
    %reduce_sum3A_1530 = vector.shape_cast %reduce_sum3A_1529 : vector<1xf32> to vector<1x1x1xf32>
    %reduce_sum3A_1531 = vector.extract %reduce_sum3A_1530[0, 0, 0] : f32 from vector<1x1x1xf32>
    %div3A_1532 = vector.broadcast %reduce_sum3A_1531 : f32 to vector<1x100xf32>
    %div3A_1533 = arith.divf %exp3A_1526, %div3A_1532 : vector<1x100xf32>
    %get3A_1534 = arith.constant 0 : index
    %get3A_1535 = arith.constant 0 : index
    %get3A_1536 = arith.constant 0 : index
    %get3A_1537 = vector.load %arg2[%get3A_1534, %get3A_1535, %get3A_1536] : memref<1x1x100xi32, #tpu.memory_space<vmem>>, vector<1x1x100xi32>
    %get3A_1538 = vector.shape_cast %get3A_1537 : vector<1x1x100xi32> to vector<1x100xi32>
    %iota3A = tpu.iota {dimensions = array<i32: 1>} : vector<100x10000xi32>
    %transpose3A_1539 = tpu.transpose %get3A_1538, [1, 0] : vector<1x100xi32> -> vector<100x1xi32>
    %eq3A = vector.broadcast %transpose3A_1539 : vector<100x1xi32> to vector<100x10000xi32>
    %eq3A_1540 = arith.cmpi eq, %iota3A, %eq3A : vector<100x10000xi32>
    %convert_element_type3A = arith.extui %eq3A_1540 : vector<100x10000xi1> to vector<100x10000xi32>
    %convert_element_type3A_1541 = arith.sitofp %convert_element_type3A : vector<100x10000xi32> to vector<100x10000xf32>
    %dot_general3A_1542 = arith.constant dense<0.000000e+00> : vector<1x10000xf32>
    %dot_general3A_1543 = tpu.matmul %div3A_1533, %convert_element_type3A_1541, %dot_general3A_1542 {dimension_numbers = #tpu.dot_dimension_numbers<[1], [0], [0], [1], [0, 0, 1, 1], [], []>, transpose_lhs_hint = false} : vector<1x100xf32>, vector<100x10000xf32>, vector<1x10000xf32> -> vector<1x10000xf32>
    %swap3A = arith.constant 0 : index
    %swap3A_1544 = arith.constant 0 : index
    %swap3A_1545 = arith.constant 0 : index
    %swap3A_1546 = vector.load %arg31[%swap3A, %swap3A_1544, %swap3A_1545] : memref<1x1x10000xf32, #tpu.memory_space<vmem>>, vector<1x1x10000xf32>
    %swap3A_1547 = vector.shape_cast %swap3A_1546 : vector<1x1x10000xf32> to vector<1x10000xf32>
    %swap3A_1548 = vector.shape_cast %dot_general3A_1543 : vector<1x10000xf32> to vector<1x1x10000xf32>
    tpu.vector_store %arg31[%swap3A, %swap3A_1544, %swap3A_1545], %swap3A_1548 {strides = array<i32>} : memref<1x1x10000xf32, #tpu.memory_space<vmem>>, vector<1x1x10000xf32>,
    return
  }
  func.func @transform_0(%arg0: i32) -> (i32, i32, i32) {
    %c0_i32 = arith.constant 0 : i32
    %c0_i32_0 = arith.constant 0 : i32
    %c0_i32_1 = arith.constant 0 : i32
    return %arg0, %c0_i32, %c0_i32_0 : i32, i32, i32
  }
  func.func @transform_1(%arg0: i32) -> (i32, i32, i32) {
    %c0_i32 = arith.constant 0 : i32
    %c0_i32_0 = arith.constant 0 : i32
    %c0_i32_1 = arith.constant 0 : i32
    return %arg0, %c0_i32, %c0_i32_0 : i32, i32, i32
  }
  func.func @transform_2(%arg0: i32) -> (i32, i32) {
    %c0_i32 = arith.constant 0 : i32
    %c0_i32_0 = arith.constant 0 : i32
    %c0_i32_1 = arith.constant 0 : i32
    return %c0_i32, %c0_i32_0 : i32, i32
  }
  func.func @transform_3(%arg0: i32) -> (i32, i32) {
    %c0_i32 = arith.constant 0 : i32
    %c0_i32_0 = arith.constant 0 : i32
    %c0_i32_1 = arith.constant 0 : i32
    return %c0_i32, %c0_i32_0 : i32, i32
  }
  func.func @transform_4(%arg0: i32) -> (i32, i32, i32) {
    %c0_i32 = arith.constant 0 : i32
    %c0_i32_0 = arith.constant 0 : i32
    %c0_i32_1 = arith.constant 0 : i32
    %c0_i32_2 = arith.constant 0 : i32
    return %c0_i32, %c0_i32_0, %c0_i32_1 : i32, i32, i32
  }
  func.func @transform_5(%arg0: i32) -> (i32, i32, i32) {
    %c0_i32 = arith.constant 0 : i32
    %c0_i32_0 = arith.constant 0 : i32
    %c0_i32_1 = arith.constant 0 : i32
    %c0_i32_2 = arith.constant 0 : i32
    return %c0_i32, %c0_i32_0, %c0_i32_1 : i32, i32, i32
  }
  func.func @transform_6(%arg0: i32) -> (i32, i32, i32) {
    %c0_i32 = arith.constant 0 : i32
    %c0_i32_0 = arith.constant 0 : i32
    %c0_i32_1 = arith.constant 0 : i32
    %c0_i32_2 = arith.constant 0 : i32
    return %c0_i32, %c0_i32_0, %c0_i32_1 : i32, i32, i32
  }
  func.func @transform_7(%arg0: i32) -> (i32, i32, i32) {
    %c0_i32 = arith.constant 0 : i32
    %c0_i32_0 = arith.constant 0 : i32
    %c0_i32_1 = arith.constant 0 : i32
    %c0_i32_2 = arith.constant 0 : i32
    return %c0_i32, %c0_i32_0, %c0_i32_1 : i32, i32, i32
  }
  func.func @transform_8(%arg0: i32) -> (i32, i32, i32) {
    %c0_i32 = arith.constant 0 : i32
    %c0_i32_0 = arith.constant 0 : i32
    %c0_i32_1 = arith.constant 0 : i32
    %c0_i32_2 = arith.constant 0 : i32
    return %c0_i32, %c0_i32_0, %c0_i32_1 : i32, i32, i32
  }
  func.func @transform_9(%arg0: i32) -> (i32, i32, i32) {
    %c0_i32 = arith.constant 0 : i32
    %c0_i32_0 = arith.constant 0 : i32
    %c0_i32_1 = arith.constant 0 : i32
    %c0_i32_2 = arith.constant 0 : i32
    return %c0_i32, %c0_i32_0, %c0_i32_1 : i32, i32, i32
  }
  func.func @transform_10(%arg0: i32) -> (i32, i32, i32) {
    %c0_i32 = arith.constant 0 : i32
    %c0_i32_0 = arith.constant 0 : i32
    %c0_i32_1 = arith.constant 0 : i32
    %c0_i32_2 = arith.constant 0 : i32
    return %c0_i32, %c0_i32_0, %c0_i32_1 : i32, i32, i32
  }
  func.func @transform_11(%arg0: i32) -> (i32, i32, i32) {
    %c0_i32 = arith.constant 0 : i32
    %c0_i32_0 = arith.constant 0 : i32
    %c0_i32_1 = arith.constant 0 : i32
    %c0_i32_2 = arith.constant 0 : i32
    return %c0_i32, %c0_i32_0, %c0_i32_1 : i32, i32, i32
  }
  func.func @transform_12(%arg0: i32) -> (i32, i32, i32) {
    %c0_i32 = arith.constant 0 : i32
    %c0_i32_0 = arith.constant 0 : i32
    %c0_i32_1 = arith.constant 0 : i32
    %c0_i32_2 = arith.constant 0 : i32
    return %c0_i32, %c0_i32_0, %c0_i32_1 : i32, i32, i32
  }
  func.func @transform_13(%arg0: i32) -> (i32, i32, i32) {
    %c0_i32 = arith.constant 0 : i32
    %c0_i32_0 = arith.constant 0 : i32
    %c0_i32_1 = arith.constant 0 : i32
    %c0_i32_2 = arith.constant 0 : i32
    return %c0_i32, %c0_i32_0, %c0_i32_1 : i32, i32, i32
  }
  func.func @transform_14(%arg0: i32) -> (i32, i32, i32) {
    %c0_i32 = arith.constant 0 : i32
    %c0_i32_0 = arith.constant 0 : i32
    %c0_i32_1 = arith.constant 0 : i32
    %c0_i32_2 = arith.constant 0 : i32
    return %c0_i32, %c0_i32_0, %c0_i32_1 : i32, i32, i32
  }
  func.func @transform_15(%arg0: i32) -> (i32, i32, i32) {
    %c0_i32 = arith.constant 0 : i32
    %c0_i32_0 = arith.constant 0 : i32
    %c0_i32_1 = arith.constant 0 : i32
    %c0_i32_2 = arith.constant 0 : i32
    return %c0_i32, %c0_i32_0, %c0_i32_1 : i32, i32, i32
  }
  func.func @transform_16(%arg0: i32) -> (i32, i32, i32) {
    %c0_i32 = arith.constant 0 : i32
    %c0_i32_0 = arith.constant 0 : i32
    %c0_i32_1 = arith.constant 0 : i32
    %c0_i32_2 = arith.constant 0 : i32
    return %c0_i32, %c0_i32_0, %c0_i32_1 : i32, i32, i32
  }
  func.func @transform_17(%arg0: i32) -> (i32, i32, i32) {
    %c0_i32 = arith.constant 0 : i32
    %c0_i32_0 = arith.constant 0 : i32
    %c0_i32_1 = arith.constant 0 : i32
    %c0_i32_2 = arith.constant 0 : i32
    return %c0_i32, %c0_i32_0, %c0_i32_1 : i32, i32, i32
  }
  func.func @transform_18(%arg0: i32) -> (i32, i32, i32) {
    %c0_i32 = arith.constant 0 : i32
    %c0_i32_0 = arith.constant 0 : i32
    %c0_i32_1 = arith.constant 0 : i32
    %c0_i32_2 = arith.constant 0 : i32
    return %c0_i32, %c0_i32_0, %c0_i32_1 : i32, i32, i32
  }
  func.func @transform_19(%arg0: i32) -> (i32, i32, i32) {
    %c0_i32 = arith.constant 0 : i32
    %c0_i32_0 = arith.constant 0 : i32
    %c0_i32_1 = arith.constant 0 : i32
    %c0_i32_2 = arith.constant 0 : i32
    return %c0_i32, %c0_i32_0, %c0_i32_1 : i32, i32, i32
  }
  func.func @transform_20(%arg0: i32) -> (i32, i32, i32) {
    %c0_i32 = arith.constant 0 : i32
    %c0_i32_0 = arith.constant 0 : i32
    %c0_i32_1 = arith.constant 0 : i32
    %c0_i32_2 = arith.constant 0 : i32
    return %c0_i32, %c0_i32_0, %c0_i32_1 : i32, i32, i32
  }
  func.func @transform_21(%arg0: i32) -> (i32, i32, i32) {
    %c0_i32 = arith.constant 0 : i32
    %c0_i32_0 = arith.constant 0 : i32
    %c0_i32_1 = arith.constant 0 : i32
    %c0_i32_2 = arith.constant 0 : i32
    return %c0_i32, %c0_i32_0, %c0_i32_1 : i32, i32, i32
  }
  func.func @transform_22(%arg0: i32) -> (i32, i32) {
    %c0_i32 = arith.constant 0 : i32
    %c0_i32_0 = arith.constant 0 : i32
    %c0_i32_1 = arith.constant 0 : i32
    return %c0_i32, %c0_i32_0 : i32, i32
  }
  func.func @transform_23(%arg0: i32) -> (i32, i32) {
    %c0_i32 = arith.constant 0 : i32
    %c0_i32_0 = arith.constant 0 : i32
    %c0_i32_1 = arith.constant 0 : i32
    return %c0_i32, %c0_i32_0 : i32, i32
  }
  func.func @transform_24(%arg0: i32) -> (i32, i32) {
    %c0_i32 = arith.constant 0 : i32
    %c0_i32_0 = arith.constant 0 : i32
    %c0_i32_1 = arith.constant 0 : i32
    return %c0_i32, %c0_i32_0 : i32, i32
  }
  func.func @transform_25(%arg0: i32) -> (i32, i32) {
    %c0_i32 = arith.constant 0 : i32
    %c0_i32_0 = arith.constant 0 : i32
    %c0_i32_1 = arith.constant 0 : i32
    return %c0_i32, %c0_i32_0 : i32, i32
  }
  func.func @transform_26(%arg0: i32) -> (i32, i32) {
    %c0_i32 = arith.constant 0 : i32
    %c0_i32_0 = arith.constant 0 : i32
    %c0_i32_1 = arith.constant 0 : i32
    return %c0_i32, %c0_i32_0 : i32, i32
  }
  func.func @transform_27(%arg0: i32) -> (i32, i32) {
    %c0_i32 = arith.constant 0 : i32
    %c0_i32_0 = arith.constant 0 : i32
    %c0_i32_1 = arith.constant 0 : i32
    return %c0_i32, %c0_i32_0 : i32, i32
  }
  func.func @transform_28(%arg0: i32) -> (i32, i32) {
    %c0_i32 = arith.constant 0 : i32
    %c0_i32_0 = arith.constant 0 : i32
    %c0_i32_1 = arith.constant 0 : i32
    return %c0_i32, %c0_i32_0 : i32, i32
  }
  func.func @transform_29(%arg0: i32) -> (i32, i32) {
    %c0_i32 = arith.constant 0 : i32
    %c0_i32_0 = arith.constant 0 : i32
    %c0_i32_1 = arith.constant 0 : i32
    return %c0_i32, %c0_i32_0 : i32, i32
  }
  func.func @transform_30(%arg0: i32) -> (i32, i32, i32) {
    %c0_i32 = arith.constant 0 : i32
    %c0_i32_0 = arith.constant 0 : i32
    %c0_i32_1 = arith.constant 0 : i32
    return %arg0, %c0_i32, %c0_i32_0 : i32, i32, i32
  }
}

</mosaic_0001>

<sc_bundles>
// kernel: gather_offload_async_start.1
scs
__scs_entry_jumppad:
0x0: {  	(pc) =	sbr.rel $0x88, $3  }
0x1: {  	(tag) =	ssettag $0x0;
	lr =	simm.s32 $0x1  }
0x2: {  	[smem:$0x3F81] =	sst lr;
	_ =	strace $0xD0000000  }
0x3: {  	_ = 	snop  }
0x4: {  	_ = 	snop  }
0x5: {  	_ = 	snop  }
0x6: {  	_ = 	snop  }
0x7: {  	_ = 	snop  }
__scs_overlays_trampoline_lowered:
0x8: {  	[smem:$0x3F90] =	sst s0  }
0x9: {  	[smem:$0x3F91] =	sst s1  }
0xa: {  	[smem:$0x3F92] =	sst s2  }
0xb: {  	[smem:$0x3F93] =	sst s3  }
0xc: {  	[smem:$0x3F94] =	sst s4  }
0xd: {  	[smem:$0x3F95] =	sst s5  }
0xe: {  	[smem:$0x3F96] =	sst s6  }
0xf: {  	[smem:$0x3F97] =	sst s7  }
0x10: {  	[smem:$0x3F98] =	sst s8  }
0x11: {  	[smem:$0x3F99] =	sst s9;
	s0 =	simm.s32 @!p0 $0x0  }
0x12: {  	s1 =	sld [smem:$0x3F7F];
	s0 =	simm.s32 @p0 $0x1  }
0x13: {  	[smem:$0x3F9A] =	sst s0;
	s0 =	simm.s32 @!p1 $0x0  }
0x14: {  	s2 =	sld [smem:$0x3F7E];
	s0 =	simm.s32 @p1 $0x1  }
0x15: {  	[smem:$0x3F9B] =	sst s0;
	s0 =	simm.s32 @!p2 $0x0  }
0x16: {  	s3 =	sld [smem:$0x3FDB];
	s0 =	simm.s32 @p2 $0x1  }
0x17: {  	s4 =	simm.s32 $0x1BF5;
	[smem:$0x3F9D] =	sst s0  }
0x18: {  	s0 =	sld [smem:$0x3F80];
	_ =	swait.ge [sflag:s4], $0x0  }
0x19: {  	s7 =	sld [smem:$0x3F81]  }
0x1a: {  	s8 =	sadd.s32 $0xFFFFE003, lr  }
0x1b: {  	s9 =	sadd.s32 $0xFFFFFEF7, lr;
	s5 =	simm.s32 $0xFFFFFFFF;
	p2 =	slt.u32 s8, $0xFFFFF086  }
0x1c: {  	p1 =	slt.u32 s9, $0xF7A;
	s5 =	simm.s32 @!p2 $0x0  }
0x1d: {  	s5 =	simm.s32 @p1 $0x1;
	p0 =	seq.s32 s7, s2  }
0x1e: {  	s7 =	smul.u32 @!p0 $0xF7A, s2;
	p2 =	seq.s32 @!p0 s5, $0x0  }
0x1f: {  	s9 =	smul.u32 $0xF7A, s1;
	s8 =	simm.s32 @!p0 $0x1BF5;
	p2 =	por !p2, p0  }
0x20: {  	[sflag:s8] =	ssyncset.s32 @!p0 $0xFFFFF086;
	s6 =	sadd.s32 @!p0 s3, s7;
	s7 =	simm.s32 @!p0 $0x108  }
0x21: {  	s3 =	sadd.s32 s3, s9;
	s6 =	sadd.s32 @!p0 $0x88, s6;
	s7 =	simm.s32 @p2 $0x1082  }
0x22: {  	[simem:s7], [sflag:s8] =	dma.local @!p0 [hbm:s6], $0xF7A  }
0x23: {  	s9 =	sor.u32 $0xD0000000, s2;
	s6 =	simm.s32 $0x108;
	_ =	swait.ge @!p0 [sflag:s8], $0x0  }
0x24: {  	s3 =	sadd.s32 $0x88, s3;
	s6 =	simm.s32 @!p1 $0x1082;
	[sflag:s4] =	ssyncset.s32 $0xFFFFF086  }
0x25: {  	[simem:s6], [sflag:s4] =	dma.local [hbm:s3], $0xF7A  }
0x26: {  	[smem:$0x3F81] =	sst s1;
	(tag) =	ssettag s2;
	_ =	strace s9  }
0x27: {  	s1 =	sld [smem:$0x3F91]  }
0x28: {  	s2 =	sld [smem:$0x3F92]  }
0x29: {  	s4 =	sld [smem:$0x3F94]  }
0x2a: {  	p0 =	seq.s32 s5, $0x0;
	s5 =	sld [smem:$0x3F95]  }
0x2b: {  	s6 =	sld [smem:$0x3F96]  }
0x2c: {  	s7 =	sld [smem:$0x3F97]  }
0x2d: {  	s3 =	simm.s32 $0x108;
	s8 =	sld [smem:$0x3F98]  }
0x2e: {  	s3 =	simm.s32 @!p0 $0x1082;
	s9 =	sld [smem:$0x3F99]  }
0x2f: {  	lr =	sadd.s32 s0, s3;
	s0 =	sld [smem:$0x3F90]  }
0x30: {  	s3 =	sld [smem:$0x3F93]  }
0x31: {  	[smem:$0x3F9C] =	sst s10  }
0x32: {  	s10 =	sld [smem:$0x3F9A];
	_ =	sdelay $0x3  }
0x33: {  	p0 =	seq.s32 s10, $0x1;
	s10 =	sld [smem:$0x3F9C];
	_ =	sdelay $0x3  }
0x34: {  	[smem:$0x3F9C] =	sst s10  }
0x35: {  	s10 =	sld [smem:$0x3F9B];
	_ =	sdelay $0x3  }
0x36: {  	p1 =	seq.s32 s10, $0x1;
	s10 =	sld [smem:$0x3F9C];
	_ =	sdelay $0x3  }
0x37: {  	[smem:$0x3F9C] =	sst s10  }
0x38: {  	s10 =	sld [smem:$0x3F9D]  }
0x39: {  	_ = 	snop;
	(pc) =	sbr.ind lr, $3  }
0x3a: {  	_ = 	snop  }
0x3b: {  	_ = 	snop  }
0x3c: {  	p2 =	seq.s32 s10, $0x1;
	s10 =	sld [smem:$0x3F9C]  }
0x3d: {  	_ =	shalt  }
0x3e: {  	_ =	shalt  }
0x3f: {  	_ =	shalt  }
0x40: {  	_ =	shalt  }
0x41: {  	_ =	shalt  }
0x42: {  	_ =	shalt  }
0x43: {  	_ =	shalt  }
0x44: {  	_ =	shalt  }
0x45: {  	_ =	shalt  }
0x46: {  	_ =	shalt  }
0x47: {  	_ =	shalt  }
0x48: {  	_ =	shalt  }
0x49: {  	_ =	shalt  }
0x4a: {  	_ =	shalt  }
0x4b: {  	_ =	shalt  }
0x4c: {  	_ =	shalt  }
0x4d: {  	_ =	shalt  }
0x4e: {  	_ =	shalt  }
0x4f: {  	_ =	shalt  }
0x50: {  	_ =	shalt  }
0x51: {  	_ =	shalt  }
0x52: {  	_ =	shalt  }
0x53: {  	_ =	shalt  }
0x54: {  	_ =	shalt  }
0x55: {  	_ =	shalt  }
0x56: {  	_ =	shalt  }
0x57: {  	_ =	shalt  }
0x58: {  	_ =	shalt  }
0x59: {  	_ =	shalt  }
0x5a: {  	_ =	shalt  }
0x5b: {  	_ =	shalt  }
0x5c: {  	_ =	shalt  }
0x5d: {  	_ =	shalt  }
0x5e: {  	_ =	shalt  }
0x5f: {  	_ =	shalt  }
0x60: {  	_ =	shalt  }
0x61: {  	_ =	shalt  }
0x62: {  	_ =	shalt  }
0x63: {  	_ =	shalt  }
0x64: {  	_ =	shalt  }
0x65: {  	_ =	shalt  }
0x66: {  	_ =	shalt  }
0x67: {  	_ =	shalt  }
0x68: {  	_ =	shalt  }
0x69: {  	_ =	shalt  }
0x6a: {  	_ =	shalt  }
0x6b: {  	_ =	shalt  }
0x6c: {  	_ =	shalt  }
0x6d: {  	_ =	shalt  }
0x6e: {  	_ =	shalt  }
0x6f: {  	_ =	shalt  }
0x70: {  	_ =	shalt  }
0x71: {  	_ =	shalt  }
0x72: {  	_ =	shalt  }
0x73: {  	_ =	shalt  }
0x74: {  	_ =	shalt  }
0x75: {  	_ =	shalt  }
0x76: {  	_ =	shalt  }
0x77: {  	_ =	shalt  }
0x78: {  	_ =	shalt  }
0x79: {  	_ =	shalt  }
0x7a: {  	_ =	shalt  }
0x7b: {  	_ =	shalt  }
0x7c: {  	_ =	shalt  }
0x7d: {  	_ =	shalt  }
0x7e: {  	_ =	shalt  }
0x7f: {  	_ =	shalt  }
0x80: {  	_ =	shalt  }
0x81: {  	_ =	shalt  }
0x82: {  	_ =	shalt  }
0x83: {  	_ =	shalt  }
0x84: {  	_ =	shalt  }
0x85: {  	_ =	shalt  }
0x86: {  	_ =	shalt  }
0x87: {  	_ =	shalt  }
.Lfunc_end0:
.L_simem_size_0:
called_computation.1_lowered:
.L_overlay_start_0:
0x88: {  	s2 =	sld [smem:$0x3FD9]  }
0x89: {  	s3 =	sld [smem:$0x3FFE];
	_ =	sdelay $0x1  }
0x8a: {  	s1 =	srdreg.scid  }
0x8b: {  	s0 =	sand.u32 $0x1, s1  }
0x8c: {  	s17 =	sshll.u32 s0, $0xA;
	s2 =	sadd.s32 s3, s2  }
0x8d: {  	s2 =	sadd.s32 s2, s17  }
0x8e: {  	[smem:$0x3FA8] =	sst s2  }
0x8f: {  	_ = 	snop  }
0x90: {  	s2 =	sld [smem:$0x3FC9];
	(tm) =	ssettm $0x1  }
0x91: {  	s18 =	sld [smem:$0x3FFB];
	_ =	sdelay $0x3  }
0x92: {  	_ =	strace s18  }
0x93: {  	s3 =	sld [smem:$0x3FFC];
	_ =	sdelay $0x3  }
0x94: {  	_ =	strace s3  }
0x95: {  	s3 =	sld [smem:$0x3FFD];
	_ =	sdelay $0x3  }
0x96: {  	_ =	strace s3  }
0x97: {  	_ =	strace $0x8FFFFFFF  }
0x98: {  	s19 =	sld [smem:$0x3FDB];
	_ =	sdelay $0x1  }
0x99: {  	s4 =	simm.s32 $_scs_section_size  }
0x9a: {  	s5 =	simm.s32 $_size__tile_overlayer_lowered;
	s6 =	simm.s32 $_tile_overlayer_lowered  }
0x9b: {  	s22 =	simm.s32 $0x1BFF;
	s21 =	sshll.u32 s6, $0x1;
	s3 =	sadd.s32 s4, s19  }
0x9c: {  	s7 =	simm.s32 $0x0;
	s20 =	sshll.u32 s5, $0x1;
	s5 =	sadd.s32 s21, s3  }
0x9d: {  	[timem:s7], [sflag:s22] =	dma.local [hbm:s5], s20  }
0x9e: {  	_ =	swait.ge [sflag:s22], s20  }
0x9f: {  	s4 =	ssub.s32 $0x0, s20;
	[sflag:s22] =	ssyncset.done $0x0  }
0xa0: {  	[sflag:s22] =	ssyncadd.s32 s4;
	_ =	sdelay $0x1  }
0xa1: {  	s23 =	simm.s32 $0x1B8B  }
0xa2: {  	_ =	swait.ge [sflag:s23], $0x1  }
0xa3: {  	[sflag:s23] =	ssyncset.done $0x0  }
0xa4: {  	s25 =	simm.s32 $0x1B8E;
	s24 =	sld [smem:$0x3FFE];
	[sflag:s23] =	ssyncadd.s32 $0xFFFFFFFF  }
0xa5: {  	s26 =	simm.s32 $execute0_lowered;
	[smem:$0x3FD2] =	sst s25  }
0xa6: {  	s5 =	sshll.u32 s26, $0x1;
	_ =	strace $0x80000046;
	[dreg:$0x1] =	wrdreg $0xFFFFFFFF  }
0xa7: {  	s28 =	simm.s32 $_size_execute0_lowered;
	s3 =	sadd.s32 s3, s5;
	[dreg:$0x0] =	wrdreg $0x0  }
0xa8: {  	s5 =	sshll.u32 s28, $0x1;
	[dreg:$0x2] =	wrdreg s3  }
0xa9: {  	[dreg:$0x3] =	wrdreg s5  }
0xaa: {  	[dreg:$0x4] =	wrdreg $0xC0  }
0xab: {  	_ =	task [dreg:s7], $0x5FFFF  }
0xac: {  	[dreg:$0x1] =	wrdreg $0xFFFFFFFF  }
0xad: {  	[dreg:$0x0] =	wrdreg $0x60  }
0xae: {  	[dreg:$0x2] =	wrdreg s2  }
0xaf: {  	[dreg:$0x3] =	wrdreg s24  }
0xb0: {  	[dreg:$0x4] =	wrdreg $0x9  }
0xb1: {  	_ =	task.clear_ibuf [dreg:s7], $0x5FFFF;
	_ =	strace $0x90000046  }
0xb2: {  	s29 =	simm.s32 $0x9;
	_ =	strace $0x80000048  }
0xb3: {  	_ =	swait.ge [sflag:s29], $0x1  }
0xb4: {  	[sflag:s29] =	ssyncadd.s32 $0xFFFFFFFF  }
0xb5: {  	_ =	strace $0x90000048  }
0xb6: {  	_ =	sfence  }
0xb7: {  	s30 =	sld [smem:$0x0];
	_ =	sdelay $0x2  }
0xb8: {  	s31 =	sshll.u32 s1, $0xD;
	s1 =	sshrl.u32 s1, $0x2  }
0xb9: {  	s3 =	sand.u32 $0x4000, s31;
	s1 =	sadd.s32 s1, s30  }
0xba: {  	s0 =	sor.u32 s3, s0;
	s1 =	sshll.u32 s1, $0x11  }
0xbb: {  	s0 =	sor.u32 s1, s0  }
0xbc: {  	s0 =	sadd.s32 $0x8F2B, s0  }
0xbd: {  	[sflag:s0] =	ssyncadd.remote.s32 $0x1  }
0xbe: {  	_ =	sfence.sel $0xFFFF  }
0xbf: {  	[dreg:$0x0] =	wrdreg $0xFFFFFFFF;
	(pc) =	sbr.abs _section_cstart, $3  }
0xc0: {  	[dreg:$0x1] =	wrdreg $0xFFFFFFFF  }
0xc1: {  	_ =	task.clear_ibuf [dreg:s7], $0x2FFFF;
	_ =	strace $0x9FFFFFFF  }
0xc2: {  	(tm) =	ssettm $0x7FFFFFFF  }
0xc3: {  	_ =	shalt  }
tec
execute0_lowered:
.L_overlay_start_1:
0x0: {  	(tag) =	ssettag $0x1  }
0x1: {  	s0 =	stileid.u32;
	s1 =	srdreg.scid  }
0x2: {  	s1 =	sand.u32 $0x1, s1;
	s2 =	sshll.u32 s0, $0x1  }
0x3: {  	s1 =	sor.u32 s2, s1  }
0x4: {  	s2 =	smul.u32 $0x71A0, s1;
	_ =	sdelay $0x1  }
0x5: {  	s6 =	ssub.s32 $0x270F00, s2  }
0x6: {  	s3 =	rddreg [dreg:$0x0];
	s31 =	smulhi.u32 $0x4818C9, s6  }
0x7: {  	s8 =	rddreg [dreg:$0x1];
	s5 =	simm.s32 $0x1  }
0x8: {  	s10 =	simm.s32 $0x3;
	s13 =	simm.s32 $0x0;
	s7 =	sshrl.u32 s31, $0xA  }
0x9: {  	s12 =	simm.s32 $0x0;
	s4 =	sadd.s32 $0x89200, s8;
	s9 =	smul.u32 $0xE3400, s7  }
.Ltmp0:
0xa: {  	s8 =	sadd.s32 $0x14F200, s8;
	s1 =	rddreg [dreg:$0x2];
	(pc) =	sbr.rel .LBB2_1-.Ltmp0, $4  }
0xb: {  	_ =	strace $0x80000047;
	p0 =	sne.s32 s6, s9;
	s9 =	simm.s32 $0x1  }
0xc: {  	[sflag:s5] =	ssyncpa.u1 $0x0;
	s6 =	simm.s32 $0x2;
	s9 =	simm.s32 @!p0 $0x0  }
0xd: {  	s11 =	smov.u32 s2;
	[sflag:s6] =	ssyncpa.u1 $0x0;
	s7 =	sadd.s32 s9, s7  }
0xe: {  	vm0 =	vmmov $0xffff;
	[sflag:s10] =	ssyncpa.u1 $0x0;
	s10 =	simm.s32 $0x0;
	s9 =	sadd.s32 $0x1, s7  }
.LBB2_4:
0xf: {  	v3 =	vand.u32 $0x80, v3;
	v2 =	vadd.s32 v2, v4  }
0x10: {  	vm1 =	veq.s32 v1, $0x80000000;
	v59 =	vand.u32 $0x7F, v1;
	v61 =	vshrl.u32 v1, $0x7  }
0x11: {  	v62 =	vand.u32 $0x7FFF00, v1;
	v2 =	vor.u32 v3, v2;
	v60 =	vsel vm1, $0xFFFFFFFF, v59  }
0x12: {  	v4 =	vand.u32 $0x1, v61;
	v1 =	vsel vm1, $0xFFFFFF00, v62;
	v5 =	vand.u32 $0xFFFFFF00, v60  }
0x13: {  	v4 =	vsel vm1, $0xFFFFFFFF, v4;
	v3 =	vand.u32 $0x7F, v60;
	v1 =	vadd.s32 v1, v5  }
0x14: {  	v63 =	vand.u32 $0xFFFFFF00, v4;
	v4 =	vshll.u32 v4, $0x7;
	v1 =	vor.u32 v3, v1  }
0x15: {  	v4 =	vand.u32 $0x80, v4;
	v1 =	vadd.s32 v63, v1  }
0x16: {  	v1 =	vor.u32 v4, v1  }
0x17: {  	[tilespmem:s16], [sflag:$0x1] =	stream.indirect_vreg.gather [hbm4b:s3+s10], $0x1, v0, vm0, $0x4038;
	[tilespmem:$0x1C680] =	vst v63  }
0x18: {  	(ifvalue) =	ssetifvalue $0x7FFFFFFF  }
0x19: {  	[tilespmem:s15], [sflag:$0x1] =	stream.indirect_vreg.gather [hbm4b:s3+s10], $0x1, v2, vm0, $0x4038;
	[tilespmem:$0x1C680] =	vst v63  }
0x1a: {  	s29 =	sadd.s32 $0x10, s15;
	(ifvalue) =	ssetifvalue $0x7FFFFFFF  }
0x1b: {  	[tilespmem:s29], [sflag:$0x1] =	stream.indirect_vreg.gather [hbm4b:s3+s10], $0x1, v1, vm0, $0x4038;
	[tilespmem:$0x1C680] =	vst v63  }
0x1c: {  	_ =	swait.ge [sflag:s5], $0x71A0  }
0x1d: {  	s30 =	sshrl.u32 s13, $0x3;
	[sflag:s5] =	ssyncset.done $0x0  }
0x1e: {  	s31 =	sand.u32 $0x7, s13;
	s15 =	sadd.s32 s8, s30;
	[sflag:s5] =	ssyncadd.s32 $0xFFFF8E60  }
0x1f: {  	[hbm4b:s15+s31] =	stream.linear.scatter [tilespmem:s14], [sflag:$0x3], $0x71A0, $0x38;
	[tilespmem:$0x1C680] =	vst v63  }
.LBB2_5:
0x20: {  	s15 =	sadd.s32 $0xE3400, s11  }
0x21: {  	p1 =	sgt.s32 s15, $0x270EFF  }
0x22: {  	s15 =	smov.u32 @p1 s2;
	p1 =	sne.s32 s12, s9  }
.Ltmp1:
0x23: {  	p0 =	slt.u32 s12, $0x2;
	(pc) =	sbr.rel @!p1 .LBB2_6-.Ltmp1, $4  }
0x24: {  	s14 =	simm.s32 @!p0 $0x3  }
0x25: {  	_ =	swait.ge @!p0 [sflag:s14], $0x71A0  }
0x26: {  	s16 =	sadd.s32 $0x1, s12;
	s13 =	smov.u32 s11;
	[sflag:s14] =	ssyncset.done @!p0 $0x0  }
0x27: {  	s12 =	smov.u32 s16;
	s11 =	smov.u32 s15;
	[sflag:s14] =	ssyncadd.s32 @!p0 $0xFFFF8E60  }
.LBB2_1:
0x28: {  	p0 =	sge.u32 s12, s7  }
0x29: {  	s14 =	sxor.u32 @!p0 $0xFFFFFFFF, s12  }
0x2a: {  	s14 =	sand.u32 @!p0 $0x1, s14  }
0x2b: {  	s14 =	smul.u32 @!p0 $0x1C680, s14  }
0x2c: {  	s31 =	sadd.s32 $0xFFFFFFFF, s12;
	s15 =	sshrl.u32 @!p0 s11, $0x3  }
0x2d: {  	s16 =	sand.u32 @!p0 $0x7, s11;
	s15 =	sadd.s32 @!p0 s4, s15;
	s14 =	sshrl.u32 @!p0 s14, $0x2  }
0x2e: {  	[tilespmem:s14], [sflag:$0x2] =	stream.linear.gather @!p0 [hbm4b:s15+s16], $0x71A0, $0x38;
	[tilespmem:$0x1C680] =	vst v63  }
0x2f: {  	p0 =	sge.u32 s31, s7  }
.Ltmp2:
0x30: {  	_ = 	snop;
	(pc) =	sbr.rel @p0 .LBB2_5-.Ltmp2, $1  }
0x31: {  	_ =	sdelay $0x3  }
0x32: {  	s14 =	sand.u32 $0x1, s12  }
0x33: {  	_ =	swait.ge [sflag:s6], $0x71A0;
	p0 =	seq.s32 s14, $0x1;
	s14 =	simm.s32 $0x71A0  }
0x34: {  	[sflag:s6] =	ssyncset.done $0x0;
	s14 =	simm.s32 @!p0 $0x0  }
0x35: {  	[sflag:s6] =	ssyncadd.s32 $0xFFFF8E60;
	(ifvalue) =	ssetifvalue $0x7FFFFFFF;
	v0 =	vld.msk [tilespmem:s14+$0x0 ss:$0x1], $0xffff;
	_ =	sdelay $0x4  }
0x36: {  	s15 =	sadd.s32 $0x10, s14;
	vm1 =	veq.s32 v0, $0x80000000;
	v1 =	vand.u32 $0x7F, v0  }
0x37: {  	v2 =	vld.msk [tilespmem:s15+$0x0 ss:$0x1], $0xffff;
	v3 =	vshrl.u32 v0, $0x7;
	v0 =	vand.u32 $0x7FFF00, v0;
	v1 =	vsel vm1, $0xFFFFFFFF, v1  }
0x38: {  	v3 =	vand.u32 $0x1, v3;
	v0 =	vsel vm1, $0xFFFFFF00, v0;
	v4 =	vand.u32 $0xFFFFFF00, v1  }
0x39: {  	v3 =	vsel vm1, $0xFFFFFFFF, v3;
	v1 =	vand.u32 $0x7F, v1;
	v0 =	vadd.s32 v0, v4  }
0x3a: {  	v4 =	vand.u32 $0xFFFFFF00, v3;
	v3 =	vshll.u32 v3, $0x7;
	v0 =	vor.u32 v1, v0  }
0x3b: {  	v1 =	vand.u32 $0x80, v3;
	v0 =	vadd.s32 v4, v0  }
0x3c: {  	vm1 =	veq.s32 v2, $0x80000000;
	v3 =	vand.u32 $0x7F, v2;
	v0 =	vor.u32 v1, v0  }
0x3d: {  	v3 =	vsel vm1, $0xFFFFFFFF, v3;
	v1 =	vshrl.u32 v2, $0x7;
	v2 =	vand.u32 $0x7FFF00, v2  }
0x3e: {  	s14 =	sadd.s32 $0xE340, s14;
	s15 =	sadd.s32 $0x10, s15;
	v5 =	vand.u32 $0xFFFFFF00, v3;
	v4 =	vand.u32 $0x1, v1;
	v2 =	vsel vm1, $0xFFFFFF00, v2  }
0x3f: {  	s17 =	simm.s32 $0x20;
	s16 =	smov.u32 s14;
	v6 =	vand.u32 $0x7F, v3;
	v1 =	vld.msk [tilespmem:s15+$0x0 ss:$0x1], $0xffff;
	v4 =	vsel vm1, $0xFFFFFFFF, v4;
	v5 =	vadd.s32 v2, v5  }
0x40: {  	s18 =	sadd.s32 $0x10, s15;
	(ifvalue) =	ssetifvalue $0x7FFFFFFF;
	s15 =	sadd.s32 $0x10, s14;
	v2 =	vand.u32 $0xFFFFFF00, v4;
	v3 =	vshll.u32 v4, $0x7;
	v4 =	vor.u32 v6, v5  }
.LBB2_3:
0x41: {  	[tilespmem:s16], [sflag:$0x1] =	stream.indirect_vreg.gather [hbm4b:s3+s10], $0x1, v0, vm0, $0x4038;
	[tilespmem:$0x1C680] =	vst v63  }
0x42: {  	s17 =	sadd.s32 $0x10, s17  }
0x43: {  	v3 =	vand.u32 $0x80, v3;
	v5 =	vadd.s32 v2, v4;
	p0 =	slt.u32 s17, $0x7190  }
.Ltmp3:
0x44: {  	vm1 =	veq.s32 v1, $0x80000000;
	v4 =	vand.u32 $0x7F, v1;
	v2 =	vmovc v1;
	s16 =	smov.u32 s15;
	v0 =	vor.u32 v3, v5;
	v1 =	vld.msk [tilespmem:s18+$0x0 ss:$0x1], $0xffff;
	(pc) =	sbr.rel @p0 .LBB2_3-.Ltmp3, $4  }
0x45: {  	v3 =	vsel vm1, $0xFFFFFFFF, v4;
	v4 =	vshrl.u32 v2, $0x7;
	v2 =	vand.u32 $0x7FFF00, v2  }
0x46: {  	v4 =	vand.u32 $0x1, v4;
	v2 =	vsel vm1, $0xFFFFFF00, v2;
	v5 =	vand.u32 $0xFFFFFF00, v3  }
0x47: {  	v6 =	vand.u32 $0x7F, v3;
	v4 =	vsel vm1, $0xFFFFFFFF, v4;
	v5 =	vadd.s32 v2, v5  }
0x48: {  	s15 =	sadd.s32 $0x10, s15;
	s18 =	sadd.s32 $0x10, s18;
	v2 =	vand.u32 $0xFFFFFF00, v4;
	v3 =	vshll.u32 v4, $0x7;
	v4 =	vor.u32 v6, v5;
	(ifvalue) =	ssetifvalue $0x7FFFFFFF  }
.Ltmp4:
0x49: {  	_ = 	snop;
	(pc) =	sbr.rel .LBB2_4-.Ltmp4, $1  }
0x4a: {  	_ =	sdelay $0x3  }
.LBB2_6:
0x4b: {  	_ =	sfence.sel $0x180000  }
0x4c: {  	s2 =	simm.s32 $0x2;
	[bflag:$0x0] =	sbarrier.arrive $0xFFFF  }
0x4d: {  	s30 =	simm.s32 $0x3;
	[sflag:s2] =	ssyncpa.u1 $0x1  }
0x4e: {  	s31 =	simm.s32 $0x1;
	[sflag:s30] =	ssyncpa.u1 $0x1  }
0x4f: {  	[sflag:s31] =	ssyncpa.u1 $0x1  }
0x50: {  	p0 =	sne.s32 s0, $0x0;
	_ =	strace $0x90000047  }
0x51: {  	s0 =	sadd.s32 @!p0 $0x100000, s1;
	[bflag:$0x2] =	sbarrier.arrive $0xFFFF  }
0x52: {  	[sflag:s0] =	ssyncadd.tile.s32 @!p0 $0x1;
	_ =	shalt  }
.Lfunc_end2:
_tile_overlayer_lowered:
.L_overlay_start_2:
0x53: {  	(tag) =	ssettag $0x2  }
0x54: {  	s0 =	rddreg [dreg:$0x0];
	s2 =	stileid.u32  }
0x55: {  	s1 =	rddreg [dreg:$0x1];
	p0 =	sne.s32 s2, $0x0  }
0x56: {  	s3 =	rddreg [dreg:$0x2];
	[bflag:$0x3] =	sbarrier.arrive $0xFFFF;
	s2 =	simm.s32 @!p0 $0x1C01  }
0x57: {  	[timem:s3], [sflag:s2] =	dma.local @!p0 [hbm:s0], s1  }
0x58: {  	s0 =	simm.s32 @!p0 $0x1  }
0x59: {  	_ =	swait.ge @!p0 [sflag:s0], s1  }
0x5a: {  	s1 =	ssub.s32 @!p0 $0x0, s1;
	[sflag:s0] =	ssyncset.done @!p0 $0x0  }
0x5b: {  	[sflag:s0] =	ssyncadd.s32 @!p0 s1  }
0x5c: {  	[bflag:$0x3] =	sbarrier.arrive $0xFFFF  }
0x5d: {  	_ =	shalt  }

// kernel: gather_offload_async_start
scs
__scs_entry_jumppad:
0x0: {  	(pc) =	sbr.rel $0x88, $3  }
0x1: {  	(tag) =	ssettag $0x0;
	lr =	simm.s32 $0x1  }
0x2: {  	[smem:$0x3F81] =	sst lr;
	_ =	strace $0xD0000000  }
0x3: {  	_ = 	snop  }
0x4: {  	_ = 	snop  }
0x5: {  	_ = 	snop  }
0x6: {  	_ = 	snop  }
0x7: {  	_ = 	snop  }
__scs_overlays_trampoline_lowered:
0x8: {  	[smem:$0x3F90] =	sst s0  }
0x9: {  	[smem:$0x3F91] =	sst s1  }
0xa: {  	[smem:$0x3F92] =	sst s2  }
0xb: {  	[smem:$0x3F93] =	sst s3  }
0xc: {  	[smem:$0x3F94] =	sst s4  }
0xd: {  	[smem:$0x3F95] =	sst s5  }
0xe: {  	[smem:$0x3F96] =	sst s6  }
0xf: {  	[smem:$0x3F97] =	sst s7  }
0x10: {  	[smem:$0x3F98] =	sst s8  }
0x11: {  	[smem:$0x3F99] =	sst s9;
	s0 =	simm.s32 @!p0 $0x0  }
0x12: {  	s1 =	sld [smem:$0x3F7F];
	s0 =	simm.s32 @p0 $0x1  }
0x13: {  	[smem:$0x3F9A] =	sst s0;
	s0 =	simm.s32 @!p1 $0x0  }
0x14: {  	s2 =	sld [smem:$0x3F7E];
	s0 =	simm.s32 @p1 $0x1  }
0x15: {  	[smem:$0x3F9B] =	sst s0;
	s0 =	simm.s32 @!p2 $0x0  }
0x16: {  	s3 =	sld [smem:$0x3FDB];
	s0 =	simm.s32 @p2 $0x1  }
0x17: {  	s4 =	simm.s32 $0x1BF5;
	[smem:$0x3F9D] =	sst s0  }
0x18: {  	s0 =	sld [smem:$0x3F80];
	_ =	swait.ge [sflag:s4], $0x0  }
0x19: {  	s7 =	sld [smem:$0x3F81]  }
0x1a: {  	s8 =	sadd.s32 $0xFFFFE003, lr  }
0x1b: {  	s9 =	sadd.s32 $0xFFFFFEF7, lr;
	s5 =	simm.s32 $0xFFFFFFFF;
	p2 =	slt.u32 s8, $0xFFFFF086  }
0x1c: {  	p1 =	slt.u32 s9, $0xF7A;
	s5 =	simm.s32 @!p2 $0x0  }
0x1d: {  	s5 =	simm.s32 @p1 $0x1;
	p0 =	seq.s32 s7, s2  }
0x1e: {  	s7 =	smul.u32 @!p0 $0xF7A, s2;
	p2 =	seq.s32 @!p0 s5, $0x0  }
0x1f: {  	s9 =	smul.u32 $0xF7A, s1;
	s8 =	simm.s32 @!p0 $0x1BF5;
	p2 =	por !p2, p0  }
0x20: {  	[sflag:s8] =	ssyncset.s32 @!p0 $0xFFFFF086;
	s6 =	sadd.s32 @!p0 s3, s7;
	s7 =	simm.s32 @!p0 $0x108  }
0x21: {  	s3 =	sadd.s32 s3, s9;
	s6 =	sadd.s32 @!p0 $0x88, s6;
	s7 =	simm.s32 @p2 $0x1082  }
0x22: {  	[simem:s7], [sflag:s8] =	dma.local @!p0 [hbm:s6], $0xF7A  }
0x23: {  	s9 =	sor.u32 $0xD0000000, s2;
	s6 =	simm.s32 $0x108;
	_ =	swait.ge @!p0 [sflag:s8], $0x0  }
0x24: {  	s3 =	sadd.s32 $0x88, s3;
	s6 =	simm.s32 @!p1 $0x1082;
	[sflag:s4] =	ssyncset.s32 $0xFFFFF086  }
0x25: {  	[simem:s6], [sflag:s4] =	dma.local [hbm:s3], $0xF7A  }
0x26: {  	[smem:$0x3F81] =	sst s1;
	(tag) =	ssettag s2;
	_ =	strace s9  }
0x27: {  	s1 =	sld [smem:$0x3F91]  }
0x28: {  	s2 =	sld [smem:$0x3F92]  }
0x29: {  	s4 =	sld [smem:$0x3F94]  }
0x2a: {  	p0 =	seq.s32 s5, $0x0;
	s5 =	sld [smem:$0x3F95]  }
0x2b: {  	s6 =	sld [smem:$0x3F96]  }
0x2c: {  	s7 =	sld [smem:$0x3F97]  }
0x2d: {  	s3 =	simm.s32 $0x108;
	s8 =	sld [smem:$0x3F98]  }
0x2e: {  	s3 =	simm.s32 @!p0 $0x1082;
	s9 =	sld [smem:$0x3F99]  }
0x2f: {  	lr =	sadd.s32 s0, s3;
	s0 =	sld [smem:$0x3F90]  }
0x30: {  	s3 =	sld [smem:$0x3F93]  }
0x31: {  	[smem:$0x3F9C] =	sst s10  }
0x32: {  	s10 =	sld [smem:$0x3F9A];
	_ =	sdelay $0x3  }
0x33: {  	p0 =	seq.s32 s10, $0x1;
	s10 =	sld [smem:$0x3F9C];
	_ =	sdelay $0x3  }
0x34: {  	[smem:$0x3F9C] =	sst s10  }
0x35: {  	s10 =	sld [smem:$0x3F9B];
	_ =	sdelay $0x3  }
0x36: {  	p1 =	seq.s32 s10, $0x1;
	s10 =	sld [smem:$0x3F9C];
	_ =	sdelay $0x3  }
0x37: {  	[smem:$0x3F9C] =	sst s10  }
0x38: {  	s10 =	sld [smem:$0x3F9D]  }
0x39: {  	_ = 	snop;
	(pc) =	sbr.ind lr, $3  }
0x3a: {  	_ = 	snop  }
0x3b: {  	_ = 	snop  }
0x3c: {  	p2 =	seq.s32 s10, $0x1;
	s10 =	sld [smem:$0x3F9C]  }
0x3d: {  	_ =	shalt  }
0x3e: {  	_ =	shalt  }
0x3f: {  	_ =	shalt  }
0x40: {  	_ =	shalt  }
0x41: {  	_ =	shalt  }
0x42: {  	_ =	shalt  }
0x43: {  	_ =	shalt  }
0x44: {  	_ =	shalt  }
0x45: {  	_ =	shalt  }
0x46: {  	_ =	shalt  }
0x47: {  	_ =	shalt  }
0x48: {  	_ =	shalt  }
0x49: {  	_ =	shalt  }
0x4a: {  	_ =	shalt  }
0x4b: {  	_ =	shalt  }
0x4c: {  	_ =	shalt  }
0x4d: {  	_ =	shalt  }
0x4e: {  	_ =	shalt  }
0x4f: {  	_ =	shalt  }
0x50: {  	_ =	shalt  }
0x51: {  	_ =	shalt  }
0x52: {  	_ =	shalt  }
0x53: {  	_ =	shalt  }
0x54: {  	_ =	shalt  }
0x55: {  	_ =	shalt  }
0x56: {  	_ =	shalt  }
0x57: {  	_ =	shalt  }
0x58: {  	_ =	shalt  }
0x59: {  	_ =	shalt  }
0x5a: {  	_ =	shalt  }
0x5b: {  	_ =	shalt  }
0x5c: {  	_ =	shalt  }
0x5d: {  	_ =	shalt  }
0x5e: {  	_ =	shalt  }
0x5f: {  	_ =	shalt  }
0x60: {  	_ =	shalt  }
0x61: {  	_ =	shalt  }
0x62: {  	_ =	shalt  }
0x63: {  	_ =	shalt  }
0x64: {  	_ =	shalt  }
0x65: {  	_ =	shalt  }
0x66: {  	_ =	shalt  }
0x67: {  	_ =	shalt  }
0x68: {  	_ =	shalt  }
0x69: {  	_ =	shalt  }
0x6a: {  	_ =	shalt  }
0x6b: {  	_ =	shalt  }
0x6c: {  	_ =	shalt  }
0x6d: {  	_ =	shalt  }
0x6e: {  	_ =	shalt  }
0x6f: {  	_ =	shalt  }
0x70: {  	_ =	shalt  }
0x71: {  	_ =	shalt  }
0x72: {  	_ =	shalt  }
0x73: {  	_ =	shalt  }
0x74: {  	_ =	shalt  }
0x75: {  	_ =	shalt  }
0x76: {  	_ =	shalt  }
0x77: {  	_ =	shalt  }
0x78: {  	_ =	shalt  }
0x79: {  	_ =	shalt  }
0x7a: {  	_ =	shalt  }
0x7b: {  	_ =	shalt  }
0x7c: {  	_ =	shalt  }
0x7d: {  	_ =	shalt  }
0x7e: {  	_ =	shalt  }
0x7f: {  	_ =	shalt  }
0x80: {  	_ =	shalt  }
0x81: {  	_ =	shalt  }
0x82: {  	_ =	shalt  }
0x83: {  	_ =	shalt  }
0x84: {  	_ =	shalt  }
0x85: {  	_ =	shalt  }
0x86: {  	_ =	shalt  }
0x87: {  	_ =	shalt  }
.Lfunc_end0:
.L_simem_size_0:
called_computation_lowered:
.L_overlay_start_0:
0x88: {  	s2 =	sld [smem:$0x3FD9]  }
0x89: {  	s3 =	sld [smem:$0x3FFE];
	_ =	sdelay $0x1  }
0x8a: {  	s1 =	srdreg.scid  }
0x8b: {  	s0 =	sand.u32 $0x1, s1  }
0x8c: {  	s17 =	sshll.u32 s0, $0xA;
	s2 =	sadd.s32 s3, s2  }
0x8d: {  	s2 =	sadd.s32 s2, s17  }
0x8e: {  	[smem:$0x3FA8] =	sst s2  }
0x8f: {  	_ = 	snop  }
0x90: {  	s2 =	sld [smem:$0x3FC9];
	(tm) =	ssettm $0x1  }
0x91: {  	s18 =	sld [smem:$0x3FFB];
	_ =	sdelay $0x3  }
0x92: {  	_ =	strace s18  }
0x93: {  	s3 =	sld [smem:$0x3FFC];
	_ =	sdelay $0x3  }
0x94: {  	_ =	strace s3  }
0x95: {  	s3 =	sld [smem:$0x3FFD];
	_ =	sdelay $0x3  }
0x96: {  	_ =	strace s3  }
0x97: {  	_ =	strace $0x8FFFFFFF  }
0x98: {  	s19 =	sld [smem:$0x3FDB];
	_ =	sdelay $0x1  }
0x99: {  	s4 =	simm.s32 $_scs_section_size  }
0x9a: {  	s5 =	simm.s32 $_size__tile_overlayer_lowered;
	s6 =	simm.s32 $_tile_overlayer_lowered  }
0x9b: {  	s22 =	simm.s32 $0x1BFF;
	s21 =	sshll.u32 s6, $0x1;
	s3 =	sadd.s32 s4, s19  }
0x9c: {  	s7 =	simm.s32 $0x0;
	s20 =	sshll.u32 s5, $0x1;
	s5 =	sadd.s32 s21, s3  }
0x9d: {  	[timem:s7], [sflag:s22] =	dma.local [hbm:s5], s20  }
0x9e: {  	_ =	swait.ge [sflag:s22], s20  }
0x9f: {  	s4 =	ssub.s32 $0x0, s20;
	[sflag:s22] =	ssyncset.done $0x0  }
0xa0: {  	[sflag:s22] =	ssyncadd.s32 s4;
	_ =	sdelay $0x1  }
0xa1: {  	s23 =	simm.s32 $0x1B8B  }
0xa2: {  	_ =	swait.ge [sflag:s23], $0x1  }
0xa3: {  	[sflag:s23] =	ssyncset.done $0x0  }
0xa4: {  	s25 =	simm.s32 $0x1B8E;
	s24 =	sld [smem:$0x3FFE];
	[sflag:s23] =	ssyncadd.s32 $0xFFFFFFFF  }
0xa5: {  	s26 =	simm.s32 $execute0_lowered;
	[smem:$0x3FD2] =	sst s25  }
0xa6: {  	s5 =	sshll.u32 s26, $0x1;
	_ =	strace $0x80000049;
	[dreg:$0x1] =	wrdreg $0xFFFFFFFF  }
0xa7: {  	s28 =	simm.s32 $_size_execute0_lowered;
	s3 =	sadd.s32 s3, s5;
	[dreg:$0x0] =	wrdreg $0x0  }
0xa8: {  	s5 =	sshll.u32 s28, $0x1;
	[dreg:$0x2] =	wrdreg s3  }
0xa9: {  	[dreg:$0x3] =	wrdreg s5  }
0xaa: {  	[dreg:$0x4] =	wrdreg $0xC0  }
0xab: {  	_ =	task [dreg:s7], $0x5FFFF  }
0xac: {  	[dreg:$0x1] =	wrdreg $0xFFFFFFFF  }
0xad: {  	[dreg:$0x0] =	wrdreg $0x60  }
0xae: {  	[dreg:$0x2] =	wrdreg s2  }
0xaf: {  	[dreg:$0x3] =	wrdreg s24  }
0xb0: {  	[dreg:$0x4] =	wrdreg $0x9  }
0xb1: {  	_ =	task.clear_ibuf [dreg:s7], $0x5FFFF;
	_ =	strace $0x90000049  }
0xb2: {  	s29 =	simm.s32 $0x9;
	_ =	strace $0x8000004B  }
0xb3: {  	_ =	swait.ge [sflag:s29], $0x1  }
0xb4: {  	[sflag:s29] =	ssyncadd.s32 $0xFFFFFFFF  }
0xb5: {  	_ =	strace $0x9000004B  }
0xb6: {  	_ =	sfence  }
0xb7: {  	s30 =	sld [smem:$0x0];
	_ =	sdelay $0x2  }
0xb8: {  	s31 =	sshll.u32 s1, $0xD;
	s1 =	sshrl.u32 s1, $0x2  }
0xb9: {  	s3 =	sand.u32 $0x4000, s31;
	s1 =	sadd.s32 s1, s30  }
0xba: {  	s0 =	sor.u32 s3, s0;
	s1 =	sshll.u32 s1, $0x11  }
0xbb: {  	s0 =	sor.u32 s1, s0  }
0xbc: {  	s0 =	sadd.s32 $0x8F2B, s0  }
0xbd: {  	[sflag:s0] =	ssyncadd.remote.s32 $0x1  }
0xbe: {  	_ =	sfence.sel $0xFFFF  }
0xbf: {  	[dreg:$0x0] =	wrdreg $0xFFFFFFFF;
	(pc) =	sbr.abs _section_cstart, $3  }
0xc0: {  	[dreg:$0x1] =	wrdreg $0xFFFFFFFF  }
0xc1: {  	_ =	task.clear_ibuf [dreg:s7], $0x2FFFF;
	_ =	strace $0x9FFFFFFF  }
0xc2: {  	(tm) =	ssettm $0x7FFFFFFF  }
0xc3: {  	_ =	shalt  }
tec
execute0_lowered:
.L_overlay_start_1:
0x0: {  	(tag) =	ssettag $0x1  }
0x1: {  	s0 =	stileid.u32;
	s1 =	srdreg.scid  }
0x2: {  	s1 =	sand.u32 $0x1, s1;
	s2 =	sshll.u32 s0, $0x1  }
0x3: {  	s1 =	sor.u32 s2, s1  }
0x4: {  	s2 =	smul.u32 $0x7D00, s1;
	_ =	sdelay $0x1  }
0x5: {  	s6 =	ssub.s32 $0x271000, s2  }
0x6: {  	s3 =	rddreg [dreg:$0x0];
	s31 =	smulhi.u32 $0x83127, s6  }
0x7: {  	s8 =	rddreg [dreg:$0x1];
	s5 =	simm.s32 $0x1  }
0x8: {  	s10 =	simm.s32 $0x3;
	s13 =	simm.s32 $0x0;
	s7 =	sshrl.u32 s31, $0x7  }
0x9: {  	s12 =	simm.s32 $0x0;
	s4 =	sadd.s32 $0xFEC00, s8;
	s9 =	smul.u32 $0xFA000, s7  }
.Ltmp0:
0xa: {  	s8 =	sadd.s32 $0x89200, s8;
	s1 =	rddreg [dreg:$0x2];
	(pc) =	sbr.rel .LBB2_1-.Ltmp0, $4  }
0xb: {  	_ =	strace $0x8000004A;
	p0 =	sne.s32 s6, s9;
	s9 =	simm.s32 $0x1  }
0xc: {  	[sflag:s5] =	ssyncpa.u1 $0x0;
	s6 =	simm.s32 $0x2;
	s9 =	simm.s32 @!p0 $0x0  }
0xd: {  	s11 =	smov.u32 s2;
	[sflag:s6] =	ssyncpa.u1 $0x0;
	s7 =	sadd.s32 s9, s7  }
0xe: {  	vm0 =	vmmov $0xffff;
	[sflag:s10] =	ssyncpa.u1 $0x0;
	s10 =	simm.s32 $0x0;
	s9 =	sadd.s32 $0x1, s7  }
.LBB2_4:
0xf: {  	v3 =	vand.u32 $0x80, v3;
	v2 =	vadd.s32 v2, v4  }
0x10: {  	vm1 =	veq.s32 v1, $0x80000000;
	v59 =	vand.u32 $0x7F, v1;
	v61 =	vshrl.u32 v1, $0x7  }
0x11: {  	v62 =	vand.u32 $0x7FFF00, v1;
	v2 =	vor.u32 v3, v2;
	v60 =	vsel vm1, $0xFFFFFFFF, v59  }
0x12: {  	v4 =	vand.u32 $0x1, v61;
	v1 =	vsel vm1, $0xFFFFFF00, v62;
	v5 =	vand.u32 $0xFFFFFF00, v60  }
0x13: {  	v4 =	vsel vm1, $0xFFFFFFFF, v4;
	v3 =	vand.u32 $0x7F, v60;
	v1 =	vadd.s32 v1, v5  }
0x14: {  	v63 =	vand.u32 $0xFFFFFF00, v4;
	v4 =	vshll.u32 v4, $0x7;
	v1 =	vor.u32 v3, v1  }
0x15: {  	v4 =	vand.u32 $0x80, v4;
	v1 =	vadd.s32 v63, v1  }
0x16: {  	v1 =	vor.u32 v4, v1  }
0x17: {  	[tilespmem:s16], [sflag:$0x1] =	stream.indirect_vreg.gather [hbm4b:s3+s10], $0x1, v0, vm0, $0x4038;
	[tilespmem:$0x1F400] =	vst v63  }
0x18: {  	(ifvalue) =	ssetifvalue $0x7FFFFFFF  }
0x19: {  	[tilespmem:s15], [sflag:$0x1] =	stream.indirect_vreg.gather [hbm4b:s3+s10], $0x1, v2, vm0, $0x4038;
	[tilespmem:$0x1F400] =	vst v63  }
0x1a: {  	s29 =	sadd.s32 $0x10, s15;
	(ifvalue) =	ssetifvalue $0x7FFFFFFF  }
0x1b: {  	[tilespmem:s29], [sflag:$0x1] =	stream.indirect_vreg.gather [hbm4b:s3+s10], $0x1, v1, vm0, $0x4038;
	[tilespmem:$0x1F400] =	vst v63  }
0x1c: {  	_ =	swait.ge [sflag:s5], $0x7D00  }
0x1d: {  	s30 =	sshrl.u32 s13, $0x3;
	[sflag:s5] =	ssyncset.done $0x0  }
0x1e: {  	s31 =	sand.u32 $0x7, s13;
	s15 =	sadd.s32 s8, s30;
	[sflag:s5] =	ssyncadd.s32 $0xFFFF8300  }
0x1f: {  	[hbm4b:s15+s31] =	stream.linear.scatter [tilespmem:s14], [sflag:$0x3], $0x7D00, $0x38;
	[tilespmem:$0x1F400] =	vst v63  }
.LBB2_5:
0x20: {  	s15 =	sadd.s32 $0xFA000, s11  }
0x21: {  	p1 =	sgt.s32 s15, $0x270FFF  }
0x22: {  	s15 =	smov.u32 @p1 s2;
	p1 =	sne.s32 s12, s9  }
.Ltmp1:
0x23: {  	p0 =	slt.u32 s12, $0x2;
	(pc) =	sbr.rel @!p1 .LBB2_6-.Ltmp1, $4  }
0x24: {  	s14 =	simm.s32 @!p0 $0x3  }
0x25: {  	_ =	swait.ge @!p0 [sflag:s14], $0x7D00  }
0x26: {  	s16 =	sadd.s32 $0x1, s12;
	s13 =	smov.u32 s11;
	[sflag:s14] =	ssyncset.done @!p0 $0x0  }
0x27: {  	s12 =	smov.u32 s16;
	s11 =	smov.u32 s15;
	[sflag:s14] =	ssyncadd.s32 @!p0 $0xFFFF8300  }
.LBB2_1:
0x28: {  	p0 =	sge.u32 s12, s7  }
0x29: {  	s14 =	sxor.u32 @!p0 $0xFFFFFFFF, s12  }
0x2a: {  	s14 =	sand.u32 @!p0 $0x1, s14  }
0x2b: {  	s14 =	smul.u32 @!p0 $0x1F400, s14  }
0x2c: {  	s31 =	sadd.s32 $0xFFFFFFFF, s12;
	s15 =	sshrl.u32 @!p0 s11, $0x3  }
0x2d: {  	s16 =	sand.u32 @!p0 $0x7, s11;
	s15 =	sadd.s32 @!p0 s4, s15;
	s14 =	sshrl.u32 @!p0 s14, $0x2  }
0x2e: {  	[tilespmem:s14], [sflag:$0x2] =	stream.linear.gather @!p0 [hbm4b:s15+s16], $0x7D00, $0x38;
	[tilespmem:$0x1F400] =	vst v63  }
0x2f: {  	p0 =	sge.u32 s31, s7  }
.Ltmp2:
0x30: {  	_ = 	snop;
	(pc) =	sbr.rel @p0 .LBB2_5-.Ltmp2, $1  }
0x31: {  	_ =	sdelay $0x3  }
0x32: {  	s14 =	sand.u32 $0x1, s12  }
0x33: {  	_ =	swait.ge [sflag:s6], $0x7D00;
	p0 =	seq.s32 s14, $0x1;
	s14 =	simm.s32 $0x7D00  }
0x34: {  	[sflag:s6] =	ssyncset.done $0x0;
	s14 =	simm.s32 @!p0 $0x0  }
0x35: {  	[sflag:s6] =	ssyncadd.s32 $0xFFFF8300;
	(ifvalue) =	ssetifvalue $0x7FFFFFFF;
	v0 =	vld.msk [tilespmem:s14+$0x0 ss:$0x1], $0xffff;
	_ =	sdelay $0x4  }
0x36: {  	s15 =	sadd.s32 $0x10, s14;
	vm1 =	veq.s32 v0, $0x80000000;
	v1 =	vand.u32 $0x7F, v0  }
0x37: {  	v2 =	vld.msk [tilespmem:s15+$0x0 ss:$0x1], $0xffff;
	v3 =	vshrl.u32 v0, $0x7;
	v0 =	vand.u32 $0x7FFF00, v0;
	v1 =	vsel vm1, $0xFFFFFFFF, v1  }
0x38: {  	v3 =	vand.u32 $0x1, v3;
	v0 =	vsel vm1, $0xFFFFFF00, v0;
	v4 =	vand.u32 $0xFFFFFF00, v1  }
0x39: {  	v3 =	vsel vm1, $0xFFFFFFFF, v3;
	v1 =	vand.u32 $0x7F, v1;
	v0 =	vadd.s32 v0, v4  }
0x3a: {  	v4 =	vand.u32 $0xFFFFFF00, v3;
	v3 =	vshll.u32 v3, $0x7;
	v0 =	vor.u32 v1, v0  }
0x3b: {  	v1 =	vand.u32 $0x80, v3;
	v0 =	vadd.s32 v4, v0  }
0x3c: {  	vm1 =	veq.s32 v2, $0x80000000;
	v3 =	vand.u32 $0x7F, v2;
	v0 =	vor.u32 v1, v0  }
0x3d: {  	v3 =	vsel vm1, $0xFFFFFFFF, v3;
	v1 =	vshrl.u32 v2, $0x7;
	v2 =	vand.u32 $0x7FFF00, v2  }
0x3e: {  	s14 =	sadd.s32 $0xFA00, s14;
	s15 =	sadd.s32 $0x10, s15;
	v5 =	vand.u32 $0xFFFFFF00, v3;
	v4 =	vand.u32 $0x1, v1;
	v2 =	vsel vm1, $0xFFFFFF00, v2  }
0x3f: {  	s17 =	simm.s32 $0x20;
	s16 =	smov.u32 s14;
	v6 =	vand.u32 $0x7F, v3;
	v1 =	vld.msk [tilespmem:s15+$0x0 ss:$0x1], $0xffff;
	v4 =	vsel vm1, $0xFFFFFFFF, v4;
	v5 =	vadd.s32 v2, v5  }
0x40: {  	s18 =	sadd.s32 $0x10, s15;
	(ifvalue) =	ssetifvalue $0x7FFFFFFF;
	s15 =	sadd.s32 $0x10, s14;
	v2 =	vand.u32 $0xFFFFFF00, v4;
	v3 =	vshll.u32 v4, $0x7;
	v4 =	vor.u32 v6, v5  }
.LBB2_3:
0x41: {  	[tilespmem:s16], [sflag:$0x1] =	stream.indirect_vreg.gather [hbm4b:s3+s10], $0x1, v0, vm0, $0x4038;
	[tilespmem:$0x1F400] =	vst v63  }
0x42: {  	s17 =	sadd.s32 $0x10, s17  }
0x43: {  	v3 =	vand.u32 $0x80, v3;
	v5 =	vadd.s32 v2, v4;
	p0 =	slt.u32 s17, $0x7CF0  }
.Ltmp3:
0x44: {  	vm1 =	veq.s32 v1, $0x80000000;
	v4 =	vand.u32 $0x7F, v1;
	v2 =	vmovc v1;
	s16 =	smov.u32 s15;
	v0 =	vor.u32 v3, v5;
	v1 =	vld.msk [tilespmem:s18+$0x0 ss:$0x1], $0xffff;
	(pc) =	sbr.rel @p0 .LBB2_3-.Ltmp3, $4  }
0x45: {  	v3 =	vsel vm1, $0xFFFFFFFF, v4;
	v4 =	vshrl.u32 v2, $0x7;
	v2 =	vand.u32 $0x7FFF00, v2  }
0x46: {  	v4 =	vand.u32 $0x1, v4;
	v2 =	vsel vm1, $0xFFFFFF00, v2;
	v5 =	vand.u32 $0xFFFFFF00, v3  }
0x47: {  	v6 =	vand.u32 $0x7F, v3;
	v4 =	vsel vm1, $0xFFFFFFFF, v4;
	v5 =	vadd.s32 v2, v5  }
0x48: {  	s15 =	sadd.s32 $0x10, s15;
	s18 =	sadd.s32 $0x10, s18;
	v2 =	vand.u32 $0xFFFFFF00, v4;
	v3 =	vshll.u32 v4, $0x7;
	v4 =	vor.u32 v6, v5;
	(ifvalue) =	ssetifvalue $0x7FFFFFFF  }
.Ltmp4:
0x49: {  	_ = 	snop;
	(pc) =	sbr.rel .LBB2_4-.Ltmp4, $1  }
0x4a: {  	_ =	sdelay $0x3  }
.LBB2_6:
0x4b: {  	_ =	sfence.sel $0x180000  }
0x4c: {  	s2 =	simm.s32 $0x2;
	[bflag:$0x0] =	sbarrier.arrive $0xFFFF  }
0x4d: {  	s30 =	simm.s32 $0x3;
	[sflag:s2] =	ssyncpa.u1 $0x1  }
0x4e: {  	s31 =	simm.s32 $0x1;
	[sflag:s30] =	ssyncpa.u1 $0x1  }
0x4f: {  	[sflag:s31] =	ssyncpa.u1 $0x1  }
0x50: {  	p0 =	sne.s32 s0, $0x0;
	_ =	strace $0x9000004A  }
0x51: {  	s0 =	sadd.s32 @!p0 $0x100000, s1;
	[bflag:$0x2] =	sbarrier.arrive $0xFFFF  }
0x52: {  	[sflag:s0] =	ssyncadd.tile.s32 @!p0 $0x1;
	_ =	shalt  }
.Lfunc_end2:
_tile_overlayer_lowered:
.L_overlay_start_2:
0x53: {  	(tag) =	ssettag $0x2  }
0x54: {  	s0 =	rddreg [dreg:$0x0];
	s2 =	stileid.u32  }
0x55: {  	s1 =	rddreg [dreg:$0x1];
	p0 =	sne.s32 s2, $0x0  }
0x56: {  	s3 =	rddreg [dreg:$0x2];
	[bflag:$0x3] =	sbarrier.arrive $0xFFFF;
	s2 =	simm.s32 @!p0 $0x1C01  }
0x57: {  	[timem:s3], [sflag:s2] =	dma.local @!p0 [hbm:s0], s1  }
0x58: {  	s0 =	simm.s32 @!p0 $0x1  }
0x59: {  	_ =	swait.ge @!p0 [sflag:s0], s1  }
0x5a: {  	s1 =	ssub.s32 @!p0 $0x0, s1;
	[sflag:s0] =	ssyncset.done @!p0 $0x0  }
0x5b: {  	[sflag:s0] =	ssyncadd.s32 @!p0 s1  }
0x5c: {  	[bflag:$0x3] =	sbarrier.arrive $0xFFFF  }
0x5d: {  	_ =	shalt  }

</sc_bundles>
